<compile_context>
chip_gen: v7x
topology: tpu7x:2x2x1
jax: 0.10.2.dev20260603
libtpu: 0.0.44.dev20260713+nightly
codegen_flags: <defaults>
</compile_context>

<pallas_src>
import jax
import jax.numpy as jnp
from jax import lax
from jax.experimental import pallas as pl
from jax.experimental.pallas import tpu as pltpu
from jax.experimental.pallas import tpu_sc as plsc

_NUM_USERS = 1000000
_NUM_ITEMS = 1000000
_EMBED_DIM = 32
_TRAIN_INTERACTION_SIZE = 100000000
_WEIGHT_DECAY = 1e-4
_BATCH = 16384

_NC = 2
_NS = 16
_NW = _NC * _NS
_BPW = _BATCH // _NW
_RPW = _BPW * _EMBED_DIM // 128

_SPARSITY = _TRAIN_INTERACTION_SIZE / (_NUM_USERS * _NUM_ITEMS)
_BPR_SCALE = 1.0 / (_NUM_USERS * _SPARSITY * _BATCH)
_REG_SCALE = _WEIGHT_DECAY * 0.5 / _BATCH


def _sc_body(users_hbm, pos_hbm, neg_hbm, uemb_hbm, iemb_hbm, pop_hbm,
             urows_out, prows_out, nrows_out, alpha_out,
             uidx_v, pidx_v, nidx_v, urows_v, prows_v, nrows_v, alpha_v,
             sem_u, sem_p, sem_n, sem_a):
    wid = lax.axis_index("s") * _NC + lax.axis_index("c")
    base = wid * _BPW

    pltpu.sync_copy(users_hbm.at[pl.ds(base, _BPW)], uidx_v)
    pltpu.sync_copy(pos_hbm.at[pl.ds(base, _BPW)], pidx_v)
    pltpu.sync_copy(neg_hbm.at[pl.ds(base, _BPW)], nidx_v)

    def issue(g, carry):
        iu_vec = uidx_v[pl.ds(g * 16, 16)]
        ip_vec = pidx_v[pl.ds(g * 16, 16)]
        iq_vec = nidx_v[pl.ds(g * 16, 16)]
        pltpu.async_copy(pop_hbm.at[iq_vec],
                         alpha_v.at[g // 8, pl.ds((g % 8) * 16, 16)], sem_a)
        for k in range(16):
            b = g * 16 + k
            iu = iu_vec[k]
            ip = ip_vec[k]
            iq = iq_vec[k]
            r = b // 4
            c = (b % 4) * _EMBED_DIM
            pltpu.async_copy(uemb_hbm.at[iu],
                             urows_v.at[r, pl.ds(c, _EMBED_DIM)], sem_u)
            pltpu.async_copy(iemb_hbm.at[ip],
                             prows_v.at[r, pl.ds(c, _EMBED_DIM)], sem_p)
            pltpu.async_copy(iemb_hbm.at[iq],
                             nrows_v.at[r, pl.ds(c, _EMBED_DIM)], sem_n)
        return carry

    lax.fori_loop(0, _BPW // 16, issue, 0)

    pltpu.make_async_copy(urows_out.at[pl.ds(0, _RPW), :], urows_v,
                          sem_u).wait()
    pltpu.make_async_copy(prows_out.at[pl.ds(0, _RPW), :], prows_v,
                          sem_p).wait()
    pltpu.make_async_copy(nrows_out.at[pl.ds(0, _RPW), :], nrows_v,
                          sem_n).wait()
    pltpu.make_async_copy(urows_out.at[pl.ds(0, _BPW // 128), :], alpha_v,
                          sem_a).wait()

    out_base = wid * _RPW
    pltpu.sync_copy(urows_v, urows_out.at[pl.ds(out_base, _RPW)])
    pltpu.sync_copy(prows_v, prows_out.at[pl.ds(out_base, _RPW)])
    pltpu.sync_copy(nrows_v, nrows_out.at[pl.ds(out_base, _RPW)])
    pltpu.sync_copy(alpha_v, alpha_out.at[pl.ds(wid * (_BPW // 128),
                                                _BPW // 128)])


_sc_gather = pl.kernel(
    _sc_body,
    out_type=[
        jax.ShapeDtypeStruct((_NW * _RPW, 128), jnp.float32),
        jax.ShapeDtypeStruct((_NW * _RPW, 128), jnp.float32),
        jax.ShapeDtypeStruct((_NW * _RPW, 128), jnp.float32),
        jax.ShapeDtypeStruct((_BATCH // 128, 128), jnp.float32),
    ],
    mesh=plsc.VectorSubcoreMesh(core_axis_name="c", subcore_axis_name="s"),
    scratch_types=[
        pltpu.VMEM((_BPW,), jnp.int32),
        pltpu.VMEM((_BPW,), jnp.int32),
        pltpu.VMEM((_BPW,), jnp.int32),
        pltpu.VMEM((_RPW, 128), jnp.float32),
        pltpu.VMEM((_RPW, 128), jnp.float32),
        pltpu.VMEM((_RPW, 128), jnp.float32),
        pltpu.VMEM((_BPW // 128, 128), jnp.float32),
        pltpu.SemaphoreType.DMA,
        pltpu.SemaphoreType.DMA,
        pltpu.SemaphoreType.DMA,
        pltpu.SemaphoreType.DMA,
    ],
)


def _loss_body(u_ref, p_ref, n_ref, a_ref, out_ref):
    u = u_ref[...]
    p = p_ref[...]
    q = n_ref[...]
    x = u * (q - p)
    rows = lax.broadcasted_iota(jnp.int32, (128, 4), 0) // _EMBED_DIM
    cols = lax.broadcasted_iota(jnp.int32, (128, 4), 1)
    seg = (rows == cols).astype(jnp.float32)
    d4 = jnp.dot(x, seg, preferred_element_type=jnp.float32)
    sp = jnp.maximum(d4, 0.0) + jnp.log(1.0 + jnp.exp(-jnp.abs(d4)))
    wb = jnp.sum(a_ref[...] * sp)
    ssq = jnp.sum(u * u) + jnp.sum(p * p) + jnp.sum(q * q)
    out_ref[0, 0] = wb * _BPR_SCALE + ssq * _REG_SCALE


_loss_call = pl.pallas_call(
    _loss_body,
    out_shape=jax.ShapeDtypeStruct((1, 1), jnp.float32),
    in_specs=[
        pl.BlockSpec(memory_space=pltpu.VMEM),
        pl.BlockSpec(memory_space=pltpu.VMEM),
        pl.BlockSpec(memory_space=pltpu.VMEM),
        pl.BlockSpec(memory_space=pltpu.VMEM),
    ],
    out_specs=pl.BlockSpec(memory_space=pltpu.SMEM),
)


def kernel(users, positive_items, negative_items, user_embedding,
           item_embedding, popularity):
    urows, prows, nrows, alpha = _sc_gather(
        users, positive_items, negative_items,
        user_embedding, item_embedding, popularity)
    alpha4 = alpha.reshape(_BATCH).reshape(_BATCH // 4, 4)
    loss = _loss_call(urows, prows, nrows, alpha4)
    return loss[0, 0]

# --- scband reference (transcript-rebuilt; emitter-appended) ---
"""Pipeline reference for scband-one-class-mf-31147102830636 (READ-ONLY COPY).

The authoritative reference and input builder live on the scoring server;
editing this copy changes nothing except your own understanding.
"""

import jax, jax.numpy as jnp
import numpy as np

NUM_USERS = 1000000
NUM_ITEMS = 1000000
EMBED_DIM = 32
TRAIN_INTERACTION_SIZE = 100000000
WEIGHT_DECAY = 1e-4
BATCH = 16384


def setup_inputs(seed: int = 0) -> dict:
    key = jax.random.key(seed)
    k1, k2, k3, k4, k5, k6 = jax.random.split(key, 6)
    users = jax.random.randint(k1, (BATCH,), 0, NUM_USERS, dtype=jnp.int64) if jax.config.jax_enable_x64 else jax.random.randint(k1, (BATCH,), 0, NUM_USERS).astype(jnp.int32)
    positive_items = jax.random.randint(k2, (BATCH,), 0, NUM_ITEMS).astype(users.dtype)
    negative_items = jax.random.randint(k3, (BATCH,), 0, NUM_ITEMS).astype(users.dtype)
    stdv = 1.0 / np.sqrt(EMBED_DIM)
    user_embedding = jax.random.uniform(k4, (NUM_USERS, EMBED_DIM), dtype=jnp.float32, minval=-stdv, maxval=stdv)
    item_embedding = jax.random.uniform(k5, (NUM_ITEMS, EMBED_DIM), dtype=jnp.float32, minval=-stdv, maxval=stdv)
    # popularity: per-item interaction counts (dataset statistic, non-learned)
    popularity = jax.random.randint(k6, (NUM_ITEMS,), 1, 5000).astype(jnp.float32)
    return {
        'users': users,
        'positive_items': positive_items,
        'negative_items': negative_items,
        'user_embedding': user_embedding,
        'item_embedding': item_embedding,
        'popularity': popularity,
    }


def reference(users, positive_items, negative_items, user_embedding, item_embedding, popularity):
    users_embed_origin = jnp.take(user_embedding, users, axis=0)
    positive_embed_origin = jnp.take(item_embedding, positive_items, axis=0)
    negative_embed_origin = jnp.take(item_embedding, negative_items, axis=0)

    regular_loss = 0.5 * (
        jnp.sum(users_embed_origin ** 2)
        + jnp.sum(positive_embed_origin ** 2)
        + jnp.sum(negative_embed_origin ** 2)
    ) / float(users.shape[0])

    positive_scores = jnp.sum(users_embed_origin * positive_embed_origin, axis=-1)
    negative_scores = jnp.sum(users_embed_origin * negative_embed_origin, axis=-1)

    sparsity = TRAIN_INTERACTION_SIZE / (NUM_USERS * NUM_ITEMS)
    popularity_percent = popularity / NUM_USERS
    alpha = jnp.take(popularity_percent, negative_items, axis=0)

    bpr_loss = jax.nn.softplus(negative_scores - positive_scores)
    weight_bpr_loss = jnp.mean((alpha / sparsity) * bpr_loss)
    loss = weight_bpr_loss + WEIGHT_DECAY * regular_loss
    return loss

if __name__ == "__main__":
    import jax
    _d = setup_inputs()
    print(jax.jit(kernel)(*tuple(_d.values())))

</pallas_src>

<mosaic_0001>
#map = affine_map<(d0, d1) -> (0)>
#map1 = affine_map<(d0, d1) -> (0, 0)>
module attributes {stable_mosaic.version = 14 : i64} {
  func.func @_sc_body(%arg0: i32, %arg1: i32, %arg2: memref<16384xi32, #tpu.memory_space<hbm>>, %arg3: memref<16384xi32, #tpu.memory_space<hbm>>, %arg4: memref<16384xi32, #tpu.memory_space<hbm>>, %arg5: memref<1000000x32xf32, #tpu.memory_space<hbm>>, %arg6: memref<1000000x32xf32, #tpu.memory_space<hbm>>, %arg7: memref<1000000xf32, #tpu.memory_space<hbm>>, %arg8: memref<4096x128xf32, #tpu.memory_space<hbm>>, %arg9: memref<4096x128xf32, #tpu.memory_space<hbm>>, %arg10: memref<4096x128xf32, #tpu.memory_space<hbm>>, %arg11: memref<128x128xf32, #tpu.memory_space<hbm>>, %arg12: memref<512xi32, #tpu.memory_space<vmem>>, %arg13: memref<512xi32, #tpu.memory_space<vmem>>, %arg14: memref<512xi32, #tpu.memory_space<vmem>>, %arg15: memref<128x128xf32, #tpu.memory_space<vmem>>, %arg16: memref<128x128xf32, #tpu.memory_space<vmem>>, %arg17: memref<128x128xf32, #tpu.memory_space<vmem>>, %arg18: memref<4x128xf32, #tpu.memory_space<vmem>>, %arg19: memref<!tpu.dma_semaphore, #tpu.memory_space<semaphore_mem>>, %arg20: memref<!tpu.dma_semaphore, #tpu.memory_space<semaphore_mem>>, %arg21: memref<!tpu.dma_semaphore, #tpu.memory_space<semaphore_mem>>, %arg22: memref<!tpu.dma_semaphore, #tpu.memory_space<semaphore_mem>>) attributes {dimension_semantics = [#tpu.dimension_semantics<core_parallel>, #tpu.dimension_semantics<subcore_parallel>], iteration_bounds = array<i64: 2, 16>, scalar_prefetch = 0 : i64, scratch_operands = 11 : i64, tpu.core_type = #tpu.core_type<sc_vector_subcore>, window_params = [{transform_indices = #map}, {transform_indices = #map}, {transform_indices = #map}, {transform_indices = #map1}, {transform_indices = #map1}, {transform_indices = #map}, {transform_indices = #map1}, {transform_indices = #map1}, {transform_indices = #map1}, {transform_indices = #map1}]} {
    %mul3A = arith.constant 2 : i32
    %mul3A_0 = arith.muli %arg1, %mul3A : i32
    %add3A = arith.addi %mul3A_0, %arg0 : i32
    %mul3A_1 = arith.constant 512 : i32
    %mul3A_2 = arith.muli %add3A, %mul3A_1 : i32
    "tpu.region"() ({
      %run_scoped3A = tpu.sem_alloc : memref<!tpu.dma_semaphore, #tpu.memory_space<semaphore_mem>>
      %dma_start3A = tpu.memref_slice %arg2[%mul3A_2] : memref<16384xi32, #tpu.memory_space<hbm>> -> memref<512xi32, #tpu.memory_space<hbm>>
      %dma_start3A_35 = tpu.memref_slice %arg2[%mul3A_2] : memref<16384xi32, #tpu.memory_space<hbm>> -> memref<512xi32, #tpu.memory_space<hbm>>
      tpu.enqueue_dma source(%dma_start3A_35 : memref<512xi32, #tpu.memory_space<hbm>>) target(%arg12 : memref<512xi32, #tpu.memory_space<vmem>>) target_semaphore(%run_scoped3A : memref<!tpu.dma_semaphore, #tpu.memory_space<semaphore_mem>>)
      %dma_wait3A_36 = tpu.memref_slice %arg2[%mul3A_2] : memref<16384xi32, #tpu.memory_space<hbm>> -> memref<512xi32, #tpu.memory_space<hbm>>
      %dma_wait3A_37 = tpu.memref_slice %arg2[%mul3A_2] : memref<16384xi32, #tpu.memory_space<hbm>> -> memref<512xi32, #tpu.memory_space<hbm>>
      tpu.wait_dma2 semaphore(%run_scoped3A : memref<!tpu.dma_semaphore, #tpu.memory_space<semaphore_mem>>) src(%dma_wait3A_37 : memref<512xi32, #tpu.memory_space<hbm>>) dst(%arg12 : memref<512xi32, #tpu.memory_space<vmem>>)
      tpu.yield
    }) : () -> ()
    "tpu.region"() ({
      %run_scoped3A = tpu.sem_alloc : memref<!tpu.dma_semaphore, #tpu.memory_space<semaphore_mem>>
      %dma_start3A = tpu.memref_slice %arg3[%mul3A_2] : memref<16384xi32, #tpu.memory_space<hbm>> -> memref<512xi32, #tpu.memory_space<hbm>>
      %dma_start3A_35 = tpu.memref_slice %arg3[%mul3A_2] : memref<16384xi32, #tpu.memory_space<hbm>> -> memref<512xi32, #tpu.memory_space<hbm>>
      tpu.enqueue_dma source(%dma_start3A_35 : memref<512xi32, #tpu.memory_space<hbm>>) target(%arg13 : memref<512xi32, #tpu.memory_space<vmem>>) target_semaphore(%run_scoped3A : memref<!tpu.dma_semaphore, #tpu.memory_space<semaphore_mem>>)
      %dma_wait3A_36 = tpu.memref_slice %arg3[%mul3A_2] : memref<16384xi32, #tpu.memory_space<hbm>> -> memref<512xi32, #tpu.memory_space<hbm>>
      %dma_wait3A_37 = tpu.memref_slice %arg3[%mul3A_2] : memref<16384xi32, #tpu.memory_space<hbm>> -> memref<512xi32, #tpu.memory_space<hbm>>
      tpu.wait_dma2 semaphore(%run_scoped3A : memref<!tpu.dma_semaphore, #tpu.memory_space<semaphore_mem>>) src(%dma_wait3A_37 : memref<512xi32, #tpu.memory_space<hbm>>) dst(%arg13 : memref<512xi32, #tpu.memory_space<vmem>>)
      tpu.yield
    }) : () -> ()
    "tpu.region"() ({
      %run_scoped3A = tpu.sem_alloc : memref<!tpu.dma_semaphore, #tpu.memory_space<semaphore_mem>>
      %dma_start3A = tpu.memref_slice %arg4[%mul3A_2] : memref<16384xi32, #tpu.memory_space<hbm>> -> memref<512xi32, #tpu.memory_space<hbm>>
      %dma_start3A_35 = tpu.memref_slice %arg4[%mul3A_2] : memref<16384xi32, #tpu.memory_space<hbm>> -> memref<512xi32, #tpu.memory_space<hbm>>
      tpu.enqueue_dma source(%dma_start3A_35 : memref<512xi32, #tpu.memory_space<hbm>>) target(%arg14 : memref<512xi32, #tpu.memory_space<vmem>>) target_semaphore(%run_scoped3A : memref<!tpu.dma_semaphore, #tpu.memory_space<semaphore_mem>>)
      %dma_wait3A_36 = tpu.memref_slice %arg4[%mul3A_2] : memref<16384xi32, #tpu.memory_space<hbm>> -> memref<512xi32, #tpu.memory_space<hbm>>
      %dma_wait3A_37 = tpu.memref_slice %arg4[%mul3A_2] : memref<16384xi32, #tpu.memory_space<hbm>> -> memref<512xi32, #tpu.memory_space<hbm>>
      tpu.wait_dma2 semaphore(%run_scoped3A : memref<!tpu.dma_semaphore, #tpu.memory_space<semaphore_mem>>) src(%dma_wait3A_37 : memref<512xi32, #tpu.memory_space<hbm>>) dst(%arg14 : memref<512xi32, #tpu.memory_space<vmem>>)
      tpu.yield
    }) : () -> ()
    %scan3A = arith.constant 0 : i32
    %scan3A_3 = arith.constant 0 : i32
    %scan3A_4 = arith.constant 32 : i32
    %scan3A_5 = arith.addi %scan3A_3, %scan3A_4 : i32
    %scan3A_6 = arith.constant 1 : i32
    scf.for %scan3A_35 = %scan3A_3 to %scan3A_5 step %scan3A_6  : i32 {
      %mul3A_36 = arith.constant 16 : i32
      %mul3A_37 = arith.muli %scan3A_35, %mul3A_36 : i32
      %get3A = arith.index_cast %mul3A_37 : i32 to index
      %get3A_38 = tpu.vector_load %arg12[%get3A] {strides = array<i32>} : memref<512xi32, #tpu.memory_space<vmem>>, vector<16xi32>,
      %get3A_39 = vector.shape_cast %get3A_38 : vector<16xi32> to vector<16xi32>
      %mul3A_40 = arith.constant 16 : i32
      %mul3A_41 = arith.muli %scan3A_35, %mul3A_40 : i32
      %get3A_42 = arith.index_cast %mul3A_41 : i32 to index
      %get3A_43 = tpu.vector_load %arg13[%get3A_42] {strides = array<i32>} : memref<512xi32, #tpu.memory_space<vmem>>, vector<16xi32>,
      %get3A_44 = vector.shape_cast %get3A_43 : vector<16xi32> to vector<16xi32>
      %mul3A_45 = arith.constant 16 : i32
      %mul3A_46 = arith.muli %scan3A_35, %mul3A_45 : i32
      %get3A_47 = arith.index_cast %mul3A_46 : i32 to index
      %get3A_48 = tpu.vector_load %arg14[%get3A_47] {strides = array<i32>} : memref<512xi32, #tpu.memory_space<vmem>>, vector<16xi32>,
      %get3A_49 = vector.shape_cast %get3A_48 : vector<16xi32> to vector<16xi32>
      %jit3A = arith.constant 8 : i32
      %div3A = arith.divsi %scan3A_35, %jit3A : i32
      %sign3A = arith.constant 0 : i32
      %sign3A_50 = arith.cmpi sgt, %scan3A_35, %sign3A : i32
      %sign3A_51 = arith.extui %sign3A_50 : i1 to i32
      %sign3A_52 = arith.constant 0 : i32
      %sign3A_53 = arith.cmpi slt, %scan3A_35, %sign3A_52 : i32
      %sign3A_54 = arith.extui %sign3A_53 : i1 to i32
      %sign3A_55 = arith.subi %sign3A_51, %sign3A_54 : i32
      %sign3A_56 = arith.constant 0 : i32
      %sign3A_57 = arith.cmpi sgt, %jit3A, %sign3A_56 : i32
      %sign3A_58 = arith.extui %sign3A_57 : i1 to i32
      %sign3A_59 = arith.constant 0 : i32
      %sign3A_60 = arith.cmpi slt, %jit3A, %sign3A_59 : i32
      %sign3A_61 = arith.extui %sign3A_60 : i1 to i32
      %sign3A_62 = arith.subi %sign3A_58, %sign3A_61 : i32
      %ne3A = arith.cmpi ne, %sign3A_55, %sign3A_62 : i32
      %rem3A = arith.remsi %scan3A_35, %jit3A : i32
      %ne3A_63 = arith.constant 0 : i32
      %ne3A_64 = arith.cmpi ne, %rem3A, %ne3A_63 : i32
      %and3A = arith.andi %ne3A, %ne3A_64 : i1
      %sub3A = arith.constant 1 : i32
      %sub3A_65 = arith.subi %div3A, %sub3A : i32
      %select_n3A = arith.select %and3A, %sub3A_65, %div3A : i32
      %jit3A_66 = arith.constant 8 : i32
      %eq3A = arith.constant 0 : i32
      %eq3A_67 = arith.cmpi eq, %jit3A_66, %eq3A : i32
      %jit3A_68 = arith.constant 1 : i32
      %select_n3A_69 = arith.select %eq3A_67, %jit3A_68, %jit3A_66 : i32
      %rem3A_70 = arith.remsi %scan3A_35, %select_n3A_69 : i32
      %ne3A_71 = arith.constant 0 : i32
      %ne3A_72 = arith.cmpi ne, %rem3A_70, %ne3A_71 : i32
      %lt3A = arith.constant 0 : i32
      %lt3A_73 = arith.cmpi slt, %rem3A_70, %lt3A : i32
      %lt3A_74 = arith.constant 0 : i32
      %lt3A_75 = arith.cmpi slt, %select_n3A_69, %lt3A_74 : i32
      %ne3A_76 = arith.xori %lt3A_73, %lt3A_75 : i1
      %and3A_77 = arith.andi %ne3A_76, %ne3A_72 : i1
      %add3A_78 = arith.addi %rem3A_70, %select_n3A_69 : i32
      %select_n3A_79 = arith.select %and3A_77, %add3A_78, %rem3A_70 : i32
      %mul3A_80 = arith.constant 16 : i32
      %mul3A_81 = arith.muli %select_n3A_79, %mul3A_80 : i32
      %dma_start3A = tpu.memref_slice %arg18[%select_n3A, %mul3A_81] : memref<4x128xf32, #tpu.memory_space<vmem>> -> memref<1x16xf32, #tpu.memory_space<vmem>>
      %dma_start3A_82 = tpu.memref_squeeze %dma_start3A : memref<1x16xf32, #tpu.memory_space<vmem>> -> memref<16xf32, #tpu.memory_space<vmem>>
      %dma_start3A_83 = arith.constant 0 : i32
      %dma_start3A_84 = tpu.memref_slice %arg7[%dma_start3A_83] : memref<1000000xf32, #tpu.memory_space<hbm>> -> memref<1000000xf32, #tpu.memory_space<hbm>>
      tpu.enqueue_indirect_dma source(%dma_start3A_84 : memref<1000000xf32, #tpu.memory_space<hbm>>) target(%dma_start3A_82 : memref<16xf32, #tpu.memory_space<vmem>>) offsets(%get3A_49 : vector<16xi32>) semaphore(%arg22 : memref<!tpu.dma_semaphore, #tpu.memory_space<semaphore_mem>>)
      %mul3A_85 = arith.constant 16 : i32
      %mul3A_86 = arith.muli %scan3A_35, %mul3A_85 : i32
      %add3A_87 = arith.constant 0 : i32
      %add3A_88 = arith.addi %mul3A_86, %add3A_87 : i32
      %slice3A = vector.extract_strided_slice %get3A_39 {offsets = [0], sizes = [1], strides = [1]} : vector<16xi32> to vector<1xi32>
      %squeeze3A = vector.extract %slice3A[0] : i32 from vector<1xi32>
      %slice3A_89 = vector.extract_strided_slice %get3A_44 {offsets = [0], sizes = [1], strides = [1]} : vector<16xi32> to vector<1xi32>
      %squeeze3A_90 = vector.extract %slice3A_89[0] : i32 from vector<1xi32>
      %slice3A_91 = vector.extract_strided_slice %get3A_49 {offsets = [0], sizes = [1], strides = [1]} : vector<16xi32> to vector<1xi32>
      %squeeze3A_92 = vector.extract %slice3A_91[0] : i32 from vector<1xi32>
      %jit3A_93 = arith.constant 4 : i32
      %div3A_94 = arith.divsi %add3A_88, %jit3A_93 : i32
      %sign3A_95 = arith.constant 0 : i32
      %sign3A_96 = arith.cmpi sgt, %add3A_88, %sign3A_95 : i32
      %sign3A_97 = arith.extui %sign3A_96 : i1 to i32
      %sign3A_98 = arith.constant 0 : i32
      %sign3A_99 = arith.cmpi slt, %add3A_88, %sign3A_98 : i32
      %sign3A_100 = arith.extui %sign3A_99 : i1 to i32
      %sign3A_101 = arith.subi %sign3A_97, %sign3A_100 : i32
      %sign3A_102 = arith.constant 0 : i32
      %sign3A_103 = arith.cmpi sgt, %jit3A_93, %sign3A_102 : i32
      %sign3A_104 = arith.extui %sign3A_103 : i1 to i32
      %sign3A_105 = arith.constant 0 : i32
      %sign3A_106 = arith.cmpi slt, %jit3A_93, %sign3A_105 : i32
      %sign3A_107 = arith.extui %sign3A_106 : i1 to i32
      %sign3A_108 = arith.subi %sign3A_104, %sign3A_107 : i32
      %ne3A_109 = arith.cmpi ne, %sign3A_101, %sign3A_108 : i32
      %rem3A_110 = arith.remsi %add3A_88, %jit3A_93 : i32
      %ne3A_111 = arith.constant 0 : i32
      %ne3A_112 = arith.cmpi ne, %rem3A_110, %ne3A_111 : i32
      %and3A_113 = arith.andi %ne3A_109, %ne3A_112 : i1
      %sub3A_114 = arith.constant 1 : i32
      %sub3A_115 = arith.subi %div3A_94, %sub3A_114 : i32
      %select_n3A_116 = arith.select %and3A_113, %sub3A_115, %div3A_94 : i32
      %jit3A_117 = arith.constant 4 : i32
      %eq3A_118 = arith.constant 0 : i32
      %eq3A_119 = arith.cmpi eq, %jit3A_117, %eq3A_118 : i32
      %jit3A_120 = arith.constant 1 : i32
      %select_n3A_121 = arith.select %eq3A_119, %jit3A_120, %jit3A_117 : i32
      %rem3A_122 = arith.remsi %add3A_88, %select_n3A_121 : i32
      %ne3A_123 = arith.constant 0 : i32
      %ne3A_124 = arith.cmpi ne, %rem3A_122, %ne3A_123 : i32
      %lt3A_125 = arith.constant 0 : i32
      %lt3A_126 = arith.cmpi slt, %rem3A_122, %lt3A_125 : i32
      %lt3A_127 = arith.constant 0 : i32
      %lt3A_128 = arith.cmpi slt, %select_n3A_121, %lt3A_127 : i32
      %ne3A_129 = arith.xori %lt3A_126, %lt3A_128 : i1
      %and3A_130 = arith.andi %ne3A_129, %ne3A_124 : i1
      %add3A_131 = arith.addi %rem3A_122, %select_n3A_121 : i32
      %select_n3A_132 = arith.select %and3A_130, %add3A_131, %rem3A_122 : i32
      %mul3A_133 = arith.constant 32 : i32
      %mul3A_134 = arith.muli %select_n3A_132, %mul3A_133 : i32
      %dma_start3A_135 = tpu.memref_slice %arg15[%select_n3A_116, %mul3A_134] : memref<128x128xf32, #tpu.memory_space<vmem>> -> memref<1x32xf32, #tpu.memory_space<vmem>>
      %dma_start3A_136 = tpu.memref_squeeze %dma_start3A_135 : memref<1x32xf32, #tpu.memory_space<vmem>> -> memref<32xf32, #tpu.memory_space<vmem>>
      %dma_start3A_137 = arith.constant 0 : i32
      %dma_start3A_138 = tpu.memref_slice %arg5[%squeeze3A, %dma_start3A_137] : memref<1000000x32xf32, #tpu.memory_space<hbm>> -> memref<1x32xf32, #tpu.memory_space<hbm>>
      %dma_start3A_139 = tpu.memref_squeeze %dma_start3A_138 : memref<1x32xf32, #tpu.memory_space<hbm>> -> memref<32xf32, #tpu.memory_space<hbm>>
      %dma_start3A_140 = tpu.memref_slice %arg15[%select_n3A_116, %mul3A_134] : memref<128x128xf32, #tpu.memory_space<vmem>> -> memref<1x32xf32, #tpu.memory_space<vmem>>
      %dma_start3A_141 = tpu.memref_squeeze %dma_start3A_140 : memref<1x32xf32, #tpu.memory_space<vmem>> -> memref<32xf32, #tpu.memory_space<vmem>>
      %dma_start3A_142 = arith.constant 0 : i32
      %dma_start3A_143 = tpu.memref_slice %arg5[%squeeze3A, %dma_start3A_142] : memref<1000000x32xf32, #tpu.memory_space<hbm>> -> memref<1x32xf32, #tpu.memory_space<hbm>>
      %dma_start3A_144 = tpu.memref_squeeze %dma_start3A_143 : memref<1x32xf32, #tpu.memory_space<hbm>> -> memref<32xf32, #tpu.memory_space<hbm>>
      tpu.enqueue_dma source(%dma_start3A_144 : memref<32xf32, #tpu.memory_space<hbm>>) target(%dma_start3A_141 : memref<32xf32, #tpu.memory_space<vmem>>) target_semaphore(%arg19 : memref<!tpu.dma_semaphore, #tpu.memory_space<semaphore_mem>>)
      %dma_start3A_145 = tpu.memref_slice %arg16[%select_n3A_116, %mul3A_134] : memref<128x128xf32, #tpu.memory_space<vmem>> -> memref<1x32xf32, #tpu.memory_space<vmem>>
      %dma_start3A_146 = tpu.memref_squeeze %dma_start3A_145 : memref<1x32xf32, #tpu.memory_space<vmem>> -> memref<32xf32, #tpu.memory_space<vmem>>
      %dma_start3A_147 = arith.constant 0 : i32
      %dma_start3A_148 = tpu.memref_slice %arg6[%squeeze3A_90, %dma_start3A_147] : memref<1000000x32xf32, #tpu.memory_space<hbm>> -> memref<1x32xf32, #tpu.memory_space<hbm>>
      %dma_start3A_149 = tpu.memref_squeeze %dma_start3A_148 : memref<1x32xf32, #tpu.memory_space<hbm>> -> memref<32xf32, #tpu.memory_space<hbm>>
      %dma_start3A_150 = tpu.memref_slice %arg16[%select_n3A_116, %mul3A_134] : memref<128x128xf32, #tpu.memory_space<vmem>> -> memref<1x32xf32, #tpu.memory_space<vmem>>
      %dma_start3A_151 = tpu.memref_squeeze %dma_start3A_150 : memref<1x32xf32, #tpu.memory_space<vmem>> -> memref<32xf32, #tpu.memory_space<vmem>>
      %dma_start3A_152 = arith.constant 0 : i32
      %dma_start3A_153 = tpu.memref_slice %arg6[%squeeze3A_90, %dma_start3A_152] : memref<1000000x32xf32, #tpu.memory_space<hbm>> -> memref<1x32xf32, #tpu.memory_space<hbm>>
      %dma_start3A_154 = tpu.memref_squeeze %dma_start3A_153 : memref<1x32xf32, #tpu.memory_space<hbm>> -> memref<32xf32, #tpu.memory_space<hbm>>
      tpu.enqueue_dma source(%dma_start3A_154 : memref<32xf32, #tpu.memory_space<hbm>>) target(%dma_start3A_151 : memref<32xf32, #tpu.memory_space<vmem>>) target_semaphore(%arg20 : memref<!tpu.dma_semaphore, #tpu.memory_space<semaphore_mem>>)
      %dma_start3A_155 = tpu.memref_slice %arg17[%select_n3A_116, %mul3A_134] : memref<128x128xf32, #tpu.memory_space<vmem>> -> memref<1x32xf32, #tpu.memory_space<vmem>>
      %dma_start3A_156 = tpu.memref_squeeze %dma_start3A_155 : memref<1x32xf32, #tpu.memory_space<vmem>> -> memref<32xf32, #tpu.memory_space<vmem>>
      %dma_start3A_157 = arith.constant 0 : i32
      %dma_start3A_158 = tpu.memref_slice %arg6[%squeeze3A_92, %dma_start3A_157] : memref<1000000x32xf32, #tpu.memory_space<hbm>> -> memref<1x32xf32, #tpu.memory_space<hbm>>
      %dma_start3A_159 = tpu.memref_squeeze %dma_start3A_158 : memref<1x32xf32, #tpu.memory_space<hbm>> -> memref<32xf32, #tpu.memory_space<hbm>>
      %dma_start3A_160 = tpu.memref_slice %arg17[%select_n3A_116, %mul3A_134] : memref<128x128xf32, #tpu.memory_space<vmem>> -> memref<1x32xf32, #tpu.memory_space<vmem>>
      %dma_start3A_161 = tpu.memref_squeeze %dma_start3A_160 : memref<1x32xf32, #tpu.memory_space<vmem>> -> memref<32xf32, #tpu.memory_space<vmem>>
      %dma_start3A_162 = arith.constant 0 : i32
      %dma_start3A_163 = tpu.memref_slice %arg6[%squeeze3A_92, %dma_start3A_162] : memref<1000000x32xf32, #tpu.memory_space<hbm>> -> memref<1x32xf32, #tpu.memory_space<hbm>>
      %dma_start3A_164 = tpu.memref_squeeze %dma_start3A_163 : memref<1x32xf32, #tpu.memory_space<hbm>> -> memref<32xf32, #tpu.memory_space<hbm>>
      tpu.enqueue_dma source(%dma_start3A_164 : memref<32xf32, #tpu.memory_space<hbm>>) target(%dma_start3A_161 : memref<32xf32, #tpu.memory_space<vmem>>) target_semaphore(%arg21 : memref<!tpu.dma_semaphore, #tpu.memory_space<semaphore_mem>>)
      %mul3A_165 = arith.constant 16 : i32
      %mul3A_166 = arith.muli %scan3A_35, %mul3A_165 : i32
      %add3A_167 = arith.constant 1 : i32
      %add3A_168 = arith.addi %mul3A_166, %add3A_167 : i32
      %slice3A_169 = vector.extract_strided_slice %get3A_39 {offsets = [1], sizes = [1], strides = [1]} : vector<16xi32> to vector<1xi32>
      %squeeze3A_170 = vector.extract %slice3A_169[0] : i32 from vector<1xi32>
      %slice3A_171 = vector.extract_strided_slice %get3A_44 {offsets = [1], sizes = [1], strides = [1]} : vector<16xi32> to vector<1xi32>
      %squeeze3A_172 = vector.extract %slice3A_171[0] : i32 from vector<1xi32>
      %slice3A_173 = vector.extract_strided_slice %get3A_49 {offsets = [1], sizes = [1], strides = [1]} : vector<16xi32> to vector<1xi32>
      %squeeze3A_174 = vector.extract %slice3A_173[0] : i32 from vector<1xi32>
      %jit3A_175 = arith.constant 4 : i32
      %div3A_176 = arith.divsi %add3A_168, %jit3A_175 : i32
      %sign3A_177 = arith.constant 0 : i32
      %sign3A_178 = arith.cmpi sgt, %add3A_168, %sign3A_177 : i32
      %sign3A_179 = arith.extui %sign3A_178 : i1 to i32
      %sign3A_180 = arith.constant 0 : i32
      %sign3A_181 = arith.cmpi slt, %add3A_168, %sign3A_180 : i32
      %sign3A_182 = arith.extui %sign3A_181 : i1 to i32
      %sign3A_183 = arith.subi %sign3A_179, %sign3A_182 : i32
      %sign3A_184 = arith.constant 0 : i32
      %sign3A_185 = arith.cmpi sgt, %jit3A_175, %sign3A_184 : i32
      %sign3A_186 = arith.extui %sign3A_185 : i1 to i32
      %sign3A_187 = arith.constant 0 : i32
      %sign3A_188 = arith.cmpi slt, %jit3A_175, %sign3A_187 : i32
      %sign3A_189 = arith.extui %sign3A_188 : i1 to i32
      %sign3A_190 = arith.subi %sign3A_186, %sign3A_189 : i32
      %ne3A_191 = arith.cmpi ne, %sign3A_183, %sign3A_190 : i32
      %rem3A_192 = arith.remsi %add3A_168, %jit3A_175 : i32
      %ne3A_193 = arith.constant 0 : i32
      %ne3A_194 = arith.cmpi ne, %rem3A_192, %ne3A_193 : i32
      %and3A_195 = arith.andi %ne3A_191, %ne3A_194 : i1
      %sub3A_196 = arith.constant 1 : i32
      %sub3A_197 = arith.subi %div3A_176, %sub3A_196 : i32
      %select_n3A_198 = arith.select %and3A_195, %sub3A_197, %div3A_176 : i32
      %jit3A_199 = arith.constant 4 : i32
      %eq3A_200 = arith.constant 0 : i32
      %eq3A_201 = arith.cmpi eq, %jit3A_199, %eq3A_200 : i32
      %jit3A_202 = arith.constant 1 : i32
      %select_n3A_203 = arith.select %eq3A_201, %jit3A_202, %jit3A_199 : i32
      %rem3A_204 = arith.remsi %add3A_168, %select_n3A_203 : i32
      %ne3A_205 = arith.constant 0 : i32
      %ne3A_206 = arith.cmpi ne, %rem3A_204, %ne3A_205 : i32
      %lt3A_207 = arith.constant 0 : i32
      %lt3A_208 = arith.cmpi slt, %rem3A_204, %lt3A_207 : i32
      %lt3A_209 = arith.constant 0 : i32
      %lt3A_210 = arith.cmpi slt, %select_n3A_203, %lt3A_209 : i32
      %ne3A_211 = arith.xori %lt3A_208, %lt3A_210 : i1
      %and3A_212 = arith.andi %ne3A_211, %ne3A_206 : i1
      %add3A_213 = arith.addi %rem3A_204, %select_n3A_203 : i32
      %select_n3A_214 = arith.select %and3A_212, %add3A_213, %rem3A_204 : i32
      %mul3A_215 = arith.constant 32 : i32
      %mul3A_216 = arith.muli %select_n3A_214, %mul3A_215 : i32
      %dma_start3A_217 = tpu.memref_slice %arg15[%select_n3A_198, %mul3A_216] : memref<128x128xf32, #tpu.memory_space<vmem>> -> memref<1x32xf32, #tpu.memory_space<vmem>>
      %dma_start3A_218 = tpu.memref_squeeze %dma_start3A_217 : memref<1x32xf32, #tpu.memory_space<vmem>> -> memref<32xf32, #tpu.memory_space<vmem>>
      %dma_start3A_219 = arith.constant 0 : i32
      %dma_start3A_220 = tpu.memref_slice %arg5[%squeeze3A_170, %dma_start3A_219] : memref<1000000x32xf32, #tpu.memory_space<hbm>> -> memref<1x32xf32, #tpu.memory_space<hbm>>
      %dma_start3A_221 = tpu.memref_squeeze %dma_start3A_220 : memref<1x32xf32, #tpu.memory_space<hbm>> -> memref<32xf32, #tpu.memory_space<hbm>>
      %dma_start3A_222 = tpu.memref_slice %arg15[%select_n3A_198, %mul3A_216] : memref<128x128xf32, #tpu.memory_space<vmem>> -> memref<1x32xf32, #tpu.memory_space<vmem>>
      %dma_start3A_223 = tpu.memref_squeeze %dma_start3A_222 : memref<1x32xf32, #tpu.memory_space<vmem>> -> memref<32xf32, #tpu.memory_space<vmem>>
      %dma_start3A_224 = arith.constant 0 : i32
      %dma_start3A_225 = tpu.memref_slice %arg5[%squeeze3A_170, %dma_start3A_224] : memref<1000000x32xf32, #tpu.memory_space<hbm>> -> memref<1x32xf32, #tpu.memory_space<hbm>>
      %dma_start3A_226 = tpu.memref_squeeze %dma_start3A_225 : memref<1x32xf32, #tpu.memory_space<hbm>> -> memref<32xf32, #tpu.memory_space<hbm>>
      tpu.enqueue_dma source(%dma_start3A_226 : memref<32xf32, #tpu.memory_space<hbm>>) target(%dma_start3A_223 : memref<32xf32, #tpu.memory_space<vmem>>) target_semaphore(%arg19 : memref<!tpu.dma_semaphore, #tpu.memory_space<semaphore_mem>>)
      %dma_start3A_227 = tpu.memref_slice %arg16[%select_n3A_198, %mul3A_216] : memref<128x128xf32, #tpu.memory_space<vmem>> -> memref<1x32xf32, #tpu.memory_space<vmem>>
      %dma_start3A_228 = tpu.memref_squeeze %dma_start3A_227 : memref<1x32xf32, #tpu.memory_space<vmem>> -> memref<32xf32, #tpu.memory_space<vmem>>
      %dma_start3A_229 = arith.constant 0 : i32
      %dma_start3A_230 = tpu.memref_slice %arg6[%squeeze3A_172, %dma_start3A_229] : memref<1000000x32xf32, #tpu.memory_space<hbm>> -> memref<1x32xf32, #tpu.memory_space<hbm>>
      %dma_start3A_231 = tpu.memref_squeeze %dma_start3A_230 : memref<1x32xf32, #tpu.memory_space<hbm>> -> memref<32xf32, #tpu.memory_space<hbm>>
      %dma_start3A_232 = tpu.memref_slice %arg16[%select_n3A_198, %mul3A_216] : memref<128x128xf32, #tpu.memory_space<vmem>> -> memref<1x32xf32, #tpu.memory_space<vmem>>
      %dma_start3A_233 = tpu.memref_squeeze %dma_start3A_232 : memref<1x32xf32, #tpu.memory_space<vmem>> -> memref<32xf32, #tpu.memory_space<vmem>>
      %dma_start3A_234 = arith.constant 0 : i32
      %dma_start3A_235 = tpu.memref_slice %arg6[%squeeze3A_172, %dma_start3A_234] : memref<1000000x32xf32, #tpu.memory_space<hbm>> -> memref<1x32xf32, #tpu.memory_space<hbm>>
      %dma_start3A_236 = tpu.memref_squeeze %dma_start3A_235 : memref<1x32xf32, #tpu.memory_space<hbm>> -> memref<32xf32, #tpu.memory_space<hbm>>
      tpu.enqueue_dma source(%dma_start3A_236 : memref<32xf32, #tpu.memory_space<hbm>>) target(%dma_start3A_233 : memref<32xf32, #tpu.memory_space<vmem>>) target_semaphore(%arg20 : memref<!tpu.dma_semaphore, #tpu.memory_space<semaphore_mem>>)
      %dma_start3A_237 = tpu.memref_slice %arg17[%select_n3A_198, %mul3A_216] : memref<128x128xf32, #tpu.memory_space<vmem>> -> memref<1x32xf32, #tpu.memory_space<vmem>>
      %dma_start3A_238 = tpu.memref_squeeze %dma_start3A_237 : memref<1x32xf32, #tpu.memory_space<vmem>> -> memref<32xf32, #tpu.memory_space<vmem>>
      %dma_start3A_239 = arith.constant 0 : i32
      %dma_start3A_240 = tpu.memref_slice %arg6[%squeeze3A_174, %dma_start3A_239] : memref<1000000x32xf32, #tpu.memory_space<hbm>> -> memref<1x32xf32, #tpu.memory_space<hbm>>
      %dma_start3A_241 = tpu.memref_squeeze %dma_start3A_240 : memref<1x32xf32, #tpu.memory_space<hbm>> -> memref<32xf32, #tpu.memory_space<hbm>>
      %dma_start3A_242 = tpu.memref_slice %arg17[%select_n3A_198, %mul3A_216] : memref<128x128xf32, #tpu.memory_space<vmem>> -> memref<1x32xf32, #tpu.memory_space<vmem>>
      %dma_start3A_243 = tpu.memref_squeeze %dma_start3A_242 : memref<1x32xf32, #tpu.memory_space<vmem>> -> memref<32xf32, #tpu.memory_space<vmem>>
      %dma_start3A_244 = arith.constant 0 : i32
      %dma_start3A_245 = tpu.memref_slice %arg6[%squeeze3A_174, %dma_start3A_244] : memref<1000000x32xf32, #tpu.memory_space<hbm>> -> memref<1x32xf32, #tpu.memory_space<hbm>>
      %dma_start3A_246 = tpu.memref_squeeze %dma_start3A_245 : memref<1x32xf32, #tpu.memory_space<hbm>> -> memref<32xf32, #tpu.memory_space<hbm>>
      tpu.enqueue_dma source(%dma_start3A_246 : memref<32xf32, #tpu.memory_space<hbm>>) target(%dma_start3A_243 : memref<32xf32, #tpu.memory_space<vmem>>) target_semaphore(%arg21 : memref<!tpu.dma_semaphore, #tpu.memory_space<semaphore_mem>>)
      %mul3A_247 = arith.constant 16 : i32
      %mul3A_248 = arith.muli %scan3A_35, %mul3A_247 : i32
      %add3A_249 = arith.constant 2 : i32
      %add3A_250 = arith.addi %mul3A_248, %add3A_249 : i32
      %slice3A_251 = vector.extract_strided_slice %get3A_39 {offsets = [2], sizes = [1], strides = [1]} : vector<16xi32> to vector<1xi32>
      %squeeze3A_252 = vector.extract %slice3A_251[0] : i32 from vector<1xi32>
      %slice3A_253 = vector.extract_strided_slice %get3A_44 {offsets = [2], sizes = [1], strides = [1]} : vector<16xi32> to vector<1xi32>
      %squeeze3A_254 = vector.extract %slice3A_253[0] : i32 from vector<1xi32>
      %slice3A_255 = vector.extract_strided_slice %get3A_49 {offsets = [2], sizes = [1], strides = [1]} : vector<16xi32> to vector<1xi32>
      %squeeze3A_256 = vector.extract %slice3A_255[0] : i32 from vector<1xi32>
      %jit3A_257 = arith.constant 4 : i32
      %div3A_258 = arith.divsi %add3A_250, %jit3A_257 : i32
      %sign3A_259 = arith.constant 0 : i32
      %sign3A_260 = arith.cmpi sgt, %add3A_250, %sign3A_259 : i32
      %sign3A_261 = arith.extui %sign3A_260 : i1 to i32
      %sign3A_262 = arith.constant 0 : i32
      %sign3A_263 = arith.cmpi slt, %add3A_250, %sign3A_262 : i32
      %sign3A_264 = arith.extui %sign3A_263 : i1 to i32
      %sign3A_265 = arith.subi %sign3A_261, %sign3A_264 : i32
      %sign3A_266 = arith.constant 0 : i32
      %sign3A_267 = arith.cmpi sgt, %jit3A_257, %sign3A_266 : i32
      %sign3A_268 = arith.extui %sign3A_267 : i1 to i32
      %sign3A_269 = arith.constant 0 : i32
      %sign3A_270 = arith.cmpi slt, %jit3A_257, %sign3A_269 : i32
      %sign3A_271 = arith.extui %sign3A_270 : i1 to i32
      %sign3A_272 = arith.subi %sign3A_268, %sign3A_271 : i32
      %ne3A_273 = arith.cmpi ne, %sign3A_265, %sign3A_272 : i32
      %rem3A_274 = arith.remsi %add3A_250, %jit3A_257 : i32
      %ne3A_275 = arith.constant 0 : i32
      %ne3A_276 = arith.cmpi ne, %rem3A_274, %ne3A_275 : i32
      %and3A_277 = arith.andi %ne3A_273, %ne3A_276 : i1
      %sub3A_278 = arith.constant 1 : i32
      %sub3A_279 = arith.subi %div3A_258, %sub3A_278 : i32
      %select_n3A_280 = arith.select %and3A_277, %sub3A_279, %div3A_258 : i32
      %jit3A_281 = arith.constant 4 : i32
      %eq3A_282 = arith.constant 0 : i32
      %eq3A_283 = arith.cmpi eq, %jit3A_281, %eq3A_282 : i32
      %jit3A_284 = arith.constant 1 : i32
      %select_n3A_285 = arith.select %eq3A_283, %jit3A_284, %jit3A_281 : i32
      %rem3A_286 = arith.remsi %add3A_250, %select_n3A_285 : i32
      %ne3A_287 = arith.constant 0 : i32
      %ne3A_288 = arith.cmpi ne, %rem3A_286, %ne3A_287 : i32
      %lt3A_289 = arith.constant 0 : i32
      %lt3A_290 = arith.cmpi slt, %rem3A_286, %lt3A_289 : i32
      %lt3A_291 = arith.constant 0 : i32
      %lt3A_292 = arith.cmpi slt, %select_n3A_285, %lt3A_291 : i32
      %ne3A_293 = arith.xori %lt3A_290, %lt3A_292 : i1
      %and3A_294 = arith.andi %ne3A_293, %ne3A_288 : i1
      %add3A_295 = arith.addi %rem3A_286, %select_n3A_285 : i32
      %select_n3A_296 = arith.select %and3A_294, %add3A_295, %rem3A_286 : i32
      %mul3A_297 = arith.constant 32 : i32
      %mul3A_298 = arith.muli %select_n3A_296, %mul3A_297 : i32
      %dma_start3A_299 = tpu.memref_slice %arg15[%select_n3A_280, %mul3A_298] : memref<128x128xf32, #tpu.memory_space<vmem>> -> memref<1x32xf32, #tpu.memory_space<vmem>>
      %dma_start3A_300 = tpu.memref_squeeze %dma_start3A_299 : memref<1x32xf32, #tpu.memory_space<vmem>> -> memref<32xf32, #tpu.memory_space<vmem>>
      %dma_start3A_301 = arith.constant 0 : i32
      %dma_start3A_302 = tpu.memref_slice %arg5[%squeeze3A_252, %dma_start3A_301] : memref<1000000x32xf32, #tpu.memory_space<hbm>> -> memref<1x32xf32, #tpu.memory_space<hbm>>
      %dma_start3A_303 = tpu.memref_squeeze %dma_start3A_302 : memref<1x32xf32, #tpu.memory_space<hbm>> -> memref<32xf32, #tpu.memory_space<hbm>>
      %dma_start3A_304 = tpu.memref_slice %arg15[%select_n3A_280, %mul3A_298] : memref<128x128xf32, #tpu.memory_space<vmem>> -> memref<1x32xf32, #tpu.memory_space<vmem>>
      %dma_start3A_305 = tpu.memref_squeeze %dma_start3A_304 : memref<1x32xf32, #tpu.memory_space<vmem>> -> memref<32xf32, #tpu.memory_space<vmem>>
      %dma_start3A_306 = arith.constant 0 : i32
      %dma_start3A_307 = tpu.memref_slice %arg5[%squeeze3A_252, %dma_start3A_306] : memref<1000000x32xf32, #tpu.memory_space<hbm>> -> memref<1x32xf32, #tpu.memory_space<hbm>>
      %dma_start3A_308 = tpu.memref_squeeze %dma_start3A_307 : memref<1x32xf32, #tpu.memory_space<hbm>> -> memref<32xf32, #tpu.memory_space<hbm>>
      tpu.enqueue_dma source(%dma_start3A_308 : memref<32xf32, #tpu.memory_space<hbm>>) target(%dma_start3A_305 : memref<32xf32, #tpu.memory_space<vmem>>) target_semaphore(%arg19 : memref<!tpu.dma_semaphore, #tpu.memory_space<semaphore_mem>>)
      %dma_start3A_309 = tpu.memref_slice %arg16[%select_n3A_280, %mul3A_298] : memref<128x128xf32, #tpu.memory_space<vmem>> -> memref<1x32xf32, #tpu.memory_space<vmem>>
      %dma_start3A_310 = tpu.memref_squeeze %dma_start3A_309 : memref<1x32xf32, #tpu.memory_space<vmem>> -> memref<32xf32, #tpu.memory_space<vmem>>
      %dma_start3A_311 = arith.constant 0 : i32
      %dma_start3A_312 = tpu.memref_slice %arg6[%squeeze3A_254, %dma_start3A_311] : memref<1000000x32xf32, #tpu.memory_space<hbm>> -> memref<1x32xf32, #tpu.memory_space<hbm>>
      %dma_start3A_313 = tpu.memref_squeeze %dma_start3A_312 : memref<1x32xf32, #tpu.memory_space<hbm>> -> memref<32xf32, #tpu.memory_space<hbm>>
      %dma_start3A_314 = tpu.memref_slice %arg16[%select_n3A_280, %mul3A_298] : memref<128x128xf32, #tpu.memory_space<vmem>> -> memref<1x32xf32, #tpu.memory_space<vmem>>
      %dma_start3A_315 = tpu.memref_squeeze %dma_start3A_314 : memref<1x32xf32, #tpu.memory_space<vmem>> -> memref<32xf32, #tpu.memory_space<vmem>>
      %dma_start3A_316 = arith.constant 0 : i32
      %dma_start3A_317 = tpu.memref_slice %arg6[%squeeze3A_254, %dma_start3A_316] : memref<1000000x32xf32, #tpu.memory_space<hbm>> -> memref<1x32xf32, #tpu.memory_space<hbm>>
      %dma_start3A_318 = tpu.memref_squeeze %dma_start3A_317 : memref<1x32xf32, #tpu.memory_space<hbm>> -> memref<32xf32, #tpu.memory_space<hbm>>
      tpu.enqueue_dma source(%dma_start3A_318 : memref<32xf32, #tpu.memory_space<hbm>>) target(%dma_start3A_315 : memref<32xf32, #tpu.memory_space<vmem>>) target_semaphore(%arg20 : memref<!tpu.dma_semaphore, #tpu.memory_space<semaphore_mem>>)
      %dma_start3A_319 = tpu.memref_slice %arg17[%select_n3A_280, %mul3A_298] : memref<128x128xf32, #tpu.memory_space<vmem>> -> memref<1x32xf32, #tpu.memory_space<vmem>>
      %dma_start3A_320 = tpu.memref_squeeze %dma_start3A_319 : memref<1x32xf32, #tpu.memory_space<vmem>> -> memref<32xf32, #tpu.memory_space<vmem>>
      %dma_start3A_321 = arith.constant 0 : i32
      %dma_start3A_322 = tpu.memref_slice %arg6[%squeeze3A_256, %dma_start3A_321] : memref<1000000x32xf32, #tpu.memory_space<hbm>> -> memref<1x32xf32, #tpu.memory_space<hbm>>
      %dma_start3A_323 = tpu.memref_squeeze %dma_start3A_322 : memref<1x32xf32, #tpu.memory_space<hbm>> -> memref<32xf32, #tpu.memory_space<hbm>>
      %dma_start3A_324 = tpu.memref_slice %arg17[%select_n3A_280, %mul3A_298] : memref<128x128xf32, #tpu.memory_space<vmem>> -> memref<1x32xf32, #tpu.memory_space<vmem>>
      %dma_start3A_325 = tpu.memref_squeeze %dma_start3A_324 : memref<1x32xf32, #tpu.memory_space<vmem>> -> memref<32xf32, #tpu.memory_space<vmem>>
      %dma_start3A_326 = arith.constant 0 : i32
      %dma_start3A_327 = tpu.memref_slice %arg6[%squeeze3A_256, %dma_start3A_326] : memref<1000000x32xf32, #tpu.memory_space<hbm>> -> memref<1x32xf32, #tpu.memory_space<hbm>>
      %dma_start3A_328 = tpu.memref_squeeze %dma_start3A_327 : memref<1x32xf32, #tpu.memory_space<hbm>> -> memref<32xf32, #tpu.memory_space<hbm>>
      tpu.enqueue_dma source(%dma_start3A_328 : memref<32xf32, #tpu.memory_space<hbm>>) target(%dma_start3A_325 : memref<32xf32, #tpu.memory_space<vmem>>) target_semaphore(%arg21 : memref<!tpu.dma_semaphore, #tpu.memory_space<semaphore_mem>>)
      %mul3A_329 = arith.constant 16 : i32
      %mul3A_330 = arith.muli %scan3A_35, %mul3A_329 : i32
      %add3A_331 = arith.constant 3 : i32
      %add3A_332 = arith.addi %mul3A_330, %add3A_331 : i32
      %slice3A_333 = vector.extract_strided_slice %get3A_39 {offsets = [3], sizes = [1], strides = [1]} : vector<16xi32> to vector<1xi32>
      %squeeze3A_334 = vector.extract %slice3A_333[0] : i32 from vector<1xi32>
      %slice3A_335 = vector.extract_strided_slice %get3A_44 {offsets = [3], sizes = [1], strides = [1]} : vector<16xi32> to vector<1xi32>
      %squeeze3A_336 = vector.extract %slice3A_335[0] : i32 from vector<1xi32>
      %slice3A_337 = vector.extract_strided_slice %get3A_49 {offsets = [3], sizes = [1], strides = [1]} : vector<16xi32> to vector<1xi32>
      %squeeze3A_338 = vector.extract %slice3A_337[0] : i32 from vector<1xi32>
      %jit3A_339 = arith.constant 4 : i32
      %div3A_340 = arith.divsi %add3A_332, %jit3A_339 : i32
      %sign3A_341 = arith.constant 0 : i32
      %sign3A_342 = arith.cmpi sgt, %add3A_332, %sign3A_341 : i32
      %sign3A_343 = arith.extui %sign3A_342 : i1 to i32
      %sign3A_344 = arith.constant 0 : i32
      %sign3A_345 = arith.cmpi slt, %add3A_332, %sign3A_344 : i32
      %sign3A_346 = arith.extui %sign3A_345 : i1 to i32
      %sign3A_347 = arith.subi %sign3A_343, %sign3A_346 : i32
      %sign3A_348 = arith.constant 0 : i32
      %sign3A_349 = arith.cmpi sgt, %jit3A_339, %sign3A_348 : i32
      %sign3A_350 = arith.extui %sign3A_349 : i1 to i32
      %sign3A_351 = arith.constant 0 : i32
      %sign3A_352 = arith.cmpi slt, %jit3A_339, %sign3A_351 : i32
      %sign3A_353 = arith.extui %sign3A_352 : i1 to i32
      %sign3A_354 = arith.subi %sign3A_350, %sign3A_353 : i32
      %ne3A_355 = arith.cmpi ne, %sign3A_347, %sign3A_354 : i32
      %rem3A_356 = arith.remsi %add3A_332, %jit3A_339 : i32
      %ne3A_357 = arith.constant 0 : i32
      %ne3A_358 = arith.cmpi ne, %rem3A_356, %ne3A_357 : i32
      %and3A_359 = arith.andi %ne3A_355, %ne3A_358 : i1
      %sub3A_360 = arith.constant 1 : i32
      %sub3A_361 = arith.subi %div3A_340, %sub3A_360 : i32
      %select_n3A_362 = arith.select %and3A_359, %sub3A_361, %div3A_340 : i32
      %jit3A_363 = arith.constant 4 : i32
      %eq3A_364 = arith.constant 0 : i32
      %eq3A_365 = arith.cmpi eq, %jit3A_363, %eq3A_364 : i32
      %jit3A_366 = arith.constant 1 : i32
      %select_n3A_367 = arith.select %eq3A_365, %jit3A_366, %jit3A_363 : i32
      %rem3A_368 = arith.remsi %add3A_332, %select_n3A_367 : i32
      %ne3A_369 = arith.constant 0 : i32
      %ne3A_370 = arith.cmpi ne, %rem3A_368, %ne3A_369 : i32
      %lt3A_371 = arith.constant 0 : i32
      %lt3A_372 = arith.cmpi slt, %rem3A_368, %lt3A_371 : i32
      %lt3A_373 = arith.constant 0 : i32
      %lt3A_374 = arith.cmpi slt, %select_n3A_367, %lt3A_373 : i32
      %ne3A_375 = arith.xori %lt3A_372, %lt3A_374 : i1
      %and3A_376 = arith.andi %ne3A_375, %ne3A_370 : i1
      %add3A_377 = arith.addi %rem3A_368, %select_n3A_367 : i32
      %select_n3A_378 = arith.select %and3A_376, %add3A_377, %rem3A_368 : i32
      %mul3A_379 = arith.constant 32 : i32
      %mul3A_380 = arith.muli %select_n3A_378, %mul3A_379 : i32
      %dma_start3A_381 = tpu.memref_slice %arg15[%select_n3A_362, %mul3A_380] : memref<128x128xf32, #tpu.memory_space<vmem>> -> memref<1x32xf32, #tpu.memory_space<vmem>>
      %dma_start3A_382 = tpu.memref_squeeze %dma_start3A_381 : memref<1x32xf32, #tpu.memory_space<vmem>> -> memref<32xf32, #tpu.memory_space<vmem>>
      %dma_start3A_383 = arith.constant 0 : i32
      %dma_start3A_384 = tpu.memref_slice %arg5[%squeeze3A_334, %dma_start3A_383] : memref<1000000x32xf32, #tpu.memory_space<hbm>> -> memref<1x32xf32, #tpu.memory_space<hbm>>
      %dma_start3A_385 = tpu.memref_squeeze %dma_start3A_384 : memref<1x32xf32, #tpu.memory_space<hbm>> -> memref<32xf32, #tpu.memory_space<hbm>>
      %dma_start3A_386 = tpu.memref_slice %arg15[%select_n3A_362, %mul3A_380] : memref<128x128xf32, #tpu.memory_space<vmem>> -> memref<1x32xf32, #tpu.memory_space<vmem>>
      %dma_start3A_387 = tpu.memref_squeeze %dma_start3A_386 : memref<1x32xf32, #tpu.memory_space<vmem>> -> memref<32xf32, #tpu.memory_space<vmem>>
      %dma_start3A_388 = arith.constant 0 : i32
      %dma_start3A_389 = tpu.memref_slice %arg5[%squeeze3A_334, %dma_start3A_388] : memref<1000000x32xf32, #tpu.memory_space<hbm>> -> memref<1x32xf32, #tpu.memory_space<hbm>>
      %dma_start3A_390 = tpu.memref_squeeze %dma_start3A_389 : memref<1x32xf32, #tpu.memory_space<hbm>> -> memref<32xf32, #tpu.memory_space<hbm>>
      tpu.enqueue_dma source(%dma_start3A_390 : memref<32xf32, #tpu.memory_space<hbm>>) target(%dma_start3A_387 : memref<32xf32, #tpu.memory_space<vmem>>) target_semaphore(%arg19 : memref<!tpu.dma_semaphore, #tpu.memory_space<semaphore_mem>>)
      %dma_start3A_391 = tpu.memref_slice %arg16[%select_n3A_362, %mul3A_380] : memref<128x128xf32, #tpu.memory_space<vmem>> -> memref<1x32xf32, #tpu.memory_space<vmem>>
      %dma_start3A_392 = tpu.memref_squeeze %dma_start3A_391 : memref<1x32xf32, #tpu.memory_space<vmem>> -> memref<32xf32, #tpu.memory_space<vmem>>
      %dma_start3A_393 = arith.constant 0 : i32
      %dma_start3A_394 = tpu.memref_slice %arg6[%squeeze3A_336, %dma_start3A_393] : memref<1000000x32xf32, #tpu.memory_space<hbm>> -> memref<1x32xf32, #tpu.memory_space<hbm>>
      %dma_start3A_395 = tpu.memref_squeeze %dma_start3A_394 : memref<1x32xf32, #tpu.memory_space<hbm>> -> memref<32xf32, #tpu.memory_space<hbm>>
      %dma_start3A_396 = tpu.memref_slice %arg16[%select_n3A_362, %mul3A_380] : memref<128x128xf32, #tpu.memory_space<vmem>> -> memref<1x32xf32, #tpu.memory_space<vmem>>
      %dma_start3A_397 = tpu.memref_squeeze %dma_start3A_396 : memref<1x32xf32, #tpu.memory_space<vmem>> -> memref<32xf32, #tpu.memory_space<vmem>>
      %dma_start3A_398 = arith.constant 0 : i32
      %dma_start3A_399 = tpu.memref_slice %arg6[%squeeze3A_336, %dma_start3A_398] : memref<1000000x32xf32, #tpu.memory_space<hbm>> -> memref<1x32xf32, #tpu.memory_space<hbm>>
      %dma_start3A_400 = tpu.memref_squeeze %dma_start3A_399 : memref<1x32xf32, #tpu.memory_space<hbm>> -> memref<32xf32, #tpu.memory_space<hbm>>
      tpu.enqueue_dma source(%dma_start3A_400 : memref<32xf32, #tpu.memory_space<hbm>>) target(%dma_start3A_397 : memref<32xf32, #tpu.memory_space<vmem>>) target_semaphore(%arg20 : memref<!tpu.dma_semaphore, #tpu.memory_space<semaphore_mem>>)
      %dma_start3A_401 = tpu.memref_slice %arg17[%select_n3A_362, %mul3A_380] : memref<128x128xf32, #tpu.memory_space<vmem>> -> memref<1x32xf32, #tpu.memory_space<vmem>>
      %dma_start3A_402 = tpu.memref_squeeze %dma_start3A_401 : memref<1x32xf32, #tpu.memory_space<vmem>> -> memref<32xf32, #tpu.memory_space<vmem>>
      %dma_start3A_403 = arith.constant 0 : i32
      %dma_start3A_404 = tpu.memref_slice %arg6[%squeeze3A_338, %dma_start3A_403] : memref<1000000x32xf32, #tpu.memory_space<hbm>> -> memref<1x32xf32, #tpu.memory_space<hbm>>
      %dma_start3A_405 = tpu.memref_squeeze %dma_start3A_404 : memref<1x32xf32, #tpu.memory_space<hbm>> -> memref<32xf32, #tpu.memory_space<hbm>>
      %dma_start3A_406 = tpu.memref_slice %arg17[%select_n3A_362, %mul3A_380] : memref<128x128xf32, #tpu.memory_space<vmem>> -> memref<1x32xf32, #tpu.memory_space<vmem>>
      %dma_start3A_407 = tpu.memref_squeeze %dma_start3A_406 : memref<1x32xf32, #tpu.memory_space<vmem>> -> memref<32xf32, #tpu.memory_space<vmem>>
      %dma_start3A_408 = arith.constant 0 : i32
      %dma_start3A_409 = tpu.memref_slice %arg6[%squeeze3A_338, %dma_start3A_408] : memref<1000000x32xf32, #tpu.memory_space<hbm>> -> memref<1x32xf32, #tpu.memory_space<hbm>>
      %dma_start3A_410 = tpu.memref_squeeze %dma_start3A_409 : memref<1x32xf32, #tpu.memory_space<hbm>> -> memref<32xf32, #tpu.memory_space<hbm>>
      tpu.enqueue_dma source(%dma_start3A_410 : memref<32xf32, #tpu.memory_space<hbm>>) target(%dma_start3A_407 : memref<32xf32, #tpu.memory_space<vmem>>) target_semaphore(%arg21 : memref<!tpu.dma_semaphore, #tpu.memory_space<semaphore_mem>>)
      %mul3A_411 = arith.constant 16 : i32
      %mul3A_412 = arith.muli %scan3A_35, %mul3A_411 : i32
      %add3A_413 = arith.constant 4 : i32
      %add3A_414 = arith.addi %mul3A_412, %add3A_413 : i32
      %slice3A_415 = vector.extract_strided_slice %get3A_39 {offsets = [4], sizes = [1], strides = [1]} : vector<16xi32> to vector<1xi32>
      %squeeze3A_416 = vector.extract %slice3A_415[0] : i32 from vector<1xi32>
      %slice3A_417 = vector.extract_strided_slice %get3A_44 {offsets = [4], sizes = [1], strides = [1]} : vector<16xi32> to vector<1xi32>
      %squeeze3A_418 = vector.extract %slice3A_417[0] : i32 from vector<1xi32>
      %slice3A_419 = vector.extract_strided_slice %get3A_49 {offsets = [4], sizes = [1], strides = [1]} : vector<16xi32> to vector<1xi32>
      %squeeze3A_420 = vector.extract %slice3A_419[0] : i32 from vector<1xi32>
      %jit3A_421 = arith.constant 4 : i32
      %div3A_422 = arith.divsi %add3A_414, %jit3A_421 : i32
      %sign3A_423 = arith.constant 0 : i32
      %sign3A_424 = arith.cmpi sgt, %add3A_414, %sign3A_423 : i32
      %sign3A_425 = arith.extui %sign3A_424 : i1 to i32
      %sign3A_426 = arith.constant 0 : i32
      %sign3A_427 = arith.cmpi slt, %add3A_414, %sign3A_426 : i32
      %sign3A_428 = arith.extui %sign3A_427 : i1 to i32
      %sign3A_429 = arith.subi %sign3A_425, %sign3A_428 : i32
      %sign3A_430 = arith.constant 0 : i32
      %sign3A_431 = arith.cmpi sgt, %jit3A_421, %sign3A_430 : i32
      %sign3A_432 = arith.extui %sign3A_431 : i1 to i32
      %sign3A_433 = arith.constant 0 : i32
      %sign3A_434 = arith.cmpi slt, %jit3A_421, %sign3A_433 : i32
      %sign3A_435 = arith.extui %sign3A_434 : i1 to i32
      %sign3A_436 = arith.subi %sign3A_432, %sign3A_435 : i32
      %ne3A_437 = arith.cmpi ne, %sign3A_429, %sign3A_436 : i32
      %rem3A_438 = arith.remsi %add3A_414, %jit3A_421 : i32
      %ne3A_439 = arith.constant 0 : i32
      %ne3A_440 = arith.cmpi ne, %rem3A_438, %ne3A_439 : i32
      %and3A_441 = arith.andi %ne3A_437, %ne3A_440 : i1
      %sub3A_442 = arith.constant 1 : i32
      %sub3A_443 = arith.subi %div3A_422, %sub3A_442 : i32
      %select_n3A_444 = arith.select %and3A_441, %sub3A_443, %div3A_422 : i32
      %jit3A_445 = arith.constant 4 : i32
      %eq3A_446 = arith.constant 0 : i32
      %eq3A_447 = arith.cmpi eq, %jit3A_445, %eq3A_446 : i32
      %jit3A_448 = arith.constant 1 : i32
      %select_n3A_449 = arith.select %eq3A_447, %jit3A_448, %jit3A_445 : i32
      %rem3A_450 = arith.remsi %add3A_414, %select_n3A_449 : i32
      %ne3A_451 = arith.constant 0 : i32
      %ne3A_452 = arith.cmpi ne, %rem3A_450, %ne3A_451 : i32
      %lt3A_453 = arith.constant 0 : i32
      %lt3A_454 = arith.cmpi slt, %rem3A_450, %lt3A_453 : i32
      %lt3A_455 = arith.constant 0 : i32
      %lt3A_456 = arith.cmpi slt, %select_n3A_449, %lt3A_455 : i32
      %ne3A_457 = arith.xori %lt3A_454, %lt3A_456 : i1
      %and3A_458 = arith.andi %ne3A_457, %ne3A_452 : i1
      %add3A_459 = arith.addi %rem3A_450, %select_n3A_449 : i32
      %select_n3A_460 = arith.select %and3A_458, %add3A_459, %rem3A_450 : i32
      %mul3A_461 = arith.constant 32 : i32
      %mul3A_462 = arith.muli %select_n3A_460, %mul3A_461 : i32
      %dma_start3A_463 = tpu.memref_slice %arg15[%select_n3A_444, %mul3A_462] : memref<128x128xf32, #tpu.memory_space<vmem>> -> memref<1x32xf32, #tpu.memory_space<vmem>>
      %dma_start3A_464 = tpu.memref_squeeze %dma_start3A_463 : memref<1x32xf32, #tpu.memory_space<vmem>> -> memref<32xf32, #tpu.memory_space<vmem>>
      %dma_start3A_465 = arith.constant 0 : i32
      %dma_start3A_466 = tpu.memref_slice %arg5[%squeeze3A_416, %dma_start3A_465] : memref<1000000x32xf32, #tpu.memory_space<hbm>> -> memref<1x32xf32, #tpu.memory_space<hbm>>
      %dma_start3A_467 = tpu.memref_squeeze %dma_start3A_466 : memref<1x32xf32, #tpu.memory_space<hbm>> -> memref<32xf32, #tpu.memory_space<hbm>>
      %dma_start3A_468 = tpu.memref_slice %arg15[%select_n3A_444, %mul3A_462] : memref<128x128xf32, #tpu.memory_space<vmem>> -> memref<1x32xf32, #tpu.memory_space<vmem>>
      %dma_start3A_469 = tpu.memref_squeeze %dma_start3A_468 : memref<1x32xf32, #tpu.memory_space<vmem>> -> memref<32xf32, #tpu.memory_space<vmem>>
      %dma_start3A_470 = arith.constant 0 : i32
      %dma_start3A_471 = tpu.memref_slice %arg5[%squeeze3A_416, %dma_start3A_470] : memref<1000000x32xf32, #tpu.memory_space<hbm>> -> memref<1x32xf32, #tpu.memory_space<hbm>>
      %dma_start3A_472 = tpu.memref_squeeze %dma_start3A_471 : memref<1x32xf32, #tpu.memory_space<hbm>> -> memref<32xf32, #tpu.memory_space<hbm>>
      tpu.enqueue_dma source(%dma_start3A_472 : memref<32xf32, #tpu.memory_space<hbm>>) target(%dma_start3A_469 : memref<32xf32, #tpu.memory_space<vmem>>) target_semaphore(%arg19 : memref<!tpu.dma_semaphore, #tpu.memory_space<semaphore_mem>>)
      %dma_start3A_473 = tpu.memref_slice %arg16[%select_n3A_444, %mul3A_462] : memref<128x128xf32, #tpu.memory_space<vmem>> -> memref<1x32xf32, #tpu.memory_space<vmem>>
      %dma_start3A_474 = tpu.memref_squeeze %dma_start3A_473 : memref<1x32xf32, #tpu.memory_space<vmem>> -> memref<32xf32, #tpu.memory_space<vmem>>
      %dma_start3A_475 = arith.constant 0 : i32
      %dma_start3A_476 = tpu.memref_slice %arg6[%squeeze3A_418, %dma_start3A_475] : memref<1000000x32xf32, #tpu.memory_space<hbm>> -> memref<1x32xf32, #tpu.memory_space<hbm>>
      %dma_start3A_477 = tpu.memref_squeeze %dma_start3A_476 : memref<1x32xf32, #tpu.memory_space<hbm>> -> memref<32xf32, #tpu.memory_space<hbm>>
      %dma_start3A_478 = tpu.memref_slice %arg16[%select_n3A_444, %mul3A_462] : memref<128x128xf32, #tpu.memory_space<vmem>> -> memref<1x32xf32, #tpu.memory_space<vmem>>
      %dma_start3A_479 = tpu.memref_squeeze %dma_start3A_478 : memref<1x32xf32, #tpu.memory_space<vmem>> -> memref<32xf32, #tpu.memory_space<vmem>>
      %dma_start3A_480 = arith.constant 0 : i32
      %dma_start3A_481 = tpu.memref_slice %arg6[%squeeze3A_418, %dma_start3A_480] : memref<1000000x32xf32, #tpu.memory_space<hbm>> -> memref<1x32xf32, #tpu.memory_space<hbm>>
      %dma_start3A_482 = tpu.memref_squeeze %dma_start3A_481 : memref<1x32xf32, #tpu.memory_space<hbm>> -> memref<32xf32, #tpu.memory_space<hbm>>
      tpu.enqueue_dma source(%dma_start3A_482 : memref<32xf32, #tpu.memory_space<hbm>>) target(%dma_start3A_479 : memref<32xf32, #tpu.memory_space<vmem>>) target_semaphore(%arg20 : memref<!tpu.dma_semaphore, #tpu.memory_space<semaphore_mem>>)
      %dma_start3A_483 = tpu.memref_slice %arg17[%select_n3A_444, %mul3A_462] : memref<128x128xf32, #tpu.memory_space<vmem>> -> memref<1x32xf32, #tpu.memory_space<vmem>>
      %dma_start3A_484 = tpu.memref_squeeze %dma_start3A_483 : memref<1x32xf32, #tpu.memory_space<vmem>> -> memref<32xf32, #tpu.memory_space<vmem>>
      %dma_start3A_485 = arith.constant 0 : i32
      %dma_start3A_486 = tpu.memref_slice %arg6[%squeeze3A_420, %dma_start3A_485] : memref<1000000x32xf32, #tpu.memory_space<hbm>> -> memref<1x32xf32, #tpu.memory_space<hbm>>
      %dma_start3A_487 = tpu.memref_squeeze %dma_start3A_486 : memref<1x32xf32, #tpu.memory_space<hbm>> -> memref<32xf32, #tpu.memory_space<hbm>>
      %dma_start3A_488 = tpu.memref_slice %arg17[%select_n3A_444, %mul3A_462] : memref<128x128xf32, #tpu.memory_space<vmem>> -> memref<1x32xf32, #tpu.memory_space<vmem>>
      %dma_start3A_489 = tpu.memref_squeeze %dma_start3A_488 : memref<1x32xf32, #tpu.memory_space<vmem>> -> memref<32xf32, #tpu.memory_space<vmem>>
      %dma_start3A_490 = arith.constant 0 : i32
      %dma_start3A_491 = tpu.memref_slice %arg6[%squeeze3A_420, %dma_start3A_490] : memref<1000000x32xf32, #tpu.memory_space<hbm>> -> memref<1x32xf32, #tpu.memory_space<hbm>>
      %dma_start3A_492 = tpu.memref_squeeze %dma_start3A_491 : memref<1x32xf32, #tpu.memory_space<hbm>> -> memref<32xf32, #tpu.memory_space<hbm>>
      tpu.enqueue_dma source(%dma_start3A_492 : memref<32xf32, #tpu.memory_space<hbm>>) target(%dma_start3A_489 : memref<32xf32, #tpu.memory_space<vmem>>) target_semaphore(%arg21 : memref<!tpu.dma_semaphore, #tpu.memory_space<semaphore_mem>>)
      %mul3A_493 = arith.constant 16 : i32
      %mul3A_494 = arith.muli %scan3A_35, %mul3A_493 : i32
      %add3A_495 = arith.constant 5 : i32
      %add3A_496 = arith.addi %mul3A_494, %add3A_495 : i32
      %slice3A_497 = vector.extract_strided_slice %get3A_39 {offsets = [5], sizes = [1], strides = [1]} : vector<16xi32> to vector<1xi32>
      %squeeze3A_498 = vector.extract %slice3A_497[0] : i32 from vector<1xi32>
      %slice3A_499 = vector.extract_strided_slice %get3A_44 {offsets = [5], sizes = [1], strides = [1]} : vector<16xi32> to vector<1xi32>
      %squeeze3A_500 = vector.extract %slice3A_499[0] : i32 from vector<1xi32>
      %slice3A_501 = vector.extract_strided_slice %get3A_49 {offsets = [5], sizes = [1], strides = [1]} : vector<16xi32> to vector<1xi32>
      %squeeze3A_502 = vector.extract %slice3A_501[0] : i32 from vector<1xi32>
      %jit3A_503 = arith.constant 4 : i32
      %div3A_504 = arith.divsi %add3A_496, %jit3A_503 : i32
      %sign3A_505 = arith.constant 0 : i32
      %sign3A_506 = arith.cmpi sgt, %add3A_496, %sign3A_505 : i32
      %sign3A_507 = arith.extui %sign3A_506 : i1 to i32
      %sign3A_508 = arith.constant 0 : i32
      %sign3A_509 = arith.cmpi slt, %add3A_496, %sign3A_508 : i32
      %sign3A_510 = arith.extui %sign3A_509 : i1 to i32
      %sign3A_511 = arith.subi %sign3A_507, %sign3A_510 : i32
      %sign3A_512 = arith.constant 0 : i32
      %sign3A_513 = arith.cmpi sgt, %jit3A_503, %sign3A_512 : i32
      %sign3A_514 = arith.extui %sign3A_513 : i1 to i32
      %sign3A_515 = arith.constant 0 : i32
      %sign3A_516 = arith.cmpi slt, %jit3A_503, %sign3A_515 : i32
      %sign3A_517 = arith.extui %sign3A_516 : i1 to i32
      %sign3A_518 = arith.subi %sign3A_514, %sign3A_517 : i32
      %ne3A_519 = arith.cmpi ne, %sign3A_511, %sign3A_518 : i32
      %rem3A_520 = arith.remsi %add3A_496, %jit3A_503 : i32
      %ne3A_521 = arith.constant 0 : i32
      %ne3A_522 = arith.cmpi ne, %rem3A_520, %ne3A_521 : i32
      %and3A_523 = arith.andi %ne3A_519, %ne3A_522 : i1
      %sub3A_524 = arith.constant 1 : i32
      %sub3A_525 = arith.subi %div3A_504, %sub3A_524 : i32
      %select_n3A_526 = arith.select %and3A_523, %sub3A_525, %div3A_504 : i32
      %jit3A_527 = arith.constant 4 : i32
      %eq3A_528 = arith.constant 0 : i32
      %eq3A_529 = arith.cmpi eq, %jit3A_527, %eq3A_528 : i32
      %jit3A_530 = arith.constant 1 : i32
      %select_n3A_531 = arith.select %eq3A_529, %jit3A_530, %jit3A_527 : i32
      %rem3A_532 = arith.remsi %add3A_496, %select_n3A_531 : i32
      %ne3A_533 = arith.constant 0 : i32
      %ne3A_534 = arith.cmpi ne, %rem3A_532, %ne3A_533 : i32
      %lt3A_535 = arith.constant 0 : i32
      %lt3A_536 = arith.cmpi slt, %rem3A_532, %lt3A_535 : i32
      %lt3A_537 = arith.constant 0 : i32
      %lt3A_538 = arith.cmpi slt, %select_n3A_531, %lt3A_537 : i32
      %ne3A_539 = arith.xori %lt3A_536, %lt3A_538 : i1
      %and3A_540 = arith.andi %ne3A_539, %ne3A_534 : i1
      %add3A_541 = arith.addi %rem3A_532, %select_n3A_531 : i32
      %select_n3A_542 = arith.select %and3A_540, %add3A_541, %rem3A_532 : i32
      %mul3A_543 = arith.constant 32 : i32
      %mul3A_544 = arith.muli %select_n3A_542, %mul3A_543 : i32
      %dma_start3A_545 = tpu.memref_slice %arg15[%select_n3A_526, %mul3A_544] : memref<128x128xf32, #tpu.memory_space<vmem>> -> memref<1x32xf32, #tpu.memory_space<vmem>>
      %dma_start3A_546 = tpu.memref_squeeze %dma_start3A_545 : memref<1x32xf32, #tpu.memory_space<vmem>> -> memref<32xf32, #tpu.memory_space<vmem>>
      %dma_start3A_547 = arith.constant 0 : i32
      %dma_start3A_548 = tpu.memref_slice %arg5[%squeeze3A_498, %dma_start3A_547] : memref<1000000x32xf32, #tpu.memory_space<hbm>> -> memref<1x32xf32, #tpu.memory_space<hbm>>
      %dma_start3A_549 = tpu.memref_squeeze %dma_start3A_548 : memref<1x32xf32, #tpu.memory_space<hbm>> -> memref<32xf32, #tpu.memory_space<hbm>>
      %dma_start3A_550 = tpu.memref_slice %arg15[%select_n3A_526, %mul3A_544] : memref<128x128xf32, #tpu.memory_space<vmem>> -> memref<1x32xf32, #tpu.memory_space<vmem>>
      %dma_start3A_551 = tpu.memref_squeeze %dma_start3A_550 : memref<1x32xf32, #tpu.memory_space<vmem>> -> memref<32xf32, #tpu.memory_space<vmem>>
      %dma_start3A_552 = arith.constant 0 : i32
      %dma_start3A_553 = tpu.memref_slice %arg5[%squeeze3A_498, %dma_start3A_552] : memref<1000000x32xf32, #tpu.memory_space<hbm>> -> memref<1x32xf32, #tpu.memory_space<hbm>>
      %dma_start3A_554 = tpu.memref_squeeze %dma_start3A_553 : memref<1x32xf32, #tpu.memory_space<hbm>> -> memref<32xf32, #tpu.memory_space<hbm>>
      tpu.enqueue_dma source(%dma_start3A_554 : memref<32xf32, #tpu.memory_space<hbm>>) target(%dma_start3A_551 : memref<32xf32, #tpu.memory_space<vmem>>) target_semaphore(%arg19 : memref<!tpu.dma_semaphore, #tpu.memory_space<semaphore_mem>>)
      %dma_start3A_555 = tpu.memref_slice %arg16[%select_n3A_526, %mul3A_544] : memref<128x128xf32, #tpu.memory_space<vmem>> -> memref<1x32xf32, #tpu.memory_space<vmem>>
      %dma_start3A_556 = tpu.memref_squeeze %dma_start3A_555 : memref<1x32xf32, #tpu.memory_space<vmem>> -> memref<32xf32, #tpu.memory_space<vmem>>
      %dma_start3A_557 = arith.constant 0 : i32
      %dma_start3A_558 = tpu.memref_slice %arg6[%squeeze3A_500, %dma_start3A_557] : memref<1000000x32xf32, #tpu.memory_space<hbm>> -> memref<1x32xf32, #tpu.memory_space<hbm>>
      %dma_start3A_559 = tpu.memref_squeeze %dma_start3A_558 : memref<1x32xf32, #tpu.memory_space<hbm>> -> memref<32xf32, #tpu.memory_space<hbm>>
      %dma_start3A_560 = tpu.memref_slice %arg16[%select_n3A_526, %mul3A_544] : memref<128x128xf32, #tpu.memory_space<vmem>> -> memref<1x32xf32, #tpu.memory_space<vmem>>
      %dma_start3A_561 = tpu.memref_squeeze %dma_start3A_560 : memref<1x32xf32, #tpu.memory_space<vmem>> -> memref<32xf32, #tpu.memory_space<vmem>>
      %dma_start3A_562 = arith.constant 0 : i32
      %dma_start3A_563 = tpu.memref_slice %arg6[%squeeze3A_500, %dma_start3A_562] : memref<1000000x32xf32, #tpu.memory_space<hbm>> -> memref<1x32xf32, #tpu.memory_space<hbm>>
      %dma_start3A_564 = tpu.memref_squeeze %dma_start3A_563 : memref<1x32xf32, #tpu.memory_space<hbm>> -> memref<32xf32, #tpu.memory_space<hbm>>
      tpu.enqueue_dma source(%dma_start3A_564 : memref<32xf32, #tpu.memory_space<hbm>>) target(%dma_start3A_561 : memref<32xf32, #tpu.memory_space<vmem>>) target_semaphore(%arg20 : memref<!tpu.dma_semaphore, #tpu.memory_space<semaphore_mem>>)
      %dma_start3A_565 = tpu.memref_slice %arg17[%select_n3A_526, %mul3A_544] : memref<128x128xf32, #tpu.memory_space<vmem>> -> memref<1x32xf32, #tpu.memory_space<vmem>>
      %dma_start3A_566 = tpu.memref_squeeze %dma_start3A_565 : memref<1x32xf32, #tpu.memory_space<vmem>> -> memref<32xf32, #tpu.memory_space<vmem>>
      %dma_start3A_567 = arith.constant 0 : i32
      %dma_start3A_568 = tpu.memref_slice %arg6[%squeeze3A_502, %dma_start3A_567] : memref<1000000x32xf32, #tpu.memory_space<hbm>> -> memref<1x32xf32, #tpu.memory_space<hbm>>
      %dma_start3A_569 = tpu.memref_squeeze %dma_start3A_568 : memref<1x32xf32, #tpu.memory_space<hbm>> -> memref<32xf32, #tpu.memory_space<hbm>>
      %dma_start3A_570 = tpu.memref_slice %arg17[%select_n3A_526, %mul3A_544] : memref<128x128xf32, #tpu.memory_space<vmem>> -> memref<1x32xf32, #tpu.memory_space<vmem>>
      %dma_start3A_571 = tpu.memref_squeeze %dma_start3A_570 : memref<1x32xf32, #tpu.memory_space<vmem>> -> memref<32xf32, #tpu.memory_space<vmem>>
      %dma_start3A_572 = arith.constant 0 : i32
      %dma_start3A_573 = tpu.memref_slice %arg6[%squeeze3A_502, %dma_start3A_572] : memref<1000000x32xf32, #tpu.memory_space<hbm>> -> memref<1x32xf32, #tpu.memory_space<hbm>>
      %dma_start3A_574 = tpu.memref_squeeze %dma_start3A_573 : memref<1x32xf32, #tpu.memory_space<hbm>> -> memref<32xf32, #tpu.memory_space<hbm>>
      tpu.enqueue_dma source(%dma_start3A_574 : memref<32xf32, #tpu.memory_space<hbm>>) target(%dma_start3A_571 : memref<32xf32, #tpu.memory_space<vmem>>) target_semaphore(%arg21 : memref<!tpu.dma_semaphore, #tpu.memory_space<semaphore_mem>>)
      %mul3A_575 = arith.constant 16 : i32
      %mul3A_576 = arith.muli %scan3A_35, %mul3A_575 : i32
      %add3A_577 = arith.constant 6 : i32
      %add3A_578 = arith.addi %mul3A_576, %add3A_577 : i32
      %slice3A_579 = vector.extract_strided_slice %get3A_39 {offsets = [6], sizes = [1], strides = [1]} : vector<16xi32> to vector<1xi32>
      %squeeze3A_580 = vector.extract %slice3A_579[0] : i32 from vector<1xi32>
      %slice3A_581 = vector.extract_strided_slice %get3A_44 {offsets = [6], sizes = [1], strides = [1]} : vector<16xi32> to vector<1xi32>
      %squeeze3A_582 = vector.extract %slice3A_581[0] : i32 from vector<1xi32>
      %slice3A_583 = vector.extract_strided_slice %get3A_49 {offsets = [6], sizes = [1], strides = [1]} : vector<16xi32> to vector<1xi32>
      %squeeze3A_584 = vector.extract %slice3A_583[0] : i32 from vector<1xi32>
      %jit3A_585 = arith.constant 4 : i32
      %div3A_586 = arith.divsi %add3A_578, %jit3A_585 : i32
      %sign3A_587 = arith.constant 0 : i32
      %sign3A_588 = arith.cmpi sgt, %add3A_578, %sign3A_587 : i32
      %sign3A_589 = arith.extui %sign3A_588 : i1 to i32
      %sign3A_590 = arith.constant 0 : i32
      %sign3A_591 = arith.cmpi slt, %add3A_578, %sign3A_590 : i32
      %sign3A_592 = arith.extui %sign3A_591 : i1 to i32
      %sign3A_593 = arith.subi %sign3A_589, %sign3A_592 : i32
      %sign3A_594 = arith.constant 0 : i32
      %sign3A_595 = arith.cmpi sgt, %jit3A_585, %sign3A_594 : i32
      %sign3A_596 = arith.extui %sign3A_595 : i1 to i32
      %sign3A_597 = arith.constant 0 : i32
      %sign3A_598 = arith.cmpi slt, %jit3A_585, %sign3A_597 : i32
      %sign3A_599 = arith.extui %sign3A_598 : i1 to i32
      %sign3A_600 = arith.subi %sign3A_596, %sign3A_599 : i32
      %ne3A_601 = arith.cmpi ne, %sign3A_593, %sign3A_600 : i32
      %rem3A_602 = arith.remsi %add3A_578, %jit3A_585 : i32
      %ne3A_603 = arith.constant 0 : i32
      %ne3A_604 = arith.cmpi ne, %rem3A_602, %ne3A_603 : i32
      %and3A_605 = arith.andi %ne3A_601, %ne3A_604 : i1
      %sub3A_606 = arith.constant 1 : i32
      %sub3A_607 = arith.subi %div3A_586, %sub3A_606 : i32
      %select_n3A_608 = arith.select %and3A_605, %sub3A_607, %div3A_586 : i32
      %jit3A_609 = arith.constant 4 : i32
      %eq3A_610 = arith.constant 0 : i32
      %eq3A_611 = arith.cmpi eq, %jit3A_609, %eq3A_610 : i32
      %jit3A_612 = arith.constant 1 : i32
      %select_n3A_613 = arith.select %eq3A_611, %jit3A_612, %jit3A_609 : i32
      %rem3A_614 = arith.remsi %add3A_578, %select_n3A_613 : i32
      %ne3A_615 = arith.constant 0 : i32
      %ne3A_616 = arith.cmpi ne, %rem3A_614, %ne3A_615 : i32
      %lt3A_617 = arith.constant 0 : i32
      %lt3A_618 = arith.cmpi slt, %rem3A_614, %lt3A_617 : i32
      %lt3A_619 = arith.constant 0 : i32
      %lt3A_620 = arith.cmpi slt, %select_n3A_613, %lt3A_619 : i32
      %ne3A_621 = arith.xori %lt3A_618, %lt3A_620 : i1
      %and3A_622 = arith.andi %ne3A_621, %ne3A_616 : i1
      %add3A_623 = arith.addi %rem3A_614, %select_n3A_613 : i32
      %select_n3A_624 = arith.select %and3A_622, %add3A_623, %rem3A_614 : i32
      %mul3A_625 = arith.constant 32 : i32
      %mul3A_626 = arith.muli %select_n3A_624, %mul3A_625 : i32
      %dma_start3A_627 = tpu.memref_slice %arg15[%select_n3A_608, %mul3A_626] : memref<128x128xf32, #tpu.memory_space<vmem>> -> memref<1x32xf32, #tpu.memory_space<vmem>>
      %dma_start3A_628 = tpu.memref_squeeze %dma_start3A_627 : memref<1x32xf32, #tpu.memory_space<vmem>> -> memref<32xf32, #tpu.memory_space<vmem>>
      %dma_start3A_629 = arith.constant 0 : i32
      %dma_start3A_630 = tpu.memref_slice %arg5[%squeeze3A_580, %dma_start3A_629] : memref<1000000x32xf32, #tpu.memory_space<hbm>> -> memref<1x32xf32, #tpu.memory_space<hbm>>
      %dma_start3A_631 = tpu.memref_squeeze %dma_start3A_630 : memref<1x32xf32, #tpu.memory_space<hbm>> -> memref<32xf32, #tpu.memory_space<hbm>>
      %dma_start3A_632 = tpu.memref_slice %arg15[%select_n3A_608, %mul3A_626] : memref<128x128xf32, #tpu.memory_space<vmem>> -> memref<1x32xf32, #tpu.memory_space<vmem>>
      %dma_start3A_633 = tpu.memref_squeeze %dma_start3A_632 : memref<1x32xf32, #tpu.memory_space<vmem>> -> memref<32xf32, #tpu.memory_space<vmem>>
      %dma_start3A_634 = arith.constant 0 : i32
      %dma_start3A_635 = tpu.memref_slice %arg5[%squeeze3A_580, %dma_start3A_634] : memref<1000000x32xf32, #tpu.memory_space<hbm>> -> memref<1x32xf32, #tpu.memory_space<hbm>>
      %dma_start3A_636 = tpu.memref_squeeze %dma_start3A_635 : memref<1x32xf32, #tpu.memory_space<hbm>> -> memref<32xf32, #tpu.memory_space<hbm>>
      tpu.enqueue_dma source(%dma_start3A_636 : memref<32xf32, #tpu.memory_space<hbm>>) target(%dma_start3A_633 : memref<32xf32, #tpu.memory_space<vmem>>) target_semaphore(%arg19 : memref<!tpu.dma_semaphore, #tpu.memory_space<semaphore_mem>>)
      %dma_start3A_637 = tpu.memref_slice %arg16[%select_n3A_608, %mul3A_626] : memref<128x128xf32, #tpu.memory_space<vmem>> -> memref<1x32xf32, #tpu.memory_space<vmem>>
      %dma_start3A_638 = tpu.memref_squeeze %dma_start3A_637 : memref<1x32xf32, #tpu.memory_space<vmem>> -> memref<32xf32, #tpu.memory_space<vmem>>
      %dma_start3A_639 = arith.constant 0 : i32
      %dma_start3A_640 = tpu.memref_slice %arg6[%squeeze3A_582, %dma_start3A_639] : memref<1000000x32xf32, #tpu.memory_space<hbm>> -> memref<1x32xf32, #tpu.memory_space<hbm>>
      %dma_start3A_641 = tpu.memref_squeeze %dma_start3A_640 : memref<1x32xf32, #tpu.memory_space<hbm>> -> memref<32xf32, #tpu.memory_space<hbm>>
      %dma_start3A_642 = tpu.memref_slice %arg16[%select_n3A_608, %mul3A_626] : memref<128x128xf32, #tpu.memory_space<vmem>> -> memref<1x32xf32, #tpu.memory_space<vmem>>
      %dma_start3A_643 = tpu.memref_squeeze %dma_start3A_642 : memref<1x32xf32, #tpu.memory_space<vmem>> -> memref<32xf32, #tpu.memory_space<vmem>>
      %dma_start3A_644 = arith.constant 0 : i32
      %dma_start3A_645 = tpu.memref_slice %arg6[%squeeze3A_582, %dma_start3A_644] : memref<1000000x32xf32, #tpu.memory_space<hbm>> -> memref<1x32xf32, #tpu.memory_space<hbm>>
      %dma_start3A_646 = tpu.memref_squeeze %dma_start3A_645 : memref<1x32xf32, #tpu.memory_space<hbm>> -> memref<32xf32, #tpu.memory_space<hbm>>
      tpu.enqueue_dma source(%dma_start3A_646 : memref<32xf32, #tpu.memory_space<hbm>>) target(%dma_start3A_643 : memref<32xf32, #tpu.memory_space<vmem>>) target_semaphore(%arg20 : memref<!tpu.dma_semaphore, #tpu.memory_space<semaphore_mem>>)
      %dma_start3A_647 = tpu.memref_slice %arg17[%select_n3A_608, %mul3A_626] : memref<128x128xf32, #tpu.memory_space<vmem>> -> memref<1x32xf32, #tpu.memory_space<vmem>>
      %dma_start3A_648 = tpu.memref_squeeze %dma_start3A_647 : memref<1x32xf32, #tpu.memory_space<vmem>> -> memref<32xf32, #tpu.memory_space<vmem>>
      %dma_start3A_649 = arith.constant 0 : i32
      %dma_start3A_650 = tpu.memref_slice %arg6[%squeeze3A_584, %dma_start3A_649] : memref<1000000x32xf32, #tpu.memory_space<hbm>> -> memref<1x32xf32, #tpu.memory_space<hbm>>
      %dma_start3A_651 = tpu.memref_squeeze %dma_start3A_650 : memref<1x32xf32, #tpu.memory_space<hbm>> -> memref<32xf32, #tpu.memory_space<hbm>>
      %dma_start3A_652 = tpu.memref_slice %arg17[%select_n3A_608, %mul3A_626] : memref<128x128xf32, #tpu.memory_space<vmem>> -> memref<1x32xf32, #tpu.memory_space<vmem>>
      %dma_start3A_653 = tpu.memref_squeeze %dma_start3A_652 : memref<1x32xf32, #tpu.memory_space<vmem>> -> memref<32xf32, #tpu.memory_space<vmem>>
      %dma_start3A_654 = arith.constant 0 : i32
      %dma_start3A_655 = tpu.memref_slice %arg6[%squeeze3A_584, %dma_start3A_654] : memref<1000000x32xf32, #tpu.memory_space<hbm>> -> memref<1x32xf32, #tpu.memory_space<hbm>>
      %dma_start3A_656 = tpu.memref_squeeze %dma_start3A_655 : memref<1x32xf32, #tpu.memory_space<hbm>> -> memref<32xf32, #tpu.memory_space<hbm>>
      tpu.enqueue_dma source(%dma_start3A_656 : memref<32xf32, #tpu.memory_space<hbm>>) target(%dma_start3A_653 : memref<32xf32, #tpu.memory_space<vmem>>) target_semaphore(%arg21 : memref<!tpu.dma_semaphore, #tpu.memory_space<semaphore_mem>>)
      %mul3A_657 = arith.constant 16 : i32
      %mul3A_658 = arith.muli %scan3A_35, %mul3A_657 : i32
      %add3A_659 = arith.constant 7 : i32
      %add3A_660 = arith.addi %mul3A_658, %add3A_659 : i32
      %slice3A_661 = vector.extract_strided_slice %get3A_39 {offsets = [7], sizes = [1], strides = [1]} : vector<16xi32> to vector<1xi32>
      %squeeze3A_662 = vector.extract %slice3A_661[0] : i32 from vector<1xi32>
      %slice3A_663 = vector.extract_strided_slice %get3A_44 {offsets = [7], sizes = [1], strides = [1]} : vector<16xi32> to vector<1xi32>
      %squeeze3A_664 = vector.extract %slice3A_663[0] : i32 from vector<1xi32>
      %slice3A_665 = vector.extract_strided_slice %get3A_49 {offsets = [7], sizes = [1], strides = [1]} : vector<16xi32> to vector<1xi32>
      %squeeze3A_666 = vector.extract %slice3A_665[0] : i32 from vector<1xi32>
      %jit3A_667 = arith.constant 4 : i32
      %div3A_668 = arith.divsi %add3A_660, %jit3A_667 : i32
      %sign3A_669 = arith.constant 0 : i32
      %sign3A_670 = arith.cmpi sgt, %add3A_660, %sign3A_669 : i32
      %sign3A_671 = arith.extui %sign3A_670 : i1 to i32
      %sign3A_672 = arith.constant 0 : i32
      %sign3A_673 = arith.cmpi slt, %add3A_660, %sign3A_672 : i32
      %sign3A_674 = arith.extui %sign3A_673 : i1 to i32
      %sign3A_675 = arith.subi %sign3A_671, %sign3A_674 : i32
      %sign3A_676 = arith.constant 0 : i32
      %sign3A_677 = arith.cmpi sgt, %jit3A_667, %sign3A_676 : i32
      %sign3A_678 = arith.extui %sign3A_677 : i1 to i32
      %sign3A_679 = arith.constant 0 : i32
      %sign3A_680 = arith.cmpi slt, %jit3A_667, %sign3A_679 : i32
      %sign3A_681 = arith.extui %sign3A_680 : i1 to i32
      %sign3A_682 = arith.subi %sign3A_678, %sign3A_681 : i32
      %ne3A_683 = arith.cmpi ne, %sign3A_675, %sign3A_682 : i32
      %rem3A_684 = arith.remsi %add3A_660, %jit3A_667 : i32
      %ne3A_685 = arith.constant 0 : i32
      %ne3A_686 = arith.cmpi ne, %rem3A_684, %ne3A_685 : i32
      %and3A_687 = arith.andi %ne3A_683, %ne3A_686 : i1
      %sub3A_688 = arith.constant 1 : i32
      %sub3A_689 = arith.subi %div3A_668, %sub3A_688 : i32
      %select_n3A_690 = arith.select %and3A_687, %sub3A_689, %div3A_668 : i32
      %jit3A_691 = arith.constant 4 : i32
      %eq3A_692 = arith.constant 0 : i32
      %eq3A_693 = arith.cmpi eq, %jit3A_691, %eq3A_692 : i32
      %jit3A_694 = arith.constant 1 : i32
      %select_n3A_695 = arith.select %eq3A_693, %jit3A_694, %jit3A_691 : i32
      %rem3A_696 = arith.remsi %add3A_660, %select_n3A_695 : i32
      %ne3A_697 = arith.constant 0 : i32
      %ne3A_698 = arith.cmpi ne, %rem3A_696, %ne3A_697 : i32
      %lt3A_699 = arith.constant 0 : i32
      %lt3A_700 = arith.cmpi slt, %rem3A_696, %lt3A_699 : i32
      %lt3A_701 = arith.constant 0 : i32
      %lt3A_702 = arith.cmpi slt, %select_n3A_695, %lt3A_701 : i32
      %ne3A_703 = arith.xori %lt3A_700, %lt3A_702 : i1
      %and3A_704 = arith.andi %ne3A_703, %ne3A_698 : i1
      %add3A_705 = arith.addi %rem3A_696, %select_n3A_695 : i32
      %select_n3A_706 = arith.select %and3A_704, %add3A_705, %rem3A_696 : i32
      %mul3A_707 = arith.constant 32 : i32
      %mul3A_708 = arith.muli %select_n3A_706, %mul3A_707 : i32
      %dma_start3A_709 = tpu.memref_slice %arg15[%select_n3A_690, %mul3A_708] : memref<128x128xf32, #tpu.memory_space<vmem>> -> memref<1x32xf32, #tpu.memory_space<vmem>>
      %dma_start3A_710 = tpu.memref_squeeze %dma_start3A_709 : memref<1x32xf32, #tpu.memory_space<vmem>> -> memref<32xf32, #tpu.memory_space<vmem>>
      %dma_start3A_711 = arith.constant 0 : i32
      %dma_start3A_712 = tpu.memref_slice %arg5[%squeeze3A_662, %dma_start3A_711] : memref<1000000x32xf32, #tpu.memory_space<hbm>> -> memref<1x32xf32, #tpu.memory_space<hbm>>
      %dma_start3A_713 = tpu.memref_squeeze %dma_start3A_712 : memref<1x32xf32, #tpu.memory_space<hbm>> -> memref<32xf32, #tpu.memory_space<hbm>>
      %dma_start3A_714 = tpu.memref_slice %arg15[%select_n3A_690, %mul3A_708] : memref<128x128xf32, #tpu.memory_space<vmem>> -> memref<1x32xf32, #tpu.memory_space<vmem>>
      %dma_start3A_715 = tpu.memref_squeeze %dma_start3A_714 : memref<1x32xf32, #tpu.memory_space<vmem>> -> memref<32xf32, #tpu.memory_space<vmem>>
      %dma_start3A_716 = arith.constant 0 : i32
      %dma_start3A_717 = tpu.memref_slice %arg5[%squeeze3A_662, %dma_start3A_716] : memref<1000000x32xf32, #tpu.memory_space<hbm>> -> memref<1x32xf32, #tpu.memory_space<hbm>>
      %dma_start3A_718 = tpu.memref_squeeze %dma_start3A_717 : memref<1x32xf32, #tpu.memory_space<hbm>> -> memref<32xf32, #tpu.memory_space<hbm>>
      tpu.enqueue_dma source(%dma_start3A_718 : memref<32xf32, #tpu.memory_space<hbm>>) target(%dma_start3A_715 : memref<32xf32, #tpu.memory_space<vmem>>) target_semaphore(%arg19 : memref<!tpu.dma_semaphore, #tpu.memory_space<semaphore_mem>>)
      %dma_start3A_719 = tpu.memref_slice %arg16[%select_n3A_690, %mul3A_708] : memref<128x128xf32, #tpu.memory_space<vmem>> -> memref<1x32xf32, #tpu.memory_space<vmem>>
      %dma_start3A_720 = tpu.memref_squeeze %dma_start3A_719 : memref<1x32xf32, #tpu.memory_space<vmem>> -> memref<32xf32, #tpu.memory_space<vmem>>
      %dma_start3A_721 = arith.constant 0 : i32
      %dma_start3A_722 = tpu.memref_slice %arg6[%squeeze3A_664, %dma_start3A_721] : memref<1000000x32xf32, #tpu.memory_space<hbm>> -> memref<1x32xf32, #tpu.memory_space<hbm>>
      %dma_start3A_723 = tpu.memref_squeeze %dma_start3A_722 : memref<1x32xf32, #tpu.memory_space<hbm>> -> memref<32xf32, #tpu.memory_space<hbm>>
      %dma_start3A_724 = tpu.memref_slice %arg16[%select_n3A_690, %mul3A_708] : memref<128x128xf32, #tpu.memory_space<vmem>> -> memref<1x32xf32, #tpu.memory_space<vmem>>
      %dma_start3A_725 = tpu.memref_squeeze %dma_start3A_724 : memref<1x32xf32, #tpu.memory_space<vmem>> -> memref<32xf32, #tpu.memory_space<vmem>>
      %dma_start3A_726 = arith.constant 0 : i32
      %dma_start3A_727 = tpu.memref_slice %arg6[%squeeze3A_664, %dma_start3A_726] : memref<1000000x32xf32, #tpu.memory_space<hbm>> -> memref<1x32xf32, #tpu.memory_space<hbm>>
      %dma_start3A_728 = tpu.memref_squeeze %dma_start3A_727 : memref<1x32xf32, #tpu.memory_space<hbm>> -> memref<32xf32, #tpu.memory_space<hbm>>
      tpu.enqueue_dma source(%dma_start3A_728 : memref<32xf32, #tpu.memory_space<hbm>>) target(%dma_start3A_725 : memref<32xf32, #tpu.memory_space<vmem>>) target_semaphore(%arg20 : memref<!tpu.dma_semaphore, #tpu.memory_space<semaphore_mem>>)
      %dma_start3A_729 = tpu.memref_slice %arg17[%select_n3A_690, %mul3A_708] : memref<128x128xf32, #tpu.memory_space<vmem>> -> memref<1x32xf32, #tpu.memory_space<vmem>>
      %dma_start3A_730 = tpu.memref_squeeze %dma_start3A_729 : memref<1x32xf32, #tpu.memory_space<vmem>> -> memref<32xf32, #tpu.memory_space<vmem>>
      %dma_start3A_731 = arith.constant 0 : i32
      %dma_start3A_732 = tpu.memref_slice %arg6[%squeeze3A_666, %dma_start3A_731] : memref<1000000x32xf32, #tpu.memory_space<hbm>> -> memref<1x32xf32, #tpu.memory_space<hbm>>
      %dma_start3A_733 = tpu.memref_squeeze %dma_start3A_732 : memref<1x32xf32, #tpu.memory_space<hbm>> -> memref<32xf32, #tpu.memory_space<hbm>>
      %dma_start3A_734 = tpu.memref_slice %arg17[%select_n3A_690, %mul3A_708] : memref<128x128xf32, #tpu.memory_space<vmem>> -> memref<1x32xf32, #tpu.memory_space<vmem>>
      %dma_start3A_735 = tpu.memref_squeeze %dma_start3A_734 : memref<1x32xf32, #tpu.memory_space<vmem>> -> memref<32xf32, #tpu.memory_space<vmem>>
      %dma_start3A_736 = arith.constant 0 : i32
      %dma_start3A_737 = tpu.memref_slice %arg6[%squeeze3A_666, %dma_start3A_736] : memref<1000000x32xf32, #tpu.memory_space<hbm>> -> memref<1x32xf32, #tpu.memory_space<hbm>>
      %dma_start3A_738 = tpu.memref_squeeze %dma_start3A_737 : memref<1x32xf32, #tpu.memory_space<hbm>> -> memref<32xf32, #tpu.memory_space<hbm>>
      tpu.enqueue_dma source(%dma_start3A_738 : memref<32xf32, #tpu.memory_space<hbm>>) target(%dma_start3A_735 : memref<32xf32, #tpu.memory_space<vmem>>) target_semaphore(%arg21 : memref<!tpu.dma_semaphore, #tpu.memory_space<semaphore_mem>>)
      %mul3A_739 = arith.constant 16 : i32
      %mul3A_740 = arith.muli %scan3A_35, %mul3A_739 : i32
      %add3A_741 = arith.constant 8 : i32
      %add3A_742 = arith.addi %mul3A_740, %add3A_741 : i32
      %slice3A_743 = vector.extract_strided_slice %get3A_39 {offsets = [8], sizes = [1], strides = [1]} : vector<16xi32> to vector<1xi32>
      %squeeze3A_744 = vector.extract %slice3A_743[0] : i32 from vector<1xi32>
      %slice3A_745 = vector.extract_strided_slice %get3A_44 {offsets = [8], sizes = [1], strides = [1]} : vector<16xi32> to vector<1xi32>
      %squeeze3A_746 = vector.extract %slice3A_745[0] : i32 from vector<1xi32>
      %slice3A_747 = vector.extract_strided_slice %get3A_49 {offsets = [8], sizes = [1], strides = [1]} : vector<16xi32> to vector<1xi32>
      %squeeze3A_748 = vector.extract %slice3A_747[0] : i32 from vector<1xi32>
      %jit3A_749 = arith.constant 4 : i32
      %div3A_750 = arith.divsi %add3A_742, %jit3A_749 : i32
      %sign3A_751 = arith.constant 0 : i32
      %sign3A_752 = arith.cmpi sgt, %add3A_742, %sign3A_751 : i32
      %sign3A_753 = arith.extui %sign3A_752 : i1 to i32
      %sign3A_754 = arith.constant 0 : i32
      %sign3A_755 = arith.cmpi slt, %add3A_742, %sign3A_754 : i32
      %sign3A_756 = arith.extui %sign3A_755 : i1 to i32
      %sign3A_757 = arith.subi %sign3A_753, %sign3A_756 : i32
      %sign3A_758 = arith.constant 0 : i32
      %sign3A_759 = arith.cmpi sgt, %jit3A_749, %sign3A_758 : i32
      %sign3A_760 = arith.extui %sign3A_759 : i1 to i32
      %sign3A_761 = arith.constant 0 : i32
      %sign3A_762 = arith.cmpi slt, %jit3A_749, %sign3A_761 : i32
      %sign3A_763 = arith.extui %sign3A_762 : i1 to i32
      %sign3A_764 = arith.subi %sign3A_760, %sign3A_763 : i32
      %ne3A_765 = arith.cmpi ne, %sign3A_757, %sign3A_764 : i32
      %rem3A_766 = arith.remsi %add3A_742, %jit3A_749 : i32
      %ne3A_767 = arith.constant 0 : i32
      %ne3A_768 = arith.cmpi ne, %rem3A_766, %ne3A_767 : i32
      %and3A_769 = arith.andi %ne3A_765, %ne3A_768 : i1
      %sub3A_770 = arith.constant 1 : i32
      %sub3A_771 = arith.subi %div3A_750, %sub3A_770 : i32
      %select_n3A_772 = arith.select %and3A_769, %sub3A_771, %div3A_750 : i32
      %jit3A_773 = arith.constant 4 : i32
      %eq3A_774 = arith.constant 0 : i32
      %eq3A_775 = arith.cmpi eq, %jit3A_773, %eq3A_774 : i32
      %jit3A_776 = arith.constant 1 : i32
      %select_n3A_777 = arith.select %eq3A_775, %jit3A_776, %jit3A_773 : i32
      %rem3A_778 = arith.remsi %add3A_742, %select_n3A_777 : i32
      %ne3A_779 = arith.constant 0 : i32
      %ne3A_780 = arith.cmpi ne, %rem3A_778, %ne3A_779 : i32
      %lt3A_781 = arith.constant 0 : i32
      %lt3A_782 = arith.cmpi slt, %rem3A_778, %lt3A_781 : i32
      %lt3A_783 = arith.constant 0 : i32
      %lt3A_784 = arith.cmpi slt, %select_n3A_777, %lt3A_783 : i32
      %ne3A_785 = arith.xori %lt3A_782, %lt3A_784 : i1
      %and3A_786 = arith.andi %ne3A_785, %ne3A_780 : i1
      %add3A_787 = arith.addi %rem3A_778, %select_n3A_777 : i32
      %select_n3A_788 = arith.select %and3A_786, %add3A_787, %rem3A_778 : i32
      %mul3A_789 = arith.constant 32 : i32
      %mul3A_790 = arith.muli %select_n3A_788, %mul3A_789 : i32
      %dma_start3A_791 = tpu.memref_slice %arg15[%select_n3A_772, %mul3A_790] : memref<128x128xf32, #tpu.memory_space<vmem>> -> memref<1x32xf32, #tpu.memory_space<vmem>>
      %dma_start3A_792 = tpu.memref_squeeze %dma_start3A_791 : memref<1x32xf32, #tpu.memory_space<vmem>> -> memref<32xf32, #tpu.memory_space<vmem>>
      %dma_start3A_793 = arith.constant 0 : i32
      %dma_start3A_794 = tpu.memref_slice %arg5[%squeeze3A_744, %dma_start3A_793] : memref<1000000x32xf32, #tpu.memory_space<hbm>> -> memref<1x32xf32, #tpu.memory_space<hbm>>
      %dma_start3A_795 = tpu.memref_squeeze %dma_start3A_794 : memref<1x32xf32, #tpu.memory_space<hbm>> -> memref<32xf32, #tpu.memory_space<hbm>>
      %dma_start3A_796 = tpu.memref_slice %arg15[%select_n3A_772, %mul3A_790] : memref<128x128xf32, #tpu.memory_space<vmem>> -> memref<1x32xf32, #tpu.memory_space<vmem>>
      %dma_start3A_797 = tpu.memref_squeeze %dma_start3A_796 : memref<1x32xf32, #tpu.memory_space<vmem>> -> memref<32xf32, #tpu.memory_space<vmem>>
      %dma_start3A_798 = arith.constant 0 : i32
      %dma_start3A_799 = tpu.memref_slice %arg5[%squeeze3A_744, %dma_start3A_798] : memref<1000000x32xf32, #tpu.memory_space<hbm>> -> memref<1x32xf32, #tpu.memory_space<hbm>>
      %dma_start3A_800 = tpu.memref_squeeze %dma_start3A_799 : memref<1x32xf32, #tpu.memory_space<hbm>> -> memref<32xf32, #tpu.memory_space<hbm>>
      tpu.enqueue_dma source(%dma_start3A_800 : memref<32xf32, #tpu.memory_space<hbm>>) target(%dma_start3A_797 : memref<32xf32, #tpu.memory_space<vmem>>) target_semaphore(%arg19 : memref<!tpu.dma_semaphore, #tpu.memory_space<semaphore_mem>>)
      %dma_start3A_801 = tpu.memref_slice %arg16[%select_n3A_772, %mul3A_790] : memref<128x128xf32, #tpu.memory_space<vmem>> -> memref<1x32xf32, #tpu.memory_space<vmem>>
      %dma_start3A_802 = tpu.memref_squeeze %dma_start3A_801 : memref<1x32xf32, #tpu.memory_space<vmem>> -> memref<32xf32, #tpu.memory_space<vmem>>
      %dma_start3A_803 = arith.constant 0 : i32
      %dma_start3A_804 = tpu.memref_slice %arg6[%squeeze3A_746, %dma_start3A_803] : memref<1000000x32xf32, #tpu.memory_space<hbm>> -> memref<1x32xf32, #tpu.memory_space<hbm>>
      %dma_start3A_805 = tpu.memref_squeeze %dma_start3A_804 : memref<1x32xf32, #tpu.memory_space<hbm>> -> memref<32xf32, #tpu.memory_space<hbm>>
      %dma_start3A_806 = tpu.memref_slice %arg16[%select_n3A_772, %mul3A_790] : memref<128x128xf32, #tpu.memory_space<vmem>> -> memref<1x32xf32, #tpu.memory_space<vmem>>
      %dma_start3A_807 = tpu.memref_squeeze %dma_start3A_806 : memref<1x32xf32, #tpu.memory_space<vmem>> -> memref<32xf32, #tpu.memory_space<vmem>>
      %dma_start3A_808 = arith.constant 0 : i32
      %dma_start3A_809 = tpu.memref_slice %arg6[%squeeze3A_746, %dma_start3A_808] : memref<1000000x32xf32, #tpu.memory_space<hbm>> -> memref<1x32xf32, #tpu.memory_space<hbm>>
      %dma_start3A_810 = tpu.memref_squeeze %dma_start3A_809 : memref<1x32xf32, #tpu.memory_space<hbm>> -> memref<32xf32, #tpu.memory_space<hbm>>
      tpu.enqueue_dma source(%dma_start3A_810 : memref<32xf32, #tpu.memory_space<hbm>>) target(%dma_start3A_807 : memref<32xf32, #tpu.memory_space<vmem>>) target_semaphore(%arg20 : memref<!tpu.dma_semaphore, #tpu.memory_space<semaphore_mem>>)
      %dma_start3A_811 = tpu.memref_slice %arg17[%select_n3A_772, %mul3A_790] : memref<128x128xf32, #tpu.memory_space<vmem>> -> memref<1x32xf32, #tpu.memory_space<vmem>>
      %dma_start3A_812 = tpu.memref_squeeze %dma_start3A_811 : memref<1x32xf32, #tpu.memory_space<vmem>> -> memref<32xf32, #tpu.memory_space<vmem>>
      %dma_start3A_813 = arith.constant 0 : i32
      %dma_start3A_814 = tpu.memref_slice %arg6[%squeeze3A_748, %dma_start3A_813] : memref<1000000x32xf32, #tpu.memory_space<hbm>> -> memref<1x32xf32, #tpu.memory_space<hbm>>
      %dma_start3A_815 = tpu.memref_squeeze %dma_start3A_814 : memref<1x32xf32, #tpu.memory_space<hbm>> -> memref<32xf32, #tpu.memory_space<hbm>>
      %dma_start3A_816 = tpu.memref_slice %arg17[%select_n3A_772, %mul3A_790] : memref<128x128xf32, #tpu.memory_space<vmem>> -> memref<1x32xf32, #tpu.memory_space<vmem>>
      %dma_start3A_817 = tpu.memref_squeeze %dma_start3A_816 : memref<1x32xf32, #tpu.memory_space<vmem>> -> memref<32xf32, #tpu.memory_space<vmem>>
      %dma_start3A_818 = arith.constant 0 : i32
      %dma_start3A_819 = tpu.memref_slice %arg6[%squeeze3A_748, %dma_start3A_818] : memref<1000000x32xf32, #tpu.memory_space<hbm>> -> memref<1x32xf32, #tpu.memory_space<hbm>>
      %dma_start3A_820 = tpu.memref_squeeze %dma_start3A_819 : memref<1x32xf32, #tpu.memory_space<hbm>> -> memref<32xf32, #tpu.memory_space<hbm>>
      tpu.enqueue_dma source(%dma_start3A_820 : memref<32xf32, #tpu.memory_space<hbm>>) target(%dma_start3A_817 : memref<32xf32, #tpu.memory_space<vmem>>) target_semaphore(%arg21 : memref<!tpu.dma_semaphore, #tpu.memory_space<semaphore_mem>>)
      %mul3A_821 = arith.constant 16 : i32
      %mul3A_822 = arith.muli %scan3A_35, %mul3A_821 : i32
      %add3A_823 = arith.constant 9 : i32
      %add3A_824 = arith.addi %mul3A_822, %add3A_823 : i32
      %slice3A_825 = vector.extract_strided_slice %get3A_39 {offsets = [9], sizes = [1], strides = [1]} : vector<16xi32> to vector<1xi32>
      %squeeze3A_826 = vector.extract %slice3A_825[0] : i32 from vector<1xi32>
      %slice3A_827 = vector.extract_strided_slice %get3A_44 {offsets = [9], sizes = [1], strides = [1]} : vector<16xi32> to vector<1xi32>
      %squeeze3A_828 = vector.extract %slice3A_827[0] : i32 from vector<1xi32>
      %slice3A_829 = vector.extract_strided_slice %get3A_49 {offsets = [9], sizes = [1], strides = [1]} : vector<16xi32> to vector<1xi32>
      %squeeze3A_830 = vector.extract %slice3A_829[0] : i32 from vector<1xi32>
      %jit3A_831 = arith.constant 4 : i32
      %div3A_832 = arith.divsi %add3A_824, %jit3A_831 : i32
      %sign3A_833 = arith.constant 0 : i32
      %sign3A_834 = arith.cmpi sgt, %add3A_824, %sign3A_833 : i32
      %sign3A_835 = arith.extui %sign3A_834 : i1 to i32
      %sign3A_836 = arith.constant 0 : i32
      %sign3A_837 = arith.cmpi slt, %add3A_824, %sign3A_836 : i32
      %sign3A_838 = arith.extui %sign3A_837 : i1 to i32
      %sign3A_839 = arith.subi %sign3A_835, %sign3A_838 : i32
      %sign3A_840 = arith.constant 0 : i32
      %sign3A_841 = arith.cmpi sgt, %jit3A_831, %sign3A_840 : i32
      %sign3A_842 = arith.extui %sign3A_841 : i1 to i32
      %sign3A_843 = arith.constant 0 : i32
      %sign3A_844 = arith.cmpi slt, %jit3A_831, %sign3A_843 : i32
      %sign3A_845 = arith.extui %sign3A_844 : i1 to i32
      %sign3A_846 = arith.subi %sign3A_842, %sign3A_845 : i32
      %ne3A_847 = arith.cmpi ne, %sign3A_839, %sign3A_846 : i32
      %rem3A_848 = arith.remsi %add3A_824, %jit3A_831 : i32
      %ne3A_849 = arith.constant 0 : i32
      %ne3A_850 = arith.cmpi ne, %rem3A_848, %ne3A_849 : i32
      %and3A_851 = arith.andi %ne3A_847, %ne3A_850 : i1
      %sub3A_852 = arith.constant 1 : i32
      %sub3A_853 = arith.subi %div3A_832, %sub3A_852 : i32
      %select_n3A_854 = arith.select %and3A_851, %sub3A_853, %div3A_832 : i32
      %jit3A_855 = arith.constant 4 : i32
      %eq3A_856 = arith.constant 0 : i32
      %eq3A_857 = arith.cmpi eq, %jit3A_855, %eq3A_856 : i32
      %jit3A_858 = arith.constant 1 : i32
      %select_n3A_859 = arith.select %eq3A_857, %jit3A_858, %jit3A_855 : i32
      %rem3A_860 = arith.remsi %add3A_824, %select_n3A_859 : i32
      %ne3A_861 = arith.constant 0 : i32
      %ne3A_862 = arith.cmpi ne, %rem3A_860, %ne3A_861 : i32
      %lt3A_863 = arith.constant 0 : i32
      %lt3A_864 = arith.cmpi slt, %rem3A_860, %lt3A_863 : i32
      %lt3A_865 = arith.constant 0 : i32
      %lt3A_866 = arith.cmpi slt, %select_n3A_859, %lt3A_865 : i32
      %ne3A_867 = arith.xori %lt3A_864, %lt3A_866 : i1
      %and3A_868 = arith.andi %ne3A_867, %ne3A_862 : i1
      %add3A_869 = arith.addi %rem3A_860, %select_n3A_859 : i32
      %select_n3A_870 = arith.select %and3A_868, %add3A_869, %rem3A_860 : i32
      %mul3A_871 = arith.constant 32 : i32
      %mul3A_872 = arith.muli %select_n3A_870, %mul3A_871 : i32
      %dma_start3A_873 = tpu.memref_slice %arg15[%select_n3A_854, %mul3A_872] : memref<128x128xf32, #tpu.memory_space<vmem>> -> memref<1x32xf32, #tpu.memory_space<vmem>>
      %dma_start3A_874 = tpu.memref_squeeze %dma_start3A_873 : memref<1x32xf32, #tpu.memory_space<vmem>> -> memref<32xf32, #tpu.memory_space<vmem>>
      %dma_start3A_875 = arith.constant 0 : i32
      %dma_start3A_876 = tpu.memref_slice %arg5[%squeeze3A_826, %dma_start3A_875] : memref<1000000x32xf32, #tpu.memory_space<hbm>> -> memref<1x32xf32, #tpu.memory_space<hbm>>
      %dma_start3A_877 = tpu.memref_squeeze %dma_start3A_876 : memref<1x32xf32, #tpu.memory_space<hbm>> -> memref<32xf32, #tpu.memory_space<hbm>>
      %dma_start3A_878 = tpu.memref_slice %arg15[%select_n3A_854, %mul3A_872] : memref<128x128xf32, #tpu.memory_space<vmem>> -> memref<1x32xf32, #tpu.memory_space<vmem>>
      %dma_start3A_879 = tpu.memref_squeeze %dma_start3A_878 : memref<1x32xf32, #tpu.memory_space<vmem>> -> memref<32xf32, #tpu.memory_space<vmem>>
      %dma_start3A_880 = arith.constant 0 : i32
      %dma_start3A_881 = tpu.memref_slice %arg5[%squeeze3A_826, %dma_start3A_880] : memref<1000000x32xf32, #tpu.memory_space<hbm>> -> memref<1x32xf32, #tpu.memory_space<hbm>>
      %dma_start3A_882 = tpu.memref_squeeze %dma_start3A_881 : memref<1x32xf32, #tpu.memory_space<hbm>> -> memref<32xf32, #tpu.memory_space<hbm>>
      tpu.enqueue_dma source(%dma_start3A_882 : memref<32xf32, #tpu.memory_space<hbm>>) target(%dma_start3A_879 : memref<32xf32, #tpu.memory_space<vmem>>) target_semaphore(%arg19 : memref<!tpu.dma_semaphore, #tpu.memory_space<semaphore_mem>>)
      %dma_start3A_883 = tpu.memref_slice %arg16[%select_n3A_854, %mul3A_872] : memref<128x128xf32, #tpu.memory_space<vmem>> -> memref<1x32xf32, #tpu.memory_space<vmem>>
      %dma_start3A_884 = tpu.memref_squeeze %dma_start3A_883 : memref<1x32xf32, #tpu.memory_space<vmem>> -> memref<32xf32, #tpu.memory_space<vmem>>
      %dma_start3A_885 = arith.constant 0 : i32
      %dma_start3A_886 = tpu.memref_slice %arg6[%squeeze3A_828, %dma_start3A_885] : memref<1000000x32xf32, #tpu.memory_space<hbm>> -> memref<1x32xf32, #tpu.memory_space<hbm>>
      %dma_start3A_887 = tpu.memref_squeeze %dma_start3A_886 : memref<1x32xf32, #tpu.memory_space<hbm>> -> memref<32xf32, #tpu.memory_space<hbm>>
      %dma_start3A_888 = tpu.memref_slice %arg16[%select_n3A_854, %mul3A_872] : memref<128x128xf32, #tpu.memory_space<vmem>> -> memref<1x32xf32, #tpu.memory_space<vmem>>
      %dma_start3A_889 = tpu.memref_squeeze %dma_start3A_888 : memref<1x32xf32, #tpu.memory_space<vmem>> -> memref<32xf32, #tpu.memory_space<vmem>>
      %dma_start3A_890 = arith.constant 0 : i32
      %dma_start3A_891 = tpu.memref_slice %arg6[%squeeze3A_828, %dma_start3A_890] : memref<1000000x32xf32, #tpu.memory_space<hbm>> -> memref<1x32xf32, #tpu.memory_space<hbm>>
      %dma_start3A_892 = tpu.memref_squeeze %dma_start3A_891 : memref<1x32xf32, #tpu.memory_space<hbm>> -> memref<32xf32, #tpu.memory_space<hbm>>
      tpu.enqueue_dma source(%dma_start3A_892 : memref<32xf32, #tpu.memory_space<hbm>>) target(%dma_start3A_889 : memref<32xf32, #tpu.memory_space<vmem>>) target_semaphore(%arg20 : memref<!tpu.dma_semaphore, #tpu.memory_space<semaphore_mem>>)
      %dma_start3A_893 = tpu.memref_slice %arg17[%select_n3A_854, %mul3A_872] : memref<128x128xf32, #tpu.memory_space<vmem>> -> memref<1x32xf32, #tpu.memory_space<vmem>>
      %dma_start3A_894 = tpu.memref_squeeze %dma_start3A_893 : memref<1x32xf32, #tpu.memory_space<vmem>> -> memref<32xf32, #tpu.memory_space<vmem>>
      %dma_start3A_895 = arith.constant 0 : i32
      %dma_start3A_896 = tpu.memref_slice %arg6[%squeeze3A_830, %dma_start3A_895] : memref<1000000x32xf32, #tpu.memory_space<hbm>> -> memref<1x32xf32, #tpu.memory_space<hbm>>
      %dma_start3A_897 = tpu.memref_squeeze %dma_start3A_896 : memref<1x32xf32, #tpu.memory_space<hbm>> -> memref<32xf32, #tpu.memory_space<hbm>>
      %dma_start3A_898 = tpu.memref_slice %arg17[%select_n3A_854, %mul3A_872] : memref<128x128xf32, #tpu.memory_space<vmem>> -> memref<1x32xf32, #tpu.memory_space<vmem>>
      %dma_start3A_899 = tpu.memref_squeeze %dma_start3A_898 : memref<1x32xf32, #tpu.memory_space<vmem>> -> memref<32xf32, #tpu.memory_space<vmem>>
      %dma_start3A_900 = arith.constant 0 : i32
      %dma_start3A_901 = tpu.memref_slice %arg6[%squeeze3A_830, %dma_start3A_900] : memref<1000000x32xf32, #tpu.memory_space<hbm>> -> memref<1x32xf32, #tpu.memory_space<hbm>>
      %dma_start3A_902 = tpu.memref_squeeze %dma_start3A_901 : memref<1x32xf32, #tpu.memory_space<hbm>> -> memref<32xf32, #tpu.memory_space<hbm>>
      tpu.enqueue_dma source(%dma_start3A_902 : memref<32xf32, #tpu.memory_space<hbm>>) target(%dma_start3A_899 : memref<32xf32, #tpu.memory_space<vmem>>) target_semaphore(%arg21 : memref<!tpu.dma_semaphore, #tpu.memory_space<semaphore_mem>>)
      %mul3A_903 = arith.constant 16 : i32
      %mul3A_904 = arith.muli %scan3A_35, %mul3A_903 : i32
      %add3A_905 = arith.constant 10 : i32
      %add3A_906 = arith.addi %mul3A_904, %add3A_905 : i32
      %slice3A_907 = vector.extract_strided_slice %get3A_39 {offsets = [10], sizes = [1], strides = [1]} : vector<16xi32> to vector<1xi32>
      %squeeze3A_908 = vector.extract %slice3A_907[0] : i32 from vector<1xi32>
      %slice3A_909 = vector.extract_strided_slice %get3A_44 {offsets = [10], sizes = [1], strides = [1]} : vector<16xi32> to vector<1xi32>
      %squeeze3A_910 = vector.extract %slice3A_909[0] : i32 from vector<1xi32>
      %slice3A_911 = vector.extract_strided_slice %get3A_49 {offsets = [10], sizes = [1], strides = [1]} : vector<16xi32> to vector<1xi32>
      %squeeze3A_912 = vector.extract %slice3A_911[0] : i32 from vector<1xi32>
      %jit3A_913 = arith.constant 4 : i32
      %div3A_914 = arith.divsi %add3A_906, %jit3A_913 : i32
      %sign3A_915 = arith.constant 0 : i32
      %sign3A_916 = arith.cmpi sgt, %add3A_906, %sign3A_915 : i32
      %sign3A_917 = arith.extui %sign3A_916 : i1 to i32
      %sign3A_918 = arith.constant 0 : i32
      %sign3A_919 = arith.cmpi slt, %add3A_906, %sign3A_918 : i32
      %sign3A_920 = arith.extui %sign3A_919 : i1 to i32
      %sign3A_921 = arith.subi %sign3A_917, %sign3A_920 : i32
      %sign3A_922 = arith.constant 0 : i32
      %sign3A_923 = arith.cmpi sgt, %jit3A_913, %sign3A_922 : i32
      %sign3A_924 = arith.extui %sign3A_923 : i1 to i32
      %sign3A_925 = arith.constant 0 : i32
      %sign3A_926 = arith.cmpi slt, %jit3A_913, %sign3A_925 : i32
      %sign3A_927 = arith.extui %sign3A_926 : i1 to i32
      %sign3A_928 = arith.subi %sign3A_924, %sign3A_927 : i32
      %ne3A_929 = arith.cmpi ne, %sign3A_921, %sign3A_928 : i32
      %rem3A_930 = arith.remsi %add3A_906, %jit3A_913 : i32
      %ne3A_931 = arith.constant 0 : i32
      %ne3A_932 = arith.cmpi ne, %rem3A_930, %ne3A_931 : i32
      %and3A_933 = arith.andi %ne3A_929, %ne3A_932 : i1
      %sub3A_934 = arith.constant 1 : i32
      %sub3A_935 = arith.subi %div3A_914, %sub3A_934 : i32
      %select_n3A_936 = arith.select %and3A_933, %sub3A_935, %div3A_914 : i32
      %jit3A_937 = arith.constant 4 : i32
      %eq3A_938 = arith.constant 0 : i32
      %eq3A_939 = arith.cmpi eq, %jit3A_937, %eq3A_938 : i32
      %jit3A_940 = arith.constant 1 : i32
      %select_n3A_941 = arith.select %eq3A_939, %jit3A_940, %jit3A_937 : i32
      %rem3A_942 = arith.remsi %add3A_906, %select_n3A_941 : i32
      %ne3A_943 = arith.constant 0 : i32
      %ne3A_944 = arith.cmpi ne, %rem3A_942, %ne3A_943 : i32
      %lt3A_945 = arith.constant 0 : i32
      %lt3A_946 = arith.cmpi slt, %rem3A_942, %lt3A_945 : i32
      %lt3A_947 = arith.constant 0 : i32
      %lt3A_948 = arith.cmpi slt, %select_n3A_941, %lt3A_947 : i32
      %ne3A_949 = arith.xori %lt3A_946, %lt3A_948 : i1
      %and3A_950 = arith.andi %ne3A_949, %ne3A_944 : i1
      %add3A_951 = arith.addi %rem3A_942, %select_n3A_941 : i32
      %select_n3A_952 = arith.select %and3A_950, %add3A_951, %rem3A_942 : i32
      %mul3A_953 = arith.constant 32 : i32
      %mul3A_954 = arith.muli %select_n3A_952, %mul3A_953 : i32
      %dma_start3A_955 = tpu.memref_slice %arg15[%select_n3A_936, %mul3A_954] : memref<128x128xf32, #tpu.memory_space<vmem>> -> memref<1x32xf32, #tpu.memory_space<vmem>>
      %dma_start3A_956 = tpu.memref_squeeze %dma_start3A_955 : memref<1x32xf32, #tpu.memory_space<vmem>> -> memref<32xf32, #tpu.memory_space<vmem>>
      %dma_start3A_957 = arith.constant 0 : i32
      %dma_start3A_958 = tpu.memref_slice %arg5[%squeeze3A_908, %dma_start3A_957] : memref<1000000x32xf32, #tpu.memory_space<hbm>> -> memref<1x32xf32, #tpu.memory_space<hbm>>
      %dma_start3A_959 = tpu.memref_squeeze %dma_start3A_958 : memref<1x32xf32, #tpu.memory_space<hbm>> -> memref<32xf32, #tpu.memory_space<hbm>>
      %dma_start3A_960 = tpu.memref_slice %arg15[%select_n3A_936, %mul3A_954] : memref<128x128xf32, #tpu.memory_space<vmem>> -> memref<1x32xf32, #tpu.memory_space<vmem>>
      %dma_start3A_961 = tpu.memref_squeeze %dma_start3A_960 : memref<1x32xf32, #tpu.memory_space<vmem>> -> memref<32xf32, #tpu.memory_space<vmem>>
      %dma_start3A_962 = arith.constant 0 : i32
      %dma_start3A_963 = tpu.memref_slice %arg5[%squeeze3A_908, %dma_start3A_962] : memref<1000000x32xf32, #tpu.memory_space<hbm>> -> memref<1x32xf32, #tpu.memory_space<hbm>>
      %dma_start3A_964 = tpu.memref_squeeze %dma_start3A_963 : memref<1x32xf32, #tpu.memory_space<hbm>> -> memref<32xf32, #tpu.memory_space<hbm>>
      tpu.enqueue_dma source(%dma_start3A_964 : memref<32xf32, #tpu.memory_space<hbm>>) target(%dma_start3A_961 : memref<32xf32, #tpu.memory_space<vmem>>) target_semaphore(%arg19 : memref<!tpu.dma_semaphore, #tpu.memory_space<semaphore_mem>>)
      %dma_start3A_965 = tpu.memref_slice %arg16[%select_n3A_936, %mul3A_954] : memref<128x128xf32, #tpu.memory_space<vmem>> -> memref<1x32xf32, #tpu.memory_space<vmem>>
      %dma_start3A_966 = tpu.memref_squeeze %dma_start3A_965 : memref<1x32xf32, #tpu.memory_space<vmem>> -> memref<32xf32, #tpu.memory_space<vmem>>
      %dma_start3A_967 = arith.constant 0 : i32
      %dma_start3A_968 = tpu.memref_slice %arg6[%squeeze3A_910, %dma_start3A_967] : memref<1000000x32xf32, #tpu.memory_space<hbm>> -> memref<1x32xf32, #tpu.memory_space<hbm>>
      %dma_start3A_969 = tpu.memref_squeeze %dma_start3A_968 : memref<1x32xf32, #tpu.memory_space<hbm>> -> memref<32xf32, #tpu.memory_space<hbm>>
      %dma_start3A_970 = tpu.memref_slice %arg16[%select_n3A_936, %mul3A_954] : memref<128x128xf32, #tpu.memory_space<vmem>> -> memref<1x32xf32, #tpu.memory_space<vmem>>
      %dma_start3A_971 = tpu.memref_squeeze %dma_start3A_970 : memref<1x32xf32, #tpu.memory_space<vmem>> -> memref<32xf32, #tpu.memory_space<vmem>>
      %dma_start3A_972 = arith.constant 0 : i32
      %dma_start3A_973 = tpu.memref_slice %arg6[%squeeze3A_910, %dma_start3A_972] : memref<1000000x32xf32, #tpu.memory_space<hbm>> -> memref<1x32xf32, #tpu.memory_space<hbm>>
      %dma_start3A_974 = tpu.memref_squeeze %dma_start3A_973 : memref<1x32xf32, #tpu.memory_space<hbm>> -> memref<32xf32, #tpu.memory_space<hbm>>
      tpu.enqueue_dma source(%dma_start3A_974 : memref<32xf32, #tpu.memory_space<hbm>>) target(%dma_start3A_971 : memref<32xf32, #tpu.memory_space<vmem>>) target_semaphore(%arg20 : memref<!tpu.dma_semaphore, #tpu.memory_space<semaphore_mem>>)
      %dma_start3A_975 = tpu.memref_slice %arg17[%select_n3A_936, %mul3A_954] : memref<128x128xf32, #tpu.memory_space<vmem>> -> memref<1x32xf32, #tpu.memory_space<vmem>>
      %dma_start3A_976 = tpu.memref_squeeze %dma_start3A_975 : memref<1x32xf32, #tpu.memory_space<vmem>> -> memref<32xf32, #tpu.memory_space<vmem>>
      %dma_start3A_977 = arith.constant 0 : i32
      %dma_start3A_978 = tpu.memref_slice %arg6[%squeeze3A_912, %dma_start3A_977] : memref<1000000x32xf32, #tpu.memory_space<hbm>> -> memref<1x32xf32, #tpu.memory_space<hbm>>
      %dma_start3A_979 = tpu.memref_squeeze %dma_start3A_978 : memref<1x32xf32, #tpu.memory_space<hbm>> -> memref<32xf32, #tpu.memory_space<hbm>>
      %dma_start3A_980 = tpu.memref_slice %arg17[%select_n3A_936, %mul3A_954] : memref<128x128xf32, #tpu.memory_space<vmem>> -> memref<1x32xf32, #tpu.memory_space<vmem>>
      %dma_start3A_981 = tpu.memref_squeeze %dma_start3A_980 : memref<1x32xf32, #tpu.memory_space<vmem>> -> memref<32xf32, #tpu.memory_space<vmem>>
      %dma_start3A_982 = arith.constant 0 : i32
      %dma_start3A_983 = tpu.memref_slice %arg6[%squeeze3A_912, %dma_start3A_982] : memref<1000000x32xf32, #tpu.memory_space<hbm>> -> memref<1x32xf32, #tpu.memory_space<hbm>>
      %dma_start3A_984 = tpu.memref_squeeze %dma_start3A_983 : memref<1x32xf32, #tpu.memory_space<hbm>> -> memref<32xf32, #tpu.memory_space<hbm>>
      tpu.enqueue_dma source(%dma_start3A_984 : memref<32xf32, #tpu.memory_space<hbm>>) target(%dma_start3A_981 : memref<32xf32, #tpu.memory_space<vmem>>) target_semaphore(%arg21 : memref<!tpu.dma_semaphore, #tpu.memory_space<semaphore_mem>>)
      %mul3A_985 = arith.constant 16 : i32
      %mul3A_986 = arith.muli %scan3A_35, %mul3A_985 : i32
      %add3A_987 = arith.constant 11 : i32
      %add3A_988 = arith.addi %mul3A_986, %add3A_987 : i32
      %slice3A_989 = vector.extract_strided_slice %get3A_39 {offsets = [11], sizes = [1], strides = [1]} : vector<16xi32> to vector<1xi32>
      %squeeze3A_990 = vector.extract %slice3A_989[0] : i32 from vector<1xi32>
      %slice3A_991 = vector.extract_strided_slice %get3A_44 {offsets = [11], sizes = [1], strides = [1]} : vector<16xi32> to vector<1xi32>
      %squeeze3A_992 = vector.extract %slice3A_991[0] : i32 from vector<1xi32>
      %slice3A_993 = vector.extract_strided_slice %get3A_49 {offsets = [11], sizes = [1], strides = [1]} : vector<16xi32> to vector<1xi32>
      %squeeze3A_994 = vector.extract %slice3A_993[0] : i32 from vector<1xi32>
      %jit3A_995 = arith.constant 4 : i32
      %div3A_996 = arith.divsi %add3A_988, %jit3A_995 : i32
      %sign3A_997 = arith.constant 0 : i32
      %sign3A_998 = arith.cmpi sgt, %add3A_988, %sign3A_997 : i32
      %sign3A_999 = arith.extui %sign3A_998 : i1 to i32
      %sign3A_1000 = arith.constant 0 : i32
      %sign3A_1001 = arith.cmpi slt, %add3A_988, %sign3A_1000 : i32
      %sign3A_1002 = arith.extui %sign3A_1001 : i1 to i32
      %sign3A_1003 = arith.subi %sign3A_999, %sign3A_1002 : i32
      %sign3A_1004 = arith.constant 0 : i32
      %sign3A_1005 = arith.cmpi sgt, %jit3A_995, %sign3A_1004 : i32
      %sign3A_1006 = arith.extui %sign3A_1005 : i1 to i32
      %sign3A_1007 = arith.constant 0 : i32
      %sign3A_1008 = arith.cmpi slt, %jit3A_995, %sign3A_1007 : i32
      %sign3A_1009 = arith.extui %sign3A_1008 : i1 to i32
      %sign3A_1010 = arith.subi %sign3A_1006, %sign3A_1009 : i32
      %ne3A_1011 = arith.cmpi ne, %sign3A_1003, %sign3A_1010 : i32
      %rem3A_1012 = arith.remsi %add3A_988, %jit3A_995 : i32
      %ne3A_1013 = arith.constant 0 : i32
      %ne3A_1014 = arith.cmpi ne, %rem3A_1012, %ne3A_1013 : i32
      %and3A_1015 = arith.andi %ne3A_1011, %ne3A_1014 : i1
      %sub3A_1016 = arith.constant 1 : i32
      %sub3A_1017 = arith.subi %div3A_996, %sub3A_1016 : i32
      %select_n3A_1018 = arith.select %and3A_1015, %sub3A_1017, %div3A_996 : i32
      %jit3A_1019 = arith.constant 4 : i32
      %eq3A_1020 = arith.constant 0 : i32
      %eq3A_1021 = arith.cmpi eq, %jit3A_1019, %eq3A_1020 : i32
      %jit3A_1022 = arith.constant 1 : i32
      %select_n3A_1023 = arith.select %eq3A_1021, %jit3A_1022, %jit3A_1019 : i32
      %rem3A_1024 = arith.remsi %add3A_988, %select_n3A_1023 : i32
      %ne3A_1025 = arith.constant 0 : i32
      %ne3A_1026 = arith.cmpi ne, %rem3A_1024, %ne3A_1025 : i32
      %lt3A_1027 = arith.constant 0 : i32
      %lt3A_1028 = arith.cmpi slt, %rem3A_1024, %lt3A_1027 : i32
      %lt3A_1029 = arith.constant 0 : i32
      %lt3A_1030 = arith.cmpi slt, %select_n3A_1023, %lt3A_1029 : i32
      %ne3A_1031 = arith.xori %lt3A_1028, %lt3A_1030 : i1
      %and3A_1032 = arith.andi %ne3A_1031, %ne3A_1026 : i1
      %add3A_1033 = arith.addi %rem3A_1024, %select_n3A_1023 : i32
      %select_n3A_1034 = arith.select %and3A_1032, %add3A_1033, %rem3A_1024 : i32
      %mul3A_1035 = arith.constant 32 : i32
      %mul3A_1036 = arith.muli %select_n3A_1034, %mul3A_1035 : i32
      %dma_start3A_1037 = tpu.memref_slice %arg15[%select_n3A_1018, %mul3A_1036] : memref<128x128xf32, #tpu.memory_space<vmem>> -> memref<1x32xf32, #tpu.memory_space<vmem>>
      %dma_start3A_1038 = tpu.memref_squeeze %dma_start3A_1037 : memref<1x32xf32, #tpu.memory_space<vmem>> -> memref<32xf32, #tpu.memory_space<vmem>>
      %dma_start3A_1039 = arith.constant 0 : i32
      %dma_start3A_1040 = tpu.memref_slice %arg5[%squeeze3A_990, %dma_start3A_1039] : memref<1000000x32xf32, #tpu.memory_space<hbm>> -> memref<1x32xf32, #tpu.memory_space<hbm>>
      %dma_start3A_1041 = tpu.memref_squeeze %dma_start3A_1040 : memref<1x32xf32, #tpu.memory_space<hbm>> -> memref<32xf32, #tpu.memory_space<hbm>>
      %dma_start3A_1042 = tpu.memref_slice %arg15[%select_n3A_1018, %mul3A_1036] : memref<128x128xf32, #tpu.memory_space<vmem>> -> memref<1x32xf32, #tpu.memory_space<vmem>>
      %dma_start3A_1043 = tpu.memref_squeeze %dma_start3A_1042 : memref<1x32xf32, #tpu.memory_space<vmem>> -> memref<32xf32, #tpu.memory_space<vmem>>
      %dma_start3A_1044 = arith.constant 0 : i32
      %dma_start3A_1045 = tpu.memref_slice %arg5[%squeeze3A_990, %dma_start3A_1044] : memref<1000000x32xf32, #tpu.memory_space<hbm>> -> memref<1x32xf32, #tpu.memory_space<hbm>>
      %dma_start3A_1046 = tpu.memref_squeeze %dma_start3A_1045 : memref<1x32xf32, #tpu.memory_space<hbm>> -> memref<32xf32, #tpu.memory_space<hbm>>
      tpu.enqueue_dma source(%dma_start3A_1046 : memref<32xf32, #tpu.memory_space<hbm>>) target(%dma_start3A_1043 : memref<32xf32, #tpu.memory_space<vmem>>) target_semaphore(%arg19 : memref<!tpu.dma_semaphore, #tpu.memory_space<semaphore_mem>>)
      %dma_start3A_1047 = tpu.memref_slice %arg16[%select_n3A_1018, %mul3A_1036] : memref<128x128xf32, #tpu.memory_space<vmem>> -> memref<1x32xf32, #tpu.memory_space<vmem>>
      %dma_start3A_1048 = tpu.memref_squeeze %dma_start3A_1047 : memref<1x32xf32, #tpu.memory_space<vmem>> -> memref<32xf32, #tpu.memory_space<vmem>>
      %dma_start3A_1049 = arith.constant 0 : i32
      %dma_start3A_1050 = tpu.memref_slice %arg6[%squeeze3A_992, %dma_start3A_1049] : memref<1000000x32xf32, #tpu.memory_space<hbm>> -> memref<1x32xf32, #tpu.memory_space<hbm>>
      %dma_start3A_1051 = tpu.memref_squeeze %dma_start3A_1050 : memref<1x32xf32, #tpu.memory_space<hbm>> -> memref<32xf32, #tpu.memory_space<hbm>>
      %dma_start3A_1052 = tpu.memref_slice %arg16[%select_n3A_1018, %mul3A_1036] : memref<128x128xf32, #tpu.memory_space<vmem>> -> memref<1x32xf32, #tpu.memory_space<vmem>>
      %dma_start3A_1053 = tpu.memref_squeeze %dma_start3A_1052 : memref<1x32xf32, #tpu.memory_space<vmem>> -> memref<32xf32, #tpu.memory_space<vmem>>
      %dma_start3A_1054 = arith.constant 0 : i32
      %dma_start3A_1055 = tpu.memref_slice %arg6[%squeeze3A_992, %dma_start3A_1054] : memref<1000000x32xf32, #tpu.memory_space<hbm>> -> memref<1x32xf32, #tpu.memory_space<hbm>>
      %dma_start3A_1056 = tpu.memref_squeeze %dma_start3A_1055 : memref<1x32xf32, #tpu.memory_space<hbm>> -> memref<32xf32, #tpu.memory_space<hbm>>
      tpu.enqueue_dma source(%dma_start3A_1056 : memref<32xf32, #tpu.memory_space<hbm>>) target(%dma_start3A_1053 : memref<32xf32, #tpu.memory_space<vmem>>) target_semaphore(%arg20 : memref<!tpu.dma_semaphore, #tpu.memory_space<semaphore_mem>>)
      %dma_start3A_1057 = tpu.memref_slice %arg17[%select_n3A_1018, %mul3A_1036] : memref<128x128xf32, #tpu.memory_space<vmem>> -> memref<1x32xf32, #tpu.memory_space<vmem>>
      %dma_start3A_1058 = tpu.memref_squeeze %dma_start3A_1057 : memref<1x32xf32, #tpu.memory_space<vmem>> -> memref<32xf32, #tpu.memory_space<vmem>>
      %dma_start3A_1059 = arith.constant 0 : i32
      %dma_start3A_1060 = tpu.memref_slice %arg6[%squeeze3A_994, %dma_start3A_1059] : memref<1000000x32xf32, #tpu.memory_space<hbm>> -> memref<1x32xf32, #tpu.memory_space<hbm>>
      %dma_start3A_1061 = tpu.memref_squeeze %dma_start3A_1060 : memref<1x32xf32, #tpu.memory_space<hbm>> -> memref<32xf32, #tpu.memory_space<hbm>>
      %dma_start3A_1062 = tpu.memref_slice %arg17[%select_n3A_1018, %mul3A_1036] : memref<128x128xf32, #tpu.memory_space<vmem>> -> memref<1x32xf32, #tpu.memory_space<vmem>>
      %dma_start3A_1063 = tpu.memref_squeeze %dma_start3A_1062 : memref<1x32xf32, #tpu.memory_space<vmem>> -> memref<32xf32, #tpu.memory_space<vmem>>
      %dma_start3A_1064 = arith.constant 0 : i32
      %dma_start3A_1065 = tpu.memref_slice %arg6[%squeeze3A_994, %dma_start3A_1064] : memref<1000000x32xf32, #tpu.memory_space<hbm>> -> memref<1x32xf32, #tpu.memory_space<hbm>>
      %dma_start3A_1066 = tpu.memref_squeeze %dma_start3A_1065 : memref<1x32xf32, #tpu.memory_space<hbm>> -> memref<32xf32, #tpu.memory_space<hbm>>
      tpu.enqueue_dma source(%dma_start3A_1066 : memref<32xf32, #tpu.memory_space<hbm>>) target(%dma_start3A_1063 : memref<32xf32, #tpu.memory_space<vmem>>) target_semaphore(%arg21 : memref<!tpu.dma_semaphore, #tpu.memory_space<semaphore_mem>>)
      %mul3A_1067 = arith.constant 16 : i32
      %mul3A_1068 = arith.muli %scan3A_35, %mul3A_1067 : i32
      %add3A_1069 = arith.constant 12 : i32
      %add3A_1070 = arith.addi %mul3A_1068, %add3A_1069 : i32
      %slice3A_1071 = vector.extract_strided_slice %get3A_39 {offsets = [12], sizes = [1], strides = [1]} : vector<16xi32> to vector<1xi32>
      %squeeze3A_1072 = vector.extract %slice3A_1071[0] : i32 from vector<1xi32>
      %slice3A_1073 = vector.extract_strided_slice %get3A_44 {offsets = [12], sizes = [1], strides = [1]} : vector<16xi32> to vector<1xi32>
      %squeeze3A_1074 = vector.extract %slice3A_1073[0] : i32 from vector<1xi32>
      %slice3A_1075 = vector.extract_strided_slice %get3A_49 {offsets = [12], sizes = [1], strides = [1]} : vector<16xi32> to vector<1xi32>
      %squeeze3A_1076 = vector.extract %slice3A_1075[0] : i32 from vector<1xi32>
      %jit3A_1077 = arith.constant 4 : i32
      %div3A_1078 = arith.divsi %add3A_1070, %jit3A_1077 : i32
      %sign3A_1079 = arith.constant 0 : i32
      %sign3A_1080 = arith.cmpi sgt, %add3A_1070, %sign3A_1079 : i32
      %sign3A_1081 = arith.extui %sign3A_1080 : i1 to i32
      %sign3A_1082 = arith.constant 0 : i32
      %sign3A_1083 = arith.cmpi slt, %add3A_1070, %sign3A_1082 : i32
      %sign3A_1084 = arith.extui %sign3A_1083 : i1 to i32
      %sign3A_1085 = arith.subi %sign3A_1081, %sign3A_1084 : i32
      %sign3A_1086 = arith.constant 0 : i32
      %sign3A_1087 = arith.cmpi sgt, %jit3A_1077, %sign3A_1086 : i32
      %sign3A_1088 = arith.extui %sign3A_1087 : i1 to i32
      %sign3A_1089 = arith.constant 0 : i32
      %sign3A_1090 = arith.cmpi slt, %jit3A_1077, %sign3A_1089 : i32
      %sign3A_1091 = arith.extui %sign3A_1090 : i1 to i32
      %sign3A_1092 = arith.subi %sign3A_1088, %sign3A_1091 : i32
      %ne3A_1093 = arith.cmpi ne, %sign3A_1085, %sign3A_1092 : i32
      %rem3A_1094 = arith.remsi %add3A_1070, %jit3A_1077 : i32
      %ne3A_1095 = arith.constant 0 : i32
      %ne3A_1096 = arith.cmpi ne, %rem3A_1094, %ne3A_1095 : i32
      %and3A_1097 = arith.andi %ne3A_1093, %ne3A_1096 : i1
      %sub3A_1098 = arith.constant 1 : i32
      %sub3A_1099 = arith.subi %div3A_1078, %sub3A_1098 : i32
      %select_n3A_1100 = arith.select %and3A_1097, %sub3A_1099, %div3A_1078 : i32
      %jit3A_1101 = arith.constant 4 : i32
      %eq3A_1102 = arith.constant 0 : i32
      %eq3A_1103 = arith.cmpi eq, %jit3A_1101, %eq3A_1102 : i32
      %jit3A_1104 = arith.constant 1 : i32
      %select_n3A_1105 = arith.select %eq3A_1103, %jit3A_1104, %jit3A_1101 : i32
      %rem3A_1106 = arith.remsi %add3A_1070, %select_n3A_1105 : i32
      %ne3A_1107 = arith.constant 0 : i32
      %ne3A_1108 = arith.cmpi ne, %rem3A_1106, %ne3A_1107 : i32
      %lt3A_1109 = arith.constant 0 : i32
      %lt3A_1110 = arith.cmpi slt, %rem3A_1106, %lt3A_1109 : i32
      %lt3A_1111 = arith.constant 0 : i32
      %lt3A_1112 = arith.cmpi slt, %select_n3A_1105, %lt3A_1111 : i32
      %ne3A_1113 = arith.xori %lt3A_1110, %lt3A_1112 : i1
      %and3A_1114 = arith.andi %ne3A_1113, %ne3A_1108 : i1
      %add3A_1115 = arith.addi %rem3A_1106, %select_n3A_1105 : i32
      %select_n3A_1116 = arith.select %and3A_1114, %add3A_1115, %rem3A_1106 : i32
      %mul3A_1117 = arith.constant 32 : i32
      %mul3A_1118 = arith.muli %select_n3A_1116, %mul3A_1117 : i32
      %dma_start3A_1119 = tpu.memref_slice %arg15[%select_n3A_1100, %mul3A_1118] : memref<128x128xf32, #tpu.memory_space<vmem>> -> memref<1x32xf32, #tpu.memory_space<vmem>>
      %dma_start3A_1120 = tpu.memref_squeeze %dma_start3A_1119 : memref<1x32xf32, #tpu.memory_space<vmem>> -> memref<32xf32, #tpu.memory_space<vmem>>
      %dma_start3A_1121 = arith.constant 0 : i32
      %dma_start3A_1122 = tpu.memref_slice %arg5[%squeeze3A_1072, %dma_start3A_1121] : memref<1000000x32xf32, #tpu.memory_space<hbm>> -> memref<1x32xf32, #tpu.memory_space<hbm>>
      %dma_start3A_1123 = tpu.memref_squeeze %dma_start3A_1122 : memref<1x32xf32, #tpu.memory_space<hbm>> -> memref<32xf32, #tpu.memory_space<hbm>>
      %dma_start3A_1124 = tpu.memref_slice %arg15[%select_n3A_1100, %mul3A_1118] : memref<128x128xf32, #tpu.memory_space<vmem>> -> memref<1x32xf32, #tpu.memory_space<vmem>>
      %dma_start3A_1125 = tpu.memref_squeeze %dma_start3A_1124 : memref<1x32xf32, #tpu.memory_space<vmem>> -> memref<32xf32, #tpu.memory_space<vmem>>
      %dma_start3A_1126 = arith.constant 0 : i32
      %dma_start3A_1127 = tpu.memref_slice %arg5[%squeeze3A_1072, %dma_start3A_1126] : memref<1000000x32xf32, #tpu.memory_space<hbm>> -> memref<1x32xf32, #tpu.memory_space<hbm>>
      %dma_start3A_1128 = tpu.memref_squeeze %dma_start3A_1127 : memref<1x32xf32, #tpu.memory_space<hbm>> -> memref<32xf32, #tpu.memory_space<hbm>>
      tpu.enqueue_dma source(%dma_start3A_1128 : memref<32xf32, #tpu.memory_space<hbm>>) target(%dma_start3A_1125 : memref<32xf32, #tpu.memory_space<vmem>>) target_semaphore(%arg19 : memref<!tpu.dma_semaphore, #tpu.memory_space<semaphore_mem>>)
      %dma_start3A_1129 = tpu.memref_slice %arg16[%select_n3A_1100, %mul3A_1118] : memref<128x128xf32, #tpu.memory_space<vmem>> -> memref<1x32xf32, #tpu.memory_space<vmem>>
      %dma_start3A_1130 = tpu.memref_squeeze %dma_start3A_1129 : memref<1x32xf32, #tpu.memory_space<vmem>> -> memref<32xf32, #tpu.memory_space<vmem>>
      %dma_start3A_1131 = arith.constant 0 : i32
      %dma_start3A_1132 = tpu.memref_slice %arg6[%squeeze3A_1074, %dma_start3A_1131] : memref<1000000x32xf32, #tpu.memory_space<hbm>> -> memref<1x32xf32, #tpu.memory_space<hbm>>
      %dma_start3A_1133 = tpu.memref_squeeze %dma_start3A_1132 : memref<1x32xf32, #tpu.memory_space<hbm>> -> memref<32xf32, #tpu.memory_space<hbm>>
      %dma_start3A_1134 = tpu.memref_slice %arg16[%select_n3A_1100, %mul3A_1118] : memref<128x128xf32, #tpu.memory_space<vmem>> -> memref<1x32xf32, #tpu.memory_space<vmem>>
      %dma_start3A_1135 = tpu.memref_squeeze %dma_start3A_1134 : memref<1x32xf32, #tpu.memory_space<vmem>> -> memref<32xf32, #tpu.memory_space<vmem>>
      %dma_start3A_1136 = arith.constant 0 : i32
      %dma_start3A_1137 = tpu.memref_slice %arg6[%squeeze3A_1074, %dma_start3A_1136] : memref<1000000x32xf32, #tpu.memory_space<hbm>> -> memref<1x32xf32, #tpu.memory_space<hbm>>
      %dma_start3A_1138 = tpu.memref_squeeze %dma_start3A_1137 : memref<1x32xf32, #tpu.memory_space<hbm>> -> memref<32xf32, #tpu.memory_space<hbm>>
      tpu.enqueue_dma source(%dma_start3A_1138 : memref<32xf32, #tpu.memory_space<hbm>>) target(%dma_start3A_1135 : memref<32xf32, #tpu.memory_space<vmem>>) target_semaphore(%arg20 : memref<!tpu.dma_semaphore, #tpu.memory_space<semaphore_mem>>)
      %dma_start3A_1139 = tpu.memref_slice %arg17[%select_n3A_1100, %mul3A_1118] : memref<128x128xf32, #tpu.memory_space<vmem>> -> memref<1x32xf32, #tpu.memory_space<vmem>>
      %dma_start3A_1140 = tpu.memref_squeeze %dma_start3A_1139 : memref<1x32xf32, #tpu.memory_space<vmem>> -> memref<32xf32, #tpu.memory_space<vmem>>
      %dma_start3A_1141 = arith.constant 0 : i32
      %dma_start3A_1142 = tpu.memref_slice %arg6[%squeeze3A_1076, %dma_start3A_1141] : memref<1000000x32xf32, #tpu.memory_space<hbm>> -> memref<1x32xf32, #tpu.memory_space<hbm>>
      %dma_start3A_1143 = tpu.memref_squeeze %dma_start3A_1142 : memref<1x32xf32, #tpu.memory_space<hbm>> -> memref<32xf32, #tpu.memory_space<hbm>>
      %dma_start3A_1144 = tpu.memref_slice %arg17[%select_n3A_1100, %mul3A_1118] : memref<128x128xf32, #tpu.memory_space<vmem>> -> memref<1x32xf32, #tpu.memory_space<vmem>>
      %dma_start3A_1145 = tpu.memref_squeeze %dma_start3A_1144 : memref<1x32xf32, #tpu.memory_space<vmem>> -> memref<32xf32, #tpu.memory_space<vmem>>
      %dma_start3A_1146 = arith.constant 0 : i32
      %dma_start3A_1147 = tpu.memref_slice %arg6[%squeeze3A_1076, %dma_start3A_1146] : memref<1000000x32xf32, #tpu.memory_space<hbm>> -> memref<1x32xf32, #tpu.memory_space<hbm>>
      %dma_start3A_1148 = tpu.memref_squeeze %dma_start3A_1147 : memref<1x32xf32, #tpu.memory_space<hbm>> -> memref<32xf32, #tpu.memory_space<hbm>>
      tpu.enqueue_dma source(%dma_start3A_1148 : memref<32xf32, #tpu.memory_space<hbm>>) target(%dma_start3A_1145 : memref<32xf32, #tpu.memory_space<vmem>>) target_semaphore(%arg21 : memref<!tpu.dma_semaphore, #tpu.memory_space<semaphore_mem>>)
      %mul3A_1149 = arith.constant 16 : i32
      %mul3A_1150 = arith.muli %scan3A_35, %mul3A_1149 : i32
      %add3A_1151 = arith.constant 13 : i32
      %add3A_1152 = arith.addi %mul3A_1150, %add3A_1151 : i32
      %slice3A_1153 = vector.extract_strided_slice %get3A_39 {offsets = [13], sizes = [1], strides = [1]} : vector<16xi32> to vector<1xi32>
      %squeeze3A_1154 = vector.extract %slice3A_1153[0] : i32 from vector<1xi32>
      %slice3A_1155 = vector.extract_strided_slice %get3A_44 {offsets = [13], sizes = [1], strides = [1]} : vector<16xi32> to vector<1xi32>
      %squeeze3A_1156 = vector.extract %slice3A_1155[0] : i32 from vector<1xi32>
      %slice3A_1157 = vector.extract_strided_slice %get3A_49 {offsets = [13], sizes = [1], strides = [1]} : vector<16xi32> to vector<1xi32>
      %squeeze3A_1158 = vector.extract %slice3A_1157[0] : i32 from vector<1xi32>
      %jit3A_1159 = arith.constant 4 : i32
      %div3A_1160 = arith.divsi %add3A_1152, %jit3A_1159 : i32
      %sign3A_1161 = arith.constant 0 : i32
      %sign3A_1162 = arith.cmpi sgt, %add3A_1152, %sign3A_1161 : i32
      %sign3A_1163 = arith.extui %sign3A_1162 : i1 to i32
      %sign3A_1164 = arith.constant 0 : i32
      %sign3A_1165 = arith.cmpi slt, %add3A_1152, %sign3A_1164 : i32
      %sign3A_1166 = arith.extui %sign3A_1165 : i1 to i32
      %sign3A_1167 = arith.subi %sign3A_1163, %sign3A_1166 : i32
      %sign3A_1168 = arith.constant 0 : i32
      %sign3A_1169 = arith.cmpi sgt, %jit3A_1159, %sign3A_1168 : i32
      %sign3A_1170 = arith.extui %sign3A_1169 : i1 to i32
      %sign3A_1171 = arith.constant 0 : i32
      %sign3A_1172 = arith.cmpi slt, %jit3A_1159, %sign3A_1171 : i32
      %sign3A_1173 = arith.extui %sign3A_1172 : i1 to i32
      %sign3A_1174 = arith.subi %sign3A_1170, %sign3A_1173 : i32
      %ne3A_1175 = arith.cmpi ne, %sign3A_1167, %sign3A_1174 : i32
      %rem3A_1176 = arith.remsi %add3A_1152, %jit3A_1159 : i32
      %ne3A_1177 = arith.constant 0 : i32
      %ne3A_1178 = arith.cmpi ne, %rem3A_1176, %ne3A_1177 : i32
      %and3A_1179 = arith.andi %ne3A_1175, %ne3A_1178 : i1
      %sub3A_1180 = arith.constant 1 : i32
      %sub3A_1181 = arith.subi %div3A_1160, %sub3A_1180 : i32
      %select_n3A_1182 = arith.select %and3A_1179, %sub3A_1181, %div3A_1160 : i32
      %jit3A_1183 = arith.constant 4 : i32
      %eq3A_1184 = arith.constant 0 : i32
      %eq3A_1185 = arith.cmpi eq, %jit3A_1183, %eq3A_1184 : i32
      %jit3A_1186 = arith.constant 1 : i32
      %select_n3A_1187 = arith.select %eq3A_1185, %jit3A_1186, %jit3A_1183 : i32
      %rem3A_1188 = arith.remsi %add3A_1152, %select_n3A_1187 : i32
      %ne3A_1189 = arith.constant 0 : i32
      %ne3A_1190 = arith.cmpi ne, %rem3A_1188, %ne3A_1189 : i32
      %lt3A_1191 = arith.constant 0 : i32
      %lt3A_1192 = arith.cmpi slt, %rem3A_1188, %lt3A_1191 : i32
      %lt3A_1193 = arith.constant 0 : i32
      %lt3A_1194 = arith.cmpi slt, %select_n3A_1187, %lt3A_1193 : i32
      %ne3A_1195 = arith.xori %lt3A_1192, %lt3A_1194 : i1
      %and3A_1196 = arith.andi %ne3A_1195, %ne3A_1190 : i1
      %add3A_1197 = arith.addi %rem3A_1188, %select_n3A_1187 : i32
      %select_n3A_1198 = arith.select %and3A_1196, %add3A_1197, %rem3A_1188 : i32
      %mul3A_1199 = arith.constant 32 : i32
      %mul3A_1200 = arith.muli %select_n3A_1198, %mul3A_1199 : i32
      %dma_start3A_1201 = tpu.memref_slice %arg15[%select_n3A_1182, %mul3A_1200] : memref<128x128xf32, #tpu.memory_space<vmem>> -> memref<1x32xf32, #tpu.memory_space<vmem>>
      %dma_start3A_1202 = tpu.memref_squeeze %dma_start3A_1201 : memref<1x32xf32, #tpu.memory_space<vmem>> -> memref<32xf32, #tpu.memory_space<vmem>>
      %dma_start3A_1203 = arith.constant 0 : i32
      %dma_start3A_1204 = tpu.memref_slice %arg5[%squeeze3A_1154, %dma_start3A_1203] : memref<1000000x32xf32, #tpu.memory_space<hbm>> -> memref<1x32xf32, #tpu.memory_space<hbm>>
      %dma_start3A_1205 = tpu.memref_squeeze %dma_start3A_1204 : memref<1x32xf32, #tpu.memory_space<hbm>> -> memref<32xf32, #tpu.memory_space<hbm>>
      %dma_start3A_1206 = tpu.memref_slice %arg15[%select_n3A_1182, %mul3A_1200] : memref<128x128xf32, #tpu.memory_space<vmem>> -> memref<1x32xf32, #tpu.memory_space<vmem>>
      %dma_start3A_1207 = tpu.memref_squeeze %dma_start3A_1206 : memref<1x32xf32, #tpu.memory_space<vmem>> -> memref<32xf32, #tpu.memory_space<vmem>>
      %dma_start3A_1208 = arith.constant 0 : i32
      %dma_start3A_1209 = tpu.memref_slice %arg5[%squeeze3A_1154, %dma_start3A_1208] : memref<1000000x32xf32, #tpu.memory_space<hbm>> -> memref<1x32xf32, #tpu.memory_space<hbm>>
      %dma_start3A_1210 = tpu.memref_squeeze %dma_start3A_1209 : memref<1x32xf32, #tpu.memory_space<hbm>> -> memref<32xf32, #tpu.memory_space<hbm>>
      tpu.enqueue_dma source(%dma_start3A_1210 : memref<32xf32, #tpu.memory_space<hbm>>) target(%dma_start3A_1207 : memref<32xf32, #tpu.memory_space<vmem>>) target_semaphore(%arg19 : memref<!tpu.dma_semaphore, #tpu.memory_space<semaphore_mem>>)
      %dma_start3A_1211 = tpu.memref_slice %arg16[%select_n3A_1182, %mul3A_1200] : memref<128x128xf32, #tpu.memory_space<vmem>> -> memref<1x32xf32, #tpu.memory_space<vmem>>
      %dma_start3A_1212 = tpu.memref_squeeze %dma_start3A_1211 : memref<1x32xf32, #tpu.memory_space<vmem>> -> memref<32xf32, #tpu.memory_space<vmem>>
      %dma_start3A_1213 = arith.constant 0 : i32
      %dma_start3A_1214 = tpu.memref_slice %arg6[%squeeze3A_1156, %dma_start3A_1213] : memref<1000000x32xf32, #tpu.memory_space<hbm>> -> memref<1x32xf32, #tpu.memory_space<hbm>>
      %dma_start3A_1215 = tpu.memref_squeeze %dma_start3A_1214 : memref<1x32xf32, #tpu.memory_space<hbm>> -> memref<32xf32, #tpu.memory_space<hbm>>
      %dma_start3A_1216 = tpu.memref_slice %arg16[%select_n3A_1182, %mul3A_1200] : memref<128x128xf32, #tpu.memory_space<vmem>> -> memref<1x32xf32, #tpu.memory_space<vmem>>
      %dma_start3A_1217 = tpu.memref_squeeze %dma_start3A_1216 : memref<1x32xf32, #tpu.memory_space<vmem>> -> memref<32xf32, #tpu.memory_space<vmem>>
      %dma_start3A_1218 = arith.constant 0 : i32
      %dma_start3A_1219 = tpu.memref_slice %arg6[%squeeze3A_1156, %dma_start3A_1218] : memref<1000000x32xf32, #tpu.memory_space<hbm>> -> memref<1x32xf32, #tpu.memory_space<hbm>>
      %dma_start3A_1220 = tpu.memref_squeeze %dma_start3A_1219 : memref<1x32xf32, #tpu.memory_space<hbm>> -> memref<32xf32, #tpu.memory_space<hbm>>
      tpu.enqueue_dma source(%dma_start3A_1220 : memref<32xf32, #tpu.memory_space<hbm>>) target(%dma_start3A_1217 : memref<32xf32, #tpu.memory_space<vmem>>) target_semaphore(%arg20 : memref<!tpu.dma_semaphore, #tpu.memory_space<semaphore_mem>>)
      %dma_start3A_1221 = tpu.memref_slice %arg17[%select_n3A_1182, %mul3A_1200] : memref<128x128xf32, #tpu.memory_space<vmem>> -> memref<1x32xf32, #tpu.memory_space<vmem>>
      %dma_start3A_1222 = tpu.memref_squeeze %dma_start3A_1221 : memref<1x32xf32, #tpu.memory_space<vmem>> -> memref<32xf32, #tpu.memory_space<vmem>>
      %dma_start3A_1223 = arith.constant 0 : i32
      %dma_start3A_1224 = tpu.memref_slice %arg6[%squeeze3A_1158, %dma_start3A_1223] : memref<1000000x32xf32, #tpu.memory_space<hbm>> -> memref<1x32xf32, #tpu.memory_space<hbm>>
      %dma_start3A_1225 = tpu.memref_squeeze %dma_start3A_1224 : memref<1x32xf32, #tpu.memory_space<hbm>> -> memref<32xf32, #tpu.memory_space<hbm>>
      %dma_start3A_1226 = tpu.memref_slice %arg17[%select_n3A_1182, %mul3A_1200] : memref<128x128xf32, #tpu.memory_space<vmem>> -> memref<1x32xf32, #tpu.memory_space<vmem>>
      %dma_start3A_1227 = tpu.memref_squeeze %dma_start3A_1226 : memref<1x32xf32, #tpu.memory_space<vmem>> -> memref<32xf32, #tpu.memory_space<vmem>>
      %dma_start3A_1228 = arith.constant 0 : i32
      %dma_start3A_1229 = tpu.memref_slice %arg6[%squeeze3A_1158, %dma_start3A_1228] : memref<1000000x32xf32, #tpu.memory_space<hbm>> -> memref<1x32xf32, #tpu.memory_space<hbm>>
      %dma_start3A_1230 = tpu.memref_squeeze %dma_start3A_1229 : memref<1x32xf32, #tpu.memory_space<hbm>> -> memref<32xf32, #tpu.memory_space<hbm>>
      tpu.enqueue_dma source(%dma_start3A_1230 : memref<32xf32, #tpu.memory_space<hbm>>) target(%dma_start3A_1227 : memref<32xf32, #tpu.memory_space<vmem>>) target_semaphore(%arg21 : memref<!tpu.dma_semaphore, #tpu.memory_space<semaphore_mem>>)
      %mul3A_1231 = arith.constant 16 : i32
      %mul3A_1232 = arith.muli %scan3A_35, %mul3A_1231 : i32
      %add3A_1233 = arith.constant 14 : i32
      %add3A_1234 = arith.addi %mul3A_1232, %add3A_1233 : i32
      %slice3A_1235 = vector.extract_strided_slice %get3A_39 {offsets = [14], sizes = [1], strides = [1]} : vector<16xi32> to vector<1xi32>
      %squeeze3A_1236 = vector.extract %slice3A_1235[0] : i32 from vector<1xi32>
      %slice3A_1237 = vector.extract_strided_slice %get3A_44 {offsets = [14], sizes = [1], strides = [1]} : vector<16xi32> to vector<1xi32>
      %squeeze3A_1238 = vector.extract %slice3A_1237[0] : i32 from vector<1xi32>
      %slice3A_1239 = vector.extract_strided_slice %get3A_49 {offsets = [14], sizes = [1], strides = [1]} : vector<16xi32> to vector<1xi32>
      %squeeze3A_1240 = vector.extract %slice3A_1239[0] : i32 from vector<1xi32>
      %jit3A_1241 = arith.constant 4 : i32
      %div3A_1242 = arith.divsi %add3A_1234, %jit3A_1241 : i32
      %sign3A_1243 = arith.constant 0 : i32
      %sign3A_1244 = arith.cmpi sgt, %add3A_1234, %sign3A_1243 : i32
      %sign3A_1245 = arith.extui %sign3A_1244 : i1 to i32
      %sign3A_1246 = arith.constant 0 : i32
      %sign3A_1247 = arith.cmpi slt, %add3A_1234, %sign3A_1246 : i32
      %sign3A_1248 = arith.extui %sign3A_1247 : i1 to i32
      %sign3A_1249 = arith.subi %sign3A_1245, %sign3A_1248 : i32
      %sign3A_1250 = arith.constant 0 : i32
      %sign3A_1251 = arith.cmpi sgt, %jit3A_1241, %sign3A_1250 : i32
      %sign3A_1252 = arith.extui %sign3A_1251 : i1 to i32
      %sign3A_1253 = arith.constant 0 : i32
      %sign3A_1254 = arith.cmpi slt, %jit3A_1241, %sign3A_1253 : i32
      %sign3A_1255 = arith.extui %sign3A_1254 : i1 to i32
      %sign3A_1256 = arith.subi %sign3A_1252, %sign3A_1255 : i32
      %ne3A_1257 = arith.cmpi ne, %sign3A_1249, %sign3A_1256 : i32
      %rem3A_1258 = arith.remsi %add3A_1234, %jit3A_1241 : i32
      %ne3A_1259 = arith.constant 0 : i32
      %ne3A_1260 = arith.cmpi ne, %rem3A_1258, %ne3A_1259 : i32
      %and3A_1261 = arith.andi %ne3A_1257, %ne3A_1260 : i1
      %sub3A_1262 = arith.constant 1 : i32
      %sub3A_1263 = arith.subi %div3A_1242, %sub3A_1262 : i32
      %select_n3A_1264 = arith.select %and3A_1261, %sub3A_1263, %div3A_1242 : i32
      %jit3A_1265 = arith.constant 4 : i32
      %eq3A_1266 = arith.constant 0 : i32
      %eq3A_1267 = arith.cmpi eq, %jit3A_1265, %eq3A_1266 : i32
      %jit3A_1268 = arith.constant 1 : i32
      %select_n3A_1269 = arith.select %eq3A_1267, %jit3A_1268, %jit3A_1265 : i32
      %rem3A_1270 = arith.remsi %add3A_1234, %select_n3A_1269 : i32
      %ne3A_1271 = arith.constant 0 : i32
      %ne3A_1272 = arith.cmpi ne, %rem3A_1270, %ne3A_1271 : i32
      %lt3A_1273 = arith.constant 0 : i32
      %lt3A_1274 = arith.cmpi slt, %rem3A_1270, %lt3A_1273 : i32
      %lt3A_1275 = arith.constant 0 : i32
      %lt3A_1276 = arith.cmpi slt, %select_n3A_1269, %lt3A_1275 : i32
      %ne3A_1277 = arith.xori %lt3A_1274, %lt3A_1276 : i1
      %and3A_1278 = arith.andi %ne3A_1277, %ne3A_1272 : i1
      %add3A_1279 = arith.addi %rem3A_1270, %select_n3A_1269 : i32
      %select_n3A_1280 = arith.select %and3A_1278, %add3A_1279, %rem3A_1270 : i32
      %mul3A_1281 = arith.constant 32 : i32
      %mul3A_1282 = arith.muli %select_n3A_1280, %mul3A_1281 : i32
      %dma_start3A_1283 = tpu.memref_slice %arg15[%select_n3A_1264, %mul3A_1282] : memref<128x128xf32, #tpu.memory_space<vmem>> -> memref<1x32xf32, #tpu.memory_space<vmem>>
      %dma_start3A_1284 = tpu.memref_squeeze %dma_start3A_1283 : memref<1x32xf32, #tpu.memory_space<vmem>> -> memref<32xf32, #tpu.memory_space<vmem>>
      %dma_start3A_1285 = arith.constant 0 : i32
      %dma_start3A_1286 = tpu.memref_slice %arg5[%squeeze3A_1236, %dma_start3A_1285] : memref<1000000x32xf32, #tpu.memory_space<hbm>> -> memref<1x32xf32, #tpu.memory_space<hbm>>
      %dma_start3A_1287 = tpu.memref_squeeze %dma_start3A_1286 : memref<1x32xf32, #tpu.memory_space<hbm>> -> memref<32xf32, #tpu.memory_space<hbm>>
      %dma_start3A_1288 = tpu.memref_slice %arg15[%select_n3A_1264, %mul3A_1282] : memref<128x128xf32, #tpu.memory_space<vmem>> -> memref<1x32xf32, #tpu.memory_space<vmem>>
      %dma_start3A_1289 = tpu.memref_squeeze %dma_start3A_1288 : memref<1x32xf32, #tpu.memory_space<vmem>> -> memref<32xf32, #tpu.memory_space<vmem>>
      %dma_start3A_1290 = arith.constant 0 : i32
      %dma_start3A_1291 = tpu.memref_slice %arg5[%squeeze3A_1236, %dma_start3A_1290] : memref<1000000x32xf32, #tpu.memory_space<hbm>> -> memref<1x32xf32, #tpu.memory_space<hbm>>
      %dma_start3A_1292 = tpu.memref_squeeze %dma_start3A_1291 : memref<1x32xf32, #tpu.memory_space<hbm>> -> memref<32xf32, #tpu.memory_space<hbm>>
      tpu.enqueue_dma source(%dma_start3A_1292 : memref<32xf32, #tpu.memory_space<hbm>>) target(%dma_start3A_1289 : memref<32xf32, #tpu.memory_space<vmem>>) target_semaphore(%arg19 : memref<!tpu.dma_semaphore, #tpu.memory_space<semaphore_mem>>)
      %dma_start3A_1293 = tpu.memref_slice %arg16[%select_n3A_1264, %mul3A_1282] : memref<128x128xf32, #tpu.memory_space<vmem>> -> memref<1x32xf32, #tpu.memory_space<vmem>>
      %dma_start3A_1294 = tpu.memref_squeeze %dma_start3A_1293 : memref<1x32xf32, #tpu.memory_space<vmem>> -> memref<32xf32, #tpu.memory_space<vmem>>
      %dma_start3A_1295 = arith.constant 0 : i32
      %dma_start3A_1296 = tpu.memref_slice %arg6[%squeeze3A_1238, %dma_start3A_1295] : memref<1000000x32xf32, #tpu.memory_space<hbm>> -> memref<1x32xf32, #tpu.memory_space<hbm>>
      %dma_start3A_1297 = tpu.memref_squeeze %dma_start3A_1296 : memref<1x32xf32, #tpu.memory_space<hbm>> -> memref<32xf32, #tpu.memory_space<hbm>>
      %dma_start3A_1298 = tpu.memref_slice %arg16[%select_n3A_1264, %mul3A_1282] : memref<128x128xf32, #tpu.memory_space<vmem>> -> memref<1x32xf32, #tpu.memory_space<vmem>>
      %dma_start3A_1299 = tpu.memref_squeeze %dma_start3A_1298 : memref<1x32xf32, #tpu.memory_space<vmem>> -> memref<32xf32, #tpu.memory_space<vmem>>
      %dma_start3A_1300 = arith.constant 0 : i32
      %dma_start3A_1301 = tpu.memref_slice %arg6[%squeeze3A_1238, %dma_start3A_1300] : memref<1000000x32xf32, #tpu.memory_space<hbm>> -> memref<1x32xf32, #tpu.memory_space<hbm>>
      %dma_start3A_1302 = tpu.memref_squeeze %dma_start3A_1301 : memref<1x32xf32, #tpu.memory_space<hbm>> -> memref<32xf32, #tpu.memory_space<hbm>>
      tpu.enqueue_dma source(%dma_start3A_1302 : memref<32xf32, #tpu.memory_space<hbm>>) target(%dma_start3A_1299 : memref<32xf32, #tpu.memory_space<vmem>>) target_semaphore(%arg20 : memref<!tpu.dma_semaphore, #tpu.memory_space<semaphore_mem>>)
      %dma_start3A_1303 = tpu.memref_slice %arg17[%select_n3A_1264, %mul3A_1282] : memref<128x128xf32, #tpu.memory_space<vmem>> -> memref<1x32xf32, #tpu.memory_space<vmem>>
      %dma_start3A_1304 = tpu.memref_squeeze %dma_start3A_1303 : memref<1x32xf32, #tpu.memory_space<vmem>> -> memref<32xf32, #tpu.memory_space<vmem>>
      %dma_start3A_1305 = arith.constant 0 : i32
      %dma_start3A_1306 = tpu.memref_slice %arg6[%squeeze3A_1240, %dma_start3A_1305] : memref<1000000x32xf32, #tpu.memory_space<hbm>> -> memref<1x32xf32, #tpu.memory_space<hbm>>
      %dma_start3A_1307 = tpu.memref_squeeze %dma_start3A_1306 : memref<1x32xf32, #tpu.memory_space<hbm>> -> memref<32xf32, #tpu.memory_space<hbm>>
      %dma_start3A_1308 = tpu.memref_slice %arg17[%select_n3A_1264, %mul3A_1282] : memref<128x128xf32, #tpu.memory_space<vmem>> -> memref<1x32xf32, #tpu.memory_space<vmem>>
      %dma_start3A_1309 = tpu.memref_squeeze %dma_start3A_1308 : memref<1x32xf32, #tpu.memory_space<vmem>> -> memref<32xf32, #tpu.memory_space<vmem>>
      %dma_start3A_1310 = arith.constant 0 : i32
      %dma_start3A_1311 = tpu.memref_slice %arg6[%squeeze3A_1240, %dma_start3A_1310] : memref<1000000x32xf32, #tpu.memory_space<hbm>> -> memref<1x32xf32, #tpu.memory_space<hbm>>
      %dma_start3A_1312 = tpu.memref_squeeze %dma_start3A_1311 : memref<1x32xf32, #tpu.memory_space<hbm>> -> memref<32xf32, #tpu.memory_space<hbm>>
      tpu.enqueue_dma source(%dma_start3A_1312 : memref<32xf32, #tpu.memory_space<hbm>>) target(%dma_start3A_1309 : memref<32xf32, #tpu.memory_space<vmem>>) target_semaphore(%arg21 : memref<!tpu.dma_semaphore, #tpu.memory_space<semaphore_mem>>)
      %mul3A_1313 = arith.constant 16 : i32
      %mul3A_1314 = arith.muli %scan3A_35, %mul3A_1313 : i32
      %add3A_1315 = arith.constant 15 : i32
      %add3A_1316 = arith.addi %mul3A_1314, %add3A_1315 : i32
      %slice3A_1317 = vector.extract_strided_slice %get3A_39 {offsets = [15], sizes = [1], strides = [1]} : vector<16xi32> to vector<1xi32>
      %squeeze3A_1318 = vector.extract %slice3A_1317[0] : i32 from vector<1xi32>
      %slice3A_1319 = vector.extract_strided_slice %get3A_44 {offsets = [15], sizes = [1], strides = [1]} : vector<16xi32> to vector<1xi32>
      %squeeze3A_1320 = vector.extract %slice3A_1319[0] : i32 from vector<1xi32>
      %slice3A_1321 = vector.extract_strided_slice %get3A_49 {offsets = [15], sizes = [1], strides = [1]} : vector<16xi32> to vector<1xi32>
      %squeeze3A_1322 = vector.extract %slice3A_1321[0] : i32 from vector<1xi32>
      %jit3A_1323 = arith.constant 4 : i32
      %div3A_1324 = arith.divsi %add3A_1316, %jit3A_1323 : i32
      %sign3A_1325 = arith.constant 0 : i32
      %sign3A_1326 = arith.cmpi sgt, %add3A_1316, %sign3A_1325 : i32
      %sign3A_1327 = arith.extui %sign3A_1326 : i1 to i32
      %sign3A_1328 = arith.constant 0 : i32
      %sign3A_1329 = arith.cmpi slt, %add3A_1316, %sign3A_1328 : i32
      %sign3A_1330 = arith.extui %sign3A_1329 : i1 to i32
      %sign3A_1331 = arith.subi %sign3A_1327, %sign3A_1330 : i32
      %sign3A_1332 = arith.constant 0 : i32
      %sign3A_1333 = arith.cmpi sgt, %jit3A_1323, %sign3A_1332 : i32
      %sign3A_1334 = arith.extui %sign3A_1333 : i1 to i32
      %sign3A_1335 = arith.constant 0 : i32
      %sign3A_1336 = arith.cmpi slt, %jit3A_1323, %sign3A_1335 : i32
      %sign3A_1337 = arith.extui %sign3A_1336 : i1 to i32
      %sign3A_1338 = arith.subi %sign3A_1334, %sign3A_1337 : i32
      %ne3A_1339 = arith.cmpi ne, %sign3A_1331, %sign3A_1338 : i32
      %rem3A_1340 = arith.remsi %add3A_1316, %jit3A_1323 : i32
      %ne3A_1341 = arith.constant 0 : i32
      %ne3A_1342 = arith.cmpi ne, %rem3A_1340, %ne3A_1341 : i32
      %and3A_1343 = arith.andi %ne3A_1339, %ne3A_1342 : i1
      %sub3A_1344 = arith.constant 1 : i32
      %sub3A_1345 = arith.subi %div3A_1324, %sub3A_1344 : i32
      %select_n3A_1346 = arith.select %and3A_1343, %sub3A_1345, %div3A_1324 : i32
      %jit3A_1347 = arith.constant 4 : i32
      %eq3A_1348 = arith.constant 0 : i32
      %eq3A_1349 = arith.cmpi eq, %jit3A_1347, %eq3A_1348 : i32
      %jit3A_1350 = arith.constant 1 : i32
      %select_n3A_1351 = arith.select %eq3A_1349, %jit3A_1350, %jit3A_1347 : i32
      %rem3A_1352 = arith.remsi %add3A_1316, %select_n3A_1351 : i32
      %ne3A_1353 = arith.constant 0 : i32
      %ne3A_1354 = arith.cmpi ne, %rem3A_1352, %ne3A_1353 : i32
      %lt3A_1355 = arith.constant 0 : i32
      %lt3A_1356 = arith.cmpi slt, %rem3A_1352, %lt3A_1355 : i32
      %lt3A_1357 = arith.constant 0 : i32
      %lt3A_1358 = arith.cmpi slt, %select_n3A_1351, %lt3A_1357 : i32
      %ne3A_1359 = arith.xori %lt3A_1356, %lt3A_1358 : i1
      %and3A_1360 = arith.andi %ne3A_1359, %ne3A_1354 : i1
      %add3A_1361 = arith.addi %rem3A_1352, %select_n3A_1351 : i32
      %select_n3A_1362 = arith.select %and3A_1360, %add3A_1361, %rem3A_1352 : i32
      %mul3A_1363 = arith.constant 32 : i32
      %mul3A_1364 = arith.muli %select_n3A_1362, %mul3A_1363 : i32
      %dma_start3A_1365 = tpu.memref_slice %arg15[%select_n3A_1346, %mul3A_1364] : memref<128x128xf32, #tpu.memory_space<vmem>> -> memref<1x32xf32, #tpu.memory_space<vmem>>
      %dma_start3A_1366 = tpu.memref_squeeze %dma_start3A_1365 : memref<1x32xf32, #tpu.memory_space<vmem>> -> memref<32xf32, #tpu.memory_space<vmem>>
      %dma_start3A_1367 = arith.constant 0 : i32
      %dma_start3A_1368 = tpu.memref_slice %arg5[%squeeze3A_1318, %dma_start3A_1367] : memref<1000000x32xf32, #tpu.memory_space<hbm>> -> memref<1x32xf32, #tpu.memory_space<hbm>>
      %dma_start3A_1369 = tpu.memref_squeeze %dma_start3A_1368 : memref<1x32xf32, #tpu.memory_space<hbm>> -> memref<32xf32, #tpu.memory_space<hbm>>
      %dma_start3A_1370 = tpu.memref_slice %arg15[%select_n3A_1346, %mul3A_1364] : memref<128x128xf32, #tpu.memory_space<vmem>> -> memref<1x32xf32, #tpu.memory_space<vmem>>
      %dma_start3A_1371 = tpu.memref_squeeze %dma_start3A_1370 : memref<1x32xf32, #tpu.memory_space<vmem>> -> memref<32xf32, #tpu.memory_space<vmem>>
      %dma_start3A_1372 = arith.constant 0 : i32
      %dma_start3A_1373 = tpu.memref_slice %arg5[%squeeze3A_1318, %dma_start3A_1372] : memref<1000000x32xf32, #tpu.memory_space<hbm>> -> memref<1x32xf32, #tpu.memory_space<hbm>>
      %dma_start3A_1374 = tpu.memref_squeeze %dma_start3A_1373 : memref<1x32xf32, #tpu.memory_space<hbm>> -> memref<32xf32, #tpu.memory_space<hbm>>
      tpu.enqueue_dma source(%dma_start3A_1374 : memref<32xf32, #tpu.memory_space<hbm>>) target(%dma_start3A_1371 : memref<32xf32, #tpu.memory_space<vmem>>) target_semaphore(%arg19 : memref<!tpu.dma_semaphore, #tpu.memory_space<semaphore_mem>>)
      %dma_start3A_1375 = tpu.memref_slice %arg16[%select_n3A_1346, %mul3A_1364] : memref<128x128xf32, #tpu.memory_space<vmem>> -> memref<1x32xf32, #tpu.memory_space<vmem>>
      %dma_start3A_1376 = tpu.memref_squeeze %dma_start3A_1375 : memref<1x32xf32, #tpu.memory_space<vmem>> -> memref<32xf32, #tpu.memory_space<vmem>>
      %dma_start3A_1377 = arith.constant 0 : i32
      %dma_start3A_1378 = tpu.memref_slice %arg6[%squeeze3A_1320, %dma_start3A_1377] : memref<1000000x32xf32, #tpu.memory_space<hbm>> -> memref<1x32xf32, #tpu.memory_space<hbm>>
      %dma_start3A_1379 = tpu.memref_squeeze %dma_start3A_1378 : memref<1x32xf32, #tpu.memory_space<hbm>> -> memref<32xf32, #tpu.memory_space<hbm>>
      %dma_start3A_1380 = tpu.memref_slice %arg16[%select_n3A_1346, %mul3A_1364] : memref<128x128xf32, #tpu.memory_space<vmem>> -> memref<1x32xf32, #tpu.memory_space<vmem>>
      %dma_start3A_1381 = tpu.memref_squeeze %dma_start3A_1380 : memref<1x32xf32, #tpu.memory_space<vmem>> -> memref<32xf32, #tpu.memory_space<vmem>>
      %dma_start3A_1382 = arith.constant 0 : i32
      %dma_start3A_1383 = tpu.memref_slice %arg6[%squeeze3A_1320, %dma_start3A_1382] : memref<1000000x32xf32, #tpu.memory_space<hbm>> -> memref<1x32xf32, #tpu.memory_space<hbm>>
      %dma_start3A_1384 = tpu.memref_squeeze %dma_start3A_1383 : memref<1x32xf32, #tpu.memory_space<hbm>> -> memref<32xf32, #tpu.memory_space<hbm>>
      tpu.enqueue_dma source(%dma_start3A_1384 : memref<32xf32, #tpu.memory_space<hbm>>) target(%dma_start3A_1381 : memref<32xf32, #tpu.memory_space<vmem>>) target_semaphore(%arg20 : memref<!tpu.dma_semaphore, #tpu.memory_space<semaphore_mem>>)
      %dma_start3A_1385 = tpu.memref_slice %arg17[%select_n3A_1346, %mul3A_1364] : memref<128x128xf32, #tpu.memory_space<vmem>> -> memref<1x32xf32, #tpu.memory_space<vmem>>
      %dma_start3A_1386 = tpu.memref_squeeze %dma_start3A_1385 : memref<1x32xf32, #tpu.memory_space<vmem>> -> memref<32xf32, #tpu.memory_space<vmem>>
      %dma_start3A_1387 = arith.constant 0 : i32
      %dma_start3A_1388 = tpu.memref_slice %arg6[%squeeze3A_1322, %dma_start3A_1387] : memref<1000000x32xf32, #tpu.memory_space<hbm>> -> memref<1x32xf32, #tpu.memory_space<hbm>>
      %dma_start3A_1389 = tpu.memref_squeeze %dma_start3A_1388 : memref<1x32xf32, #tpu.memory_space<hbm>> -> memref<32xf32, #tpu.memory_space<hbm>>
      %dma_start3A_1390 = tpu.memref_slice %arg17[%select_n3A_1346, %mul3A_1364] : memref<128x128xf32, #tpu.memory_space<vmem>> -> memref<1x32xf32, #tpu.memory_space<vmem>>
      %dma_start3A_1391 = tpu.memref_squeeze %dma_start3A_1390 : memref<1x32xf32, #tpu.memory_space<vmem>> -> memref<32xf32, #tpu.memory_space<vmem>>
      %dma_start3A_1392 = arith.constant 0 : i32
      %dma_start3A_1393 = tpu.memref_slice %arg6[%squeeze3A_1322, %dma_start3A_1392] : memref<1000000x32xf32, #tpu.memory_space<hbm>> -> memref<1x32xf32, #tpu.memory_space<hbm>>
      %dma_start3A_1394 = tpu.memref_squeeze %dma_start3A_1393 : memref<1x32xf32, #tpu.memory_space<hbm>> -> memref<32xf32, #tpu.memory_space<hbm>>
      tpu.enqueue_dma source(%dma_start3A_1394 : memref<32xf32, #tpu.memory_space<hbm>>) target(%dma_start3A_1391 : memref<32xf32, #tpu.memory_space<vmem>>) target_semaphore(%arg21 : memref<!tpu.dma_semaphore, #tpu.memory_space<semaphore_mem>>)
    }
    %scan3A_7 = arith.constant 32 : i32
    %dma_wait3A = arith.constant 0 : i32
    %dma_wait3A_8 = arith.constant 0 : i32
    %dma_wait3A_9 = tpu.memref_slice %arg8[%dma_wait3A, %dma_wait3A_8] : memref<4096x128xf32, #tpu.memory_space<hbm>> -> memref<128x128xf32, #tpu.memory_space<hbm>>
    %dma_wait3A_10 = arith.constant 0 : i32
    %dma_wait3A_11 = arith.constant 0 : i32
    %dma_wait3A_12 = tpu.memref_slice %arg8[%dma_wait3A_10, %dma_wait3A_11] : memref<4096x128xf32, #tpu.memory_space<hbm>> -> memref<128x128xf32, #tpu.memory_space<hbm>>
    tpu.wait_dma2 semaphore(%arg19 : memref<!tpu.dma_semaphore, #tpu.memory_space<semaphore_mem>>) src(%dma_wait3A_12 : memref<128x128xf32, #tpu.memory_space<hbm>>) dst(%arg15 : memref<128x128xf32, #tpu.memory_space<vmem>>)
    %dma_wait3A_13 = arith.constant 0 : i32
    %dma_wait3A_14 = arith.constant 0 : i32
    %dma_wait3A_15 = tpu.memref_slice %arg9[%dma_wait3A_13, %dma_wait3A_14] : memref<4096x128xf32, #tpu.memory_space<hbm>> -> memref<128x128xf32, #tpu.memory_space<hbm>>
    %dma_wait3A_16 = arith.constant 0 : i32
    %dma_wait3A_17 = arith.constant 0 : i32
    %dma_wait3A_18 = tpu.memref_slice %arg9[%dma_wait3A_16, %dma_wait3A_17] : memref<4096x128xf32, #tpu.memory_space<hbm>> -> memref<128x128xf32, #tpu.memory_space<hbm>>
    tpu.wait_dma2 semaphore(%arg20 : memref<!tpu.dma_semaphore, #tpu.memory_space<semaphore_mem>>) src(%dma_wait3A_18 : memref<128x128xf32, #tpu.memory_space<hbm>>) dst(%arg16 : memref<128x128xf32, #tpu.memory_space<vmem>>)
    %dma_wait3A_19 = arith.constant 0 : i32
    %dma_wait3A_20 = arith.constant 0 : i32
    %dma_wait3A_21 = tpu.memref_slice %arg10[%dma_wait3A_19, %dma_wait3A_20] : memref<4096x128xf32, #tpu.memory_space<hbm>> -> memref<128x128xf32, #tpu.memory_space<hbm>>
    %dma_wait3A_22 = arith.constant 0 : i32
    %dma_wait3A_23 = arith.constant 0 : i32
    %dma_wait3A_24 = tpu.memref_slice %arg10[%dma_wait3A_22, %dma_wait3A_23] : memref<4096x128xf32, #tpu.memory_space<hbm>> -> memref<128x128xf32, #tpu.memory_space<hbm>>
    tpu.wait_dma2 semaphore(%arg21 : memref<!tpu.dma_semaphore, #tpu.memory_space<semaphore_mem>>) src(%dma_wait3A_24 : memref<128x128xf32, #tpu.memory_space<hbm>>) dst(%arg17 : memref<128x128xf32, #tpu.memory_space<vmem>>)
    %dma_wait3A_25 = arith.constant 0 : i32
    %dma_wait3A_26 = arith.constant 0 : i32
    %dma_wait3A_27 = tpu.memref_slice %arg8[%dma_wait3A_25, %dma_wait3A_26] : memref<4096x128xf32, #tpu.memory_space<hbm>> -> memref<4x128xf32, #tpu.memory_space<hbm>>
    %dma_wait3A_28 = arith.constant 0 : i32
    %dma_wait3A_29 = arith.constant 0 : i32
    %dma_wait3A_30 = tpu.memref_slice %arg8[%dma_wait3A_28, %dma_wait3A_29] : memref<4096x128xf32, #tpu.memory_space<hbm>> -> memref<4x128xf32, #tpu.memory_space<hbm>>
    tpu.wait_dma2 semaphore(%arg22 : memref<!tpu.dma_semaphore, #tpu.memory_space<semaphore_mem>>) src(%dma_wait3A_30 : memref<4x128xf32, #tpu.memory_space<hbm>>) dst(%arg18 : memref<4x128xf32, #tpu.memory_space<vmem>>)
    %mul3A_31 = arith.constant 128 : i32
    %mul3A_32 = arith.muli %add3A, %mul3A_31 : i32
    "tpu.region"() ({
      %run_scoped3A = tpu.sem_alloc : memref<!tpu.dma_semaphore, #tpu.memory_space<semaphore_mem>>
      %dma_start3A = arith.constant 0 : i32
      %dma_start3A_35 = tpu.memref_slice %arg8[%mul3A_32, %dma_start3A] : memref<4096x128xf32, #tpu.memory_space<hbm>> -> memref<128x128xf32, #tpu.memory_space<hbm>>
      %dma_start3A_36 = arith.constant 0 : i32
      %dma_start3A_37 = tpu.memref_slice %arg8[%mul3A_32, %dma_start3A_36] : memref<4096x128xf32, #tpu.memory_space<hbm>> -> memref<128x128xf32, #tpu.memory_space<hbm>>
      tpu.enqueue_dma source(%arg15 : memref<128x128xf32, #tpu.memory_space<vmem>>) target(%dma_start3A_37 : memref<128x128xf32, #tpu.memory_space<hbm>>) target_semaphore(%run_scoped3A : memref<!tpu.dma_semaphore, #tpu.memory_space<semaphore_mem>>)
      %dma_wait3A_38 = arith.constant 0 : i32
      %dma_wait3A_39 = tpu.memref_slice %arg8[%mul3A_32, %dma_wait3A_38] : memref<4096x128xf32, #tpu.memory_space<hbm>> -> memref<128x128xf32, #tpu.memory_space<hbm>>
      %dma_wait3A_40 = arith.constant 0 : i32
      %dma_wait3A_41 = tpu.memref_slice %arg8[%mul3A_32, %dma_wait3A_40] : memref<4096x128xf32, #tpu.memory_space<hbm>> -> memref<128x128xf32, #tpu.memory_space<hbm>>
      tpu.wait_dma2 semaphore(%run_scoped3A : memref<!tpu.dma_semaphore, #tpu.memory_space<semaphore_mem>>) src(%arg15 : memref<128x128xf32, #tpu.memory_space<vmem>>) dst(%dma_wait3A_41 : memref<128x128xf32, #tpu.memory_space<hbm>>)
      tpu.yield
    }) : () -> ()
    "tpu.region"() ({
      %run_scoped3A = tpu.sem_alloc : memref<!tpu.dma_semaphore, #tpu.memory_space<semaphore_mem>>
      %dma_start3A = arith.constant 0 : i32
      %dma_start3A_35 = tpu.memref_slice %arg9[%mul3A_32, %dma_start3A] : memref<4096x128xf32, #tpu.memory_space<hbm>> -> memref<128x128xf32, #tpu.memory_space<hbm>>
      %dma_start3A_36 = arith.constant 0 : i32
      %dma_start3A_37 = tpu.memref_slice %arg9[%mul3A_32, %dma_start3A_36] : memref<4096x128xf32, #tpu.memory_space<hbm>> -> memref<128x128xf32, #tpu.memory_space<hbm>>
      tpu.enqueue_dma source(%arg16 : memref<128x128xf32, #tpu.memory_space<vmem>>) target(%dma_start3A_37 : memref<128x128xf32, #tpu.memory_space<hbm>>) target_semaphore(%run_scoped3A : memref<!tpu.dma_semaphore, #tpu.memory_space<semaphore_mem>>)
      %dma_wait3A_38 = arith.constant 0 : i32
      %dma_wait3A_39 = tpu.memref_slice %arg9[%mul3A_32, %dma_wait3A_38] : memref<4096x128xf32, #tpu.memory_space<hbm>> -> memref<128x128xf32, #tpu.memory_space<hbm>>
      %dma_wait3A_40 = arith.constant 0 : i32
      %dma_wait3A_41 = tpu.memref_slice %arg9[%mul3A_32, %dma_wait3A_40] : memref<4096x128xf32, #tpu.memory_space<hbm>> -> memref<128x128xf32, #tpu.memory_space<hbm>>
      tpu.wait_dma2 semaphore(%run_scoped3A : memref<!tpu.dma_semaphore, #tpu.memory_space<semaphore_mem>>) src(%arg16 : memref<128x128xf32, #tpu.memory_space<vmem>>) dst(%dma_wait3A_41 : memref<128x128xf32, #tpu.memory_space<hbm>>)
      tpu.yield
    }) : () -> ()
    "tpu.region"() ({
      %run_scoped3A = tpu.sem_alloc : memref<!tpu.dma_semaphore, #tpu.memory_space<semaphore_mem>>
      %dma_start3A = arith.constant 0 : i32
      %dma_start3A_35 = tpu.memref_slice %arg10[%mul3A_32, %dma_start3A] : memref<4096x128xf32, #tpu.memory_space<hbm>> -> memref<128x128xf32, #tpu.memory_space<hbm>>
      %dma_start3A_36 = arith.constant 0 : i32
      %dma_start3A_37 = tpu.memref_slice %arg10[%mul3A_32, %dma_start3A_36] : memref<4096x128xf32, #tpu.memory_space<hbm>> -> memref<128x128xf32, #tpu.memory_space<hbm>>
      tpu.enqueue_dma source(%arg17 : memref<128x128xf32, #tpu.memory_space<vmem>>) target(%dma_start3A_37 : memref<128x128xf32, #tpu.memory_space<hbm>>) target_semaphore(%run_scoped3A : memref<!tpu.dma_semaphore, #tpu.memory_space<semaphore_mem>>)
      %dma_wait3A_38 = arith.constant 0 : i32
      %dma_wait3A_39 = tpu.memref_slice %arg10[%mul3A_32, %dma_wait3A_38] : memref<4096x128xf32, #tpu.memory_space<hbm>> -> memref<128x128xf32, #tpu.memory_space<hbm>>
      %dma_wait3A_40 = arith.constant 0 : i32
      %dma_wait3A_41 = tpu.memref_slice %arg10[%mul3A_32, %dma_wait3A_40] : memref<4096x128xf32, #tpu.memory_space<hbm>> -> memref<128x128xf32, #tpu.memory_space<hbm>>
      tpu.wait_dma2 semaphore(%run_scoped3A : memref<!tpu.dma_semaphore, #tpu.memory_space<semaphore_mem>>) src(%arg17 : memref<128x128xf32, #tpu.memory_space<vmem>>) dst(%dma_wait3A_41 : memref<128x128xf32, #tpu.memory_space<hbm>>)
      tpu.yield
    }) : () -> ()
    %mul3A_33 = arith.constant 4 : i32
    %mul3A_34 = arith.muli %add3A, %mul3A_33 : i32
    "tpu.region"() ({
      %run_scoped3A = tpu.sem_alloc : memref<!tpu.dma_semaphore, #tpu.memory_space<semaphore_mem>>
      %dma_start3A = arith.constant 0 : i32
      %dma_start3A_35 = tpu.memref_slice %arg11[%mul3A_34, %dma_start3A] : memref<128x128xf32, #tpu.memory_space<hbm>> -> memref<4x128xf32, #tpu.memory_space<hbm>>
      %dma_start3A_36 = arith.constant 0 : i32
      %dma_start3A_37 = tpu.memref_slice %arg11[%mul3A_34, %dma_start3A_36] : memref<128x128xf32, #tpu.memory_space<hbm>> -> memref<4x128xf32, #tpu.memory_space<hbm>>
      tpu.enqueue_dma source(%arg18 : memref<4x128xf32, #tpu.memory_space<vmem>>) target(%dma_start3A_37 : memref<4x128xf32, #tpu.memory_space<hbm>>) target_semaphore(%run_scoped3A : memref<!tpu.dma_semaphore, #tpu.memory_space<semaphore_mem>>)
      %dma_wait3A_38 = arith.constant 0 : i32
      %dma_wait3A_39 = tpu.memref_slice %arg11[%mul3A_34, %dma_wait3A_38] : memref<128x128xf32, #tpu.memory_space<hbm>> -> memref<4x128xf32, #tpu.memory_space<hbm>>
      %dma_wait3A_40 = arith.constant 0 : i32
      %dma_wait3A_41 = tpu.memref_slice %arg11[%mul3A_34, %dma_wait3A_40] : memref<128x128xf32, #tpu.memory_space<hbm>> -> memref<4x128xf32, #tpu.memory_space<hbm>>
      tpu.wait_dma2 semaphore(%run_scoped3A : memref<!tpu.dma_semaphore, #tpu.memory_space<semaphore_mem>>) src(%arg18 : memref<4x128xf32, #tpu.memory_space<vmem>>) dst(%dma_wait3A_41 : memref<4x128xf32, #tpu.memory_space<hbm>>)
      tpu.yield
    }) : () -> ()
    return
  }
}

module attributes {stable_mosaic.version = 14 : i64} {
  func.func @_loss_body(%arg0: memref<4096x128xf32, #tpu.memory_space<vmem>>, %arg1: memref<4096x128xf32, #tpu.memory_space<vmem>>, %arg2: memref<4096x128xf32, #tpu.memory_space<vmem>>, %arg3: memref<4096x4xf32, #tpu.memory_space<vmem>>, %arg4: memref<1x1xf32, #tpu.memory_space<smem>>) attributes {dimension_semantics = [], scalar_prefetch = 0 : i64, scratch_operands = 0 : i64, tpu.core_type = #tpu.core_type<tc>} {
    %get3A = arith.constant 0 : index
    %get3A_0 = arith.constant 0 : index
    %get3A_1 = vector.load %arg0[%get3A, %get3A_0] : memref<4096x128xf32, #tpu.memory_space<vmem>>, vector<4096x128xf32>
    %get3A_2 = arith.constant 0 : index
    %get3A_3 = arith.constant 0 : index
    %get3A_4 = vector.load %arg1[%get3A_2, %get3A_3] : memref<4096x128xf32, #tpu.memory_space<vmem>>, vector<4096x128xf32>
    %get3A_5 = arith.constant 0 : index
    %get3A_6 = arith.constant 0 : index
    %get3A_7 = vector.load %arg2[%get3A_5, %get3A_6] : memref<4096x128xf32, #tpu.memory_space<vmem>>, vector<4096x128xf32>
    %sub3A = arith.subf %get3A_7, %get3A_4 : vector<4096x128xf32>
    %mul3A = arith.mulf %get3A_1, %sub3A : vector<4096x128xf32>
    %iota3A = tpu.iota {dimensions = array<i32: 0>} : vector<128x4xi32>
    %jit3A = arith.constant 32 : i32
    %div3A = vector.broadcast %jit3A : i32 to vector<128x4xi32>
    %div3A_8 = arith.divsi %iota3A, %div3A : vector<128x4xi32>
    %sign3A = arith.constant 0 : i32
    %sign3A_9 = vector.broadcast %sign3A : i32 to vector<128x4xi32>
    %sign3A_10 = arith.cmpi sgt, %iota3A, %sign3A_9 : vector<128x4xi32>
    %sign3A_11 = arith.extui %sign3A_10 : vector<128x4xi1> to vector<128x4xi32>
    %sign3A_12 = arith.constant 0 : i32
    %sign3A_13 = vector.broadcast %sign3A_12 : i32 to vector<128x4xi32>
    %sign3A_14 = arith.cmpi slt, %iota3A, %sign3A_13 : vector<128x4xi32>
    %sign3A_15 = arith.extui %sign3A_14 : vector<128x4xi1> to vector<128x4xi32>
    %sign3A_16 = arith.subi %sign3A_11, %sign3A_15 : vector<128x4xi32>
    %sign3A_17 = arith.constant 0 : i32
    %sign3A_18 = arith.cmpi sgt, %jit3A, %sign3A_17 : i32
    %sign3A_19 = arith.extui %sign3A_18 : i1 to i32
    %sign3A_20 = arith.constant 0 : i32
    %sign3A_21 = arith.cmpi slt, %jit3A, %sign3A_20 : i32
    %sign3A_22 = arith.extui %sign3A_21 : i1 to i32
    %sign3A_23 = arith.subi %sign3A_19, %sign3A_22 : i32
    %ne3A = vector.broadcast %sign3A_23 : i32 to vector<128x4xi32>
    %ne3A_24 = arith.cmpi ne, %sign3A_16, %ne3A : vector<128x4xi32>
    %rem3A = vector.broadcast %jit3A : i32 to vector<128x4xi32>
    %rem3A_25 = arith.remsi %iota3A, %rem3A : vector<128x4xi32>
    %ne3A_26 = arith.constant 0 : i32
    %ne3A_27 = vector.broadcast %ne3A_26 : i32 to vector<128x4xi32>
    %ne3A_28 = arith.cmpi ne, %rem3A_25, %ne3A_27 : vector<128x4xi32>
    %and3A = arith.andi %ne3A_24, %ne3A_28 : vector<128x4xi1>
    %sub3A_29 = arith.constant 1 : i32
    %sub3A_30 = vector.broadcast %sub3A_29 : i32 to vector<128x4xi32>
    %sub3A_31 = arith.subi %div3A_8, %sub3A_30 : vector<128x4xi32>
    %select_n3A = arith.select %and3A, %sub3A_31, %div3A_8 : vector<128x4xi1>, vector<128x4xi32>
    %iota3A_32 = tpu.iota {dimensions = array<i32: 1>} : vector<128x4xi32>
    %eq3A = arith.cmpi eq, %select_n3A, %iota3A_32 : vector<128x4xi32>
    %convert_element_type3A = arith.extui %eq3A : vector<128x4xi1> to vector<128x4xi32>
    %convert_element_type3A_33 = arith.sitofp %convert_element_type3A : vector<128x4xi32> to vector<128x4xf32>
    %dot_general3A = arith.constant dense<0.000000e+00> : vector<4096x4xf32>
    %dot_general3A_34 = tpu.matmul %mul3A, %convert_element_type3A_33, %dot_general3A {dimension_numbers = #tpu.dot_dimension_numbers<[1], [0], [0], [1], [0, 0, 1, 1], [], []>, transpose_lhs_hint = false} : vector<4096x128xf32>, vector<128x4xf32>, vector<4096x4xf32> -> vector<4096x4xf32>
    %max3A = arith.constant 0.000000e+00 : f32
    %max3A_35 = vector.broadcast %max3A : f32 to vector<4096x4xf32>
    %max3A_36 = arith.maximumf %dot_general3A_34, %max3A_35 : vector<4096x4xf32>
    %abs3A = math.absf %dot_general3A_34 : vector<4096x4xf32>
    %neg3A = arith.constant 0.000000e+00 : f32
    %neg3A_37 = vector.broadcast %neg3A : f32 to vector<4096x4xf32>
    %neg3A_38 = arith.subf %neg3A_37, %abs3A : vector<4096x4xf32>
    %exp3A = math.exp %neg3A_38 : vector<4096x4xf32>
    %add3A = arith.constant 1.000000e+00 : f32
    %add3A_39 = vector.broadcast %add3A : f32 to vector<4096x4xf32>
    %add3A_40 = arith.addf %add3A_39, %exp3A : vector<4096x4xf32>
    %log3A = math.log %add3A_40 : vector<4096x4xf32>
    %add3A_41 = arith.addf %max3A_36, %log3A : vector<4096x4xf32>
    %get3A_42 = arith.constant 0 : index
    %get3A_43 = arith.constant 0 : index
    %get3A_44 = vector.load %arg3[%get3A_42, %get3A_43] : memref<4096x4xf32, #tpu.memory_space<vmem>>, vector<4096x4xf32>
    %mul3A_45 = arith.mulf %get3A_44, %add3A_41 : vector<4096x4xf32>
    %reduce_sum3A = vector.shape_cast %mul3A_45 : vector<4096x4xf32> to vector<1x4096x4xf32>
    %reduce_sum3A_46 = arith.constant dense<0.000000e+00> : vector<1xf32>
    %reduce_sum3A_47 = vector.multi_reduction <add>, %reduce_sum3A, %reduce_sum3A_46 [1, 2] : vector<1x4096x4xf32> to vector<1xf32>
    %reduce_sum3A_48 = vector.shape_cast %reduce_sum3A_47 : vector<1xf32> to vector<1x1x1xf32>
    %reduce_sum3A_49 = vector.extract %reduce_sum3A_48[0, 0, 0] : f32 from vector<1x1x1xf32>
    %mul3A_50 = arith.mulf %get3A_1, %get3A_1 : vector<4096x128xf32>
    %reduce_sum3A_51 = vector.shape_cast %mul3A_50 : vector<4096x128xf32> to vector<1x4096x128xf32>
    %reduce_sum3A_52 = arith.constant dense<0.000000e+00> : vector<1xf32>
    %reduce_sum3A_53 = vector.multi_reduction <add>, %reduce_sum3A_51, %reduce_sum3A_52 [1, 2] : vector<1x4096x128xf32> to vector<1xf32>
    %reduce_sum3A_54 = vector.shape_cast %reduce_sum3A_53 : vector<1xf32> to vector<1x1x1xf32>
    %reduce_sum3A_55 = vector.extract %reduce_sum3A_54[0, 0, 0] : f32 from vector<1x1x1xf32>
    %mul3A_56 = arith.mulf %get3A_4, %get3A_4 : vector<4096x128xf32>
    %reduce_sum3A_57 = vector.shape_cast %mul3A_56 : vector<4096x128xf32> to vector<1x4096x128xf32>
    %reduce_sum3A_58 = arith.constant dense<0.000000e+00> : vector<1xf32>
    %reduce_sum3A_59 = vector.multi_reduction <add>, %reduce_sum3A_57, %reduce_sum3A_58 [1, 2] : vector<1x4096x128xf32> to vector<1xf32>
    %reduce_sum3A_60 = vector.shape_cast %reduce_sum3A_59 : vector<1xf32> to vector<1x1x1xf32>
    %reduce_sum3A_61 = vector.extract %reduce_sum3A_60[0, 0, 0] : f32 from vector<1x1x1xf32>
    %add3A_62 = arith.addf %reduce_sum3A_55, %reduce_sum3A_61 : f32
    %mul3A_63 = arith.mulf %get3A_7, %get3A_7 : vector<4096x128xf32>
    %reduce_sum3A_64 = vector.shape_cast %mul3A_63 : vector<4096x128xf32> to vector<1x4096x128xf32>
    %reduce_sum3A_65 = arith.constant dense<0.000000e+00> : vector<1xf32>
    %reduce_sum3A_66 = vector.multi_reduction <add>, %reduce_sum3A_64, %reduce_sum3A_65 [1, 2] : vector<1x4096x128xf32> to vector<1xf32>
    %reduce_sum3A_67 = vector.shape_cast %reduce_sum3A_66 : vector<1xf32> to vector<1x1x1xf32>
    %reduce_sum3A_68 = vector.extract %reduce_sum3A_67[0, 0, 0] : f32 from vector<1x1x1xf32>
    %add3A_69 = arith.addf %add3A_62, %reduce_sum3A_68 : f32
    %mul3A_70 = arith.constant 6.10351549E-7 : f32
    %mul3A_71 = arith.mulf %reduce_sum3A_49, %mul3A_70 : f32
    %mul3A_72 = arith.constant 3.05175774E-9 : f32
    %mul3A_73 = arith.mulf %add3A_69, %mul3A_72 : f32
    %add3A_74 = arith.addf %mul3A_71, %mul3A_73 : f32
    %swap3A = arith.constant 0 : index
    %swap3A_75 = arith.constant 0 : index
    %swap3A_76 = memref.load %arg4[%swap3A, %swap3A_75] : memref<1x1xf32, #tpu.memory_space<smem>>
    memref.store %add3A_74, %arg4[%swap3A, %swap3A_75] : memref<1x1xf32, #tpu.memory_space<smem>>
    return
  }
}

</mosaic_0001>

<sc_bundles>
// kernel: kernel.4.cloned.1.call-start
scs
__scs_entry_jumppad:
0x0: {  	(pc) =	sbr.rel $0x88, $3  }
0x1: {  	(tag) =	ssettag $0x0;
	lr =	simm.s32 $0x1  }
0x2: {  	[smem:$0x3F9B] =	sst lr;
	_ =	strace $0xD0000000  }
0x3: {  	_ = 	snop  }
0x4: {  	_ = 	snop  }
0x5: {  	_ = 	snop  }
0x6: {  	_ = 	snop  }
0x7: {  	_ = 	snop  }
__scs_overlays_trampoline_lowered:
0x8: {  	[smem:$0x3FAA] =	sst s0  }
0x9: {  	[smem:$0x3FAB] =	sst s1  }
0xa: {  	[smem:$0x3FAC] =	sst s2  }
0xb: {  	[smem:$0x3FAD] =	sst s3  }
0xc: {  	[smem:$0x3FAE] =	sst s4  }
0xd: {  	[smem:$0x3FAF] =	sst s5  }
0xe: {  	[smem:$0x3FB0] =	sst s6  }
0xf: {  	[smem:$0x3FB1] =	sst s7  }
0x10: {  	[smem:$0x3FB2] =	sst s8  }
0x11: {  	[smem:$0x3FB3] =	sst s9;
	s0 =	simm.s32 @!p0 $0x0  }
0x12: {  	s1 =	sld [smem:$0x3F99];
	s0 =	simm.s32 @p0 $0x1  }
0x13: {  	[smem:$0x3FB4] =	sst s0;
	s0 =	simm.s32 @!p1 $0x0  }
0x14: {  	s2 =	sld [smem:$0x3F98];
	s0 =	simm.s32 @p1 $0x1  }
0x15: {  	[smem:$0x3FB5] =	sst s0;
	s0 =	simm.s32 @!p2 $0x0  }
0x16: {  	s3 =	sld [smem:$0x3FDB];
	s0 =	simm.s32 @p2 $0x1  }
0x17: {  	s4 =	simm.s32 $0x1BF5;
	[smem:$0x3FB7] =	sst s0  }
0x18: {  	s0 =	sld [smem:$0x3F9A];
	_ =	swait.ge [sflag:s4], $0x0  }
0x19: {  	s7 =	sld [smem:$0x3F9B]  }
0x1a: {  	s8 =	sadd.s32 $0xFFFFE003, lr  }
0x1b: {  	s9 =	sadd.s32 $0xFFFFFEF7, lr;
	s5 =	simm.s32 $0xFFFFFFFF;
	p2 =	slt.u32 s8, $0xFFFFF086  }
0x1c: {  	p1 =	slt.u32 s9, $0xF7A;
	s5 =	simm.s32 @!p2 $0x0  }
0x1d: {  	s5 =	simm.s32 @p1 $0x1;
	p0 =	seq.s32 s7, s2  }
0x1e: {  	s7 =	smul.u32 @!p0 $0xF7A, s2;
	p2 =	seq.s32 @!p0 s5, $0x0  }
0x1f: {  	s9 =	smul.u32 $0xF7A, s1;
	s8 =	simm.s32 @!p0 $0x1BF5;
	p2 =	por !p2, p0  }
0x20: {  	[sflag:s8] =	ssyncset.s32 @!p0 $0xFFFFF086;
	s6 =	sadd.s32 @!p0 s3, s7;
	s7 =	simm.s32 @!p0 $0x108  }
0x21: {  	s3 =	sadd.s32 s3, s9;
	s6 =	sadd.s32 @!p0 $0x88, s6;
	s7 =	simm.s32 @p2 $0x1082  }
0x22: {  	[simem:s7], [sflag:s8] =	dma.local @!p0 [hbm:s6], $0xF7A  }
0x23: {  	s9 =	sor.u32 $0xD0000000, s2;
	s6 =	simm.s32 $0x108;
	_ =	swait.ge @!p0 [sflag:s8], $0x0  }
0x24: {  	s3 =	sadd.s32 $0x88, s3;
	s6 =	simm.s32 @!p1 $0x1082;
	[sflag:s4] =	ssyncset.s32 $0xFFFFF086  }
0x25: {  	[simem:s6], [sflag:s4] =	dma.local [hbm:s3], $0xF7A  }
0x26: {  	[smem:$0x3F9B] =	sst s1;
	(tag) =	ssettag s2;
	_ =	strace s9  }
0x27: {  	s1 =	sld [smem:$0x3FAB]  }
0x28: {  	s2 =	sld [smem:$0x3FAC]  }
0x29: {  	s4 =	sld [smem:$0x3FAE]  }
0x2a: {  	p0 =	seq.s32 s5, $0x0;
	s5 =	sld [smem:$0x3FAF]  }
0x2b: {  	s6 =	sld [smem:$0x3FB0]  }
0x2c: {  	s7 =	sld [smem:$0x3FB1]  }
0x2d: {  	s3 =	simm.s32 $0x108;
	s8 =	sld [smem:$0x3FB2]  }
0x2e: {  	s3 =	simm.s32 @!p0 $0x1082;
	s9 =	sld [smem:$0x3FB3]  }
0x2f: {  	lr =	sadd.s32 s0, s3;
	s0 =	sld [smem:$0x3FAA]  }
0x30: {  	s3 =	sld [smem:$0x3FAD]  }
0x31: {  	[smem:$0x3FB6] =	sst s10  }
0x32: {  	s10 =	sld [smem:$0x3FB4];
	_ =	sdelay $0x3  }
0x33: {  	p0 =	seq.s32 s10, $0x1;
	s10 =	sld [smem:$0x3FB6];
	_ =	sdelay $0x3  }
0x34: {  	[smem:$0x3FB6] =	sst s10  }
0x35: {  	s10 =	sld [smem:$0x3FB5];
	_ =	sdelay $0x3  }
0x36: {  	p1 =	seq.s32 s10, $0x1;
	s10 =	sld [smem:$0x3FB6];
	_ =	sdelay $0x3  }
0x37: {  	[smem:$0x3FB6] =	sst s10  }
0x38: {  	s10 =	sld [smem:$0x3FB7]  }
0x39: {  	_ = 	snop;
	(pc) =	sbr.ind lr, $3  }
0x3a: {  	_ = 	snop  }
0x3b: {  	_ = 	snop  }
0x3c: {  	p2 =	seq.s32 s10, $0x1;
	s10 =	sld [smem:$0x3FB6]  }
0x3d: {  	_ =	shalt  }
0x3e: {  	_ =	shalt  }
0x3f: {  	_ =	shalt  }
0x40: {  	_ =	shalt  }
0x41: {  	_ =	shalt  }
0x42: {  	_ =	shalt  }
0x43: {  	_ =	shalt  }
0x44: {  	_ =	shalt  }
0x45: {  	_ =	shalt  }
0x46: {  	_ =	shalt  }
0x47: {  	_ =	shalt  }
0x48: {  	_ =	shalt  }
0x49: {  	_ =	shalt  }
0x4a: {  	_ =	shalt  }
0x4b: {  	_ =	shalt  }
0x4c: {  	_ =	shalt  }
0x4d: {  	_ =	shalt  }
0x4e: {  	_ =	shalt  }
0x4f: {  	_ =	shalt  }
0x50: {  	_ =	shalt  }
0x51: {  	_ =	shalt  }
0x52: {  	_ =	shalt  }
0x53: {  	_ =	shalt  }
0x54: {  	_ =	shalt  }
0x55: {  	_ =	shalt  }
0x56: {  	_ =	shalt  }
0x57: {  	_ =	shalt  }
0x58: {  	_ =	shalt  }
0x59: {  	_ =	shalt  }
0x5a: {  	_ =	shalt  }
0x5b: {  	_ =	shalt  }
0x5c: {  	_ =	shalt  }
0x5d: {  	_ =	shalt  }
0x5e: {  	_ =	shalt  }
0x5f: {  	_ =	shalt  }
0x60: {  	_ =	shalt  }
0x61: {  	_ =	shalt  }
0x62: {  	_ =	shalt  }
0x63: {  	_ =	shalt  }
0x64: {  	_ =	shalt  }
0x65: {  	_ =	shalt  }
0x66: {  	_ =	shalt  }
0x67: {  	_ =	shalt  }
0x68: {  	_ =	shalt  }
0x69: {  	_ =	shalt  }
0x6a: {  	_ =	shalt  }
0x6b: {  	_ =	shalt  }
0x6c: {  	_ =	shalt  }
0x6d: {  	_ =	shalt  }
0x6e: {  	_ =	shalt  }
0x6f: {  	_ =	shalt  }
0x70: {  	_ =	shalt  }
0x71: {  	_ =	shalt  }
0x72: {  	_ =	shalt  }
0x73: {  	_ =	shalt  }
0x74: {  	_ =	shalt  }
0x75: {  	_ =	shalt  }
0x76: {  	_ =	shalt  }
0x77: {  	_ =	shalt  }
0x78: {  	_ =	shalt  }
0x79: {  	_ =	shalt  }
0x7a: {  	_ =	shalt  }
0x7b: {  	_ =	shalt  }
0x7c: {  	_ =	shalt  }
0x7d: {  	_ =	shalt  }
0x7e: {  	_ =	shalt  }
0x7f: {  	_ =	shalt  }
0x80: {  	_ =	shalt  }
0x81: {  	_ =	shalt  }
0x82: {  	_ =	shalt  }
0x83: {  	_ =	shalt  }
0x84: {  	_ =	shalt  }
0x85: {  	_ =	shalt  }
0x86: {  	_ =	shalt  }
0x87: {  	_ =	shalt  }
.Lfunc_end0:
.L_simem_size_0:
called_computation_lowered:
.L_overlay_start_0:
0x88: {  	s2 =	sld [smem:$0x3FD9]  }
0x89: {  	s3 =	sld [smem:$0x3FFE];
	_ =	sdelay $0x1  }
0x8a: {  	s1 =	srdreg.scid  }
0x8b: {  	s0 =	sand.u32 $0x1, s1  }
0x8c: {  	s17 =	sshll.u32 s0, $0xA;
	s2 =	sadd.s32 s3, s2  }
0x8d: {  	s2 =	sadd.s32 s2, s17  }
0x8e: {  	[smem:$0x3FC2] =	sst s2  }
0x8f: {  	_ = 	snop  }
0x90: {  	s2 =	sld [smem:$0x3FC9]  }
0x91: {  	s18 =	sld [smem:$0x3FC8]  }
0x92: {  	s4 =	sld [smem:$0x3FC7]  }
0x93: {  	s5 =	sld [smem:$0x3FC4];
	(tm) =	ssettm $0x1  }
0x94: {  	s6 =	sld [smem:$0x3FFB];
	_ =	sdelay $0x3  }
0x95: {  	_ =	strace s6  }
0x96: {  	s6 =	sld [smem:$0x3FFC];
	_ =	sdelay $0x3  }
0x97: {  	_ =	strace s6  }
0x98: {  	s6 =	sld [smem:$0x3FFD];
	_ =	sdelay $0x3  }
0x99: {  	_ =	strace s6  }
0x9a: {  	_ =	strace $0x8FFFFFFF  }
0x9b: {  	s19 =	sld [smem:$0x3FDB];
	_ =	sdelay $0x1  }
0x9c: {  	s7 =	simm.s32 $_scs_section_size  }
0x9d: {  	s8 =	simm.s32 $_size__tile_overlayer_lowered;
	s9 =	simm.s32 $_tile_overlayer_lowered  }
0x9e: {  	s22 =	simm.s32 $0x1BFF;
	s21 =	sshll.u32 s9, $0x1;
	s6 =	sadd.s32 s7, s19  }
0x9f: {  	s10 =	simm.s32 $0x0;
	s20 =	sshll.u32 s8, $0x1;
	s8 =	sadd.s32 s21, s6  }
0xa0: {  	[timem:s10], [sflag:s22] =	dma.local [hbm:s8], s20  }
0xa1: {  	_ =	swait.ge [sflag:s22], s20  }
0xa2: {  	s7 =	ssub.s32 $0x0, s20;
	[sflag:s22] =	ssyncset.done $0x0  }
0xa3: {  	[sflag:s22] =	ssyncadd.s32 s7;
	_ =	sdelay $0x1  }
0xa4: {  	s23 =	simm.s32 $0x1B8B  }
0xa5: {  	_ =	swait.ge [sflag:s23], $0x1  }
0xa6: {  	[sflag:s23] =	ssyncset.done $0x0  }
0xa7: {  	s25 =	simm.s32 $0x1B8E;
	s24 =	sld [smem:$0x3FFE];
	[sflag:s23] =	ssyncadd.s32 $0xFFFFFFFF  }
0xa8: {  	s26 =	simm.s32 $execute0_lowered;
	[smem:$0x3FD2] =	sst s25  }
0xa9: {  	s8 =	sshll.u32 s26, $0x1;
	_ =	strace $0x80000046;
	[dreg:$0x1] =	wrdreg $0xFFFFFFFF  }
0xaa: {  	s28 =	simm.s32 $_size_execute0_lowered;
	s6 =	sadd.s32 s6, s8;
	[dreg:$0x0] =	wrdreg $0x0  }
0xab: {  	s8 =	sshll.u32 s28, $0x1;
	[dreg:$0x2] =	wrdreg s6  }
0xac: {  	[dreg:$0x3] =	wrdreg s8  }
0xad: {  	[dreg:$0x4] =	wrdreg $0xC0  }
0xae: {  	_ =	task [dreg:s10], $0x5FFFF  }
0xaf: {  	[dreg:$0x1] =	wrdreg $0xFFFFFFFF  }
0xb0: {  	[dreg:$0x0] =	wrdreg $0x60  }
0xb1: {  	[dreg:$0x2] =	wrdreg s2  }
0xb2: {  	[dreg:$0x3] =	wrdreg s18  }
0xb3: {  	[dreg:$0x4] =	wrdreg s4  }
0xb4: {  	[dreg:$0x5] =	wrdreg s24  }
0xb5: {  	[dreg:$0x6] =	wrdreg s5  }
0xb6: {  	[dreg:$0x7] =	wrdreg $0x9  }
0xb7: {  	_ =	task.clear_ibuf [dreg:s10], $0x8FFFF;
	_ =	strace $0x90000046  }
0xb8: {  	s29 =	simm.s32 $0x9;
	_ =	strace $0x80000048  }
0xb9: {  	_ =	swait.ge [sflag:s29], $0x1  }
0xba: {  	[sflag:s29] =	ssyncadd.s32 $0xFFFFFFFF  }
0xbb: {  	_ =	strace $0x90000048  }
0xbc: {  	_ =	sfence  }
0xbd: {  	s30 =	sld [smem:$0x0];
	_ =	sdelay $0x2  }
0xbe: {  	s31 =	sshll.u32 s1, $0xD;
	s1 =	sshrl.u32 s1, $0x2  }
0xbf: {  	s3 =	sand.u32 $0x4000, s31;
	s1 =	sadd.s32 s1, s30  }
0xc0: {  	s0 =	sor.u32 s3, s0;
	s1 =	sshll.u32 s1, $0x11  }
0xc1: {  	s0 =	sor.u32 s1, s0  }
0xc2: {  	s0 =	sadd.s32 $0x8F2B, s0  }
0xc3: {  	[sflag:s0] =	ssyncadd.remote.s32 $0x1  }
0xc4: {  	_ =	sfence.sel $0xFFFF  }
0xc5: {  	[dreg:$0x0] =	wrdreg $0xFFFFFFFF;
	(pc) =	sbr.abs _section_cstart, $3  }
0xc6: {  	[dreg:$0x1] =	wrdreg $0xFFFFFFFF  }
0xc7: {  	_ =	task.clear_ibuf [dreg:s10], $0x2FFFF;
	_ =	strace $0x9FFFFFFF  }
0xc8: {  	(tm) =	ssettm $0x7FFFFFFF  }
0xc9: {  	_ =	shalt  }
tec
execute0_lowered:
.L_overlay_start_1:
0x0: {  	(tag) =	ssettag $0x1  }
0x1: {  	s0 =	rddreg [dreg:$0x0]  }
0x2: {  	s1 =	rddreg [dreg:$0x1]  }
0x3: {  	s5 =	rddreg [dreg:$0x2]  }
0x4: {  	s6 =	rddreg [dreg:$0x3]  }
0x5: {  	s2 =	rddreg [dreg:$0x4]  }
0x6: {  	s3 =	srdreg.scid;
	s11 =	stileid.u32  }
0x7: {  	s15 =	simm.s32 $0x400;
	[dreg:$0x6] =	wrdreg s2;
	s2 =	simm.s32 $0x0  }
0x8: {  	s7 =	sand.u32 $0x1, s3;
	s22 =	sshll.u32 s11, $0x1;
	s3 =	sadd.s32 $0xE00, s6  }
0x9: {  	s4 =	sadd.s32 $0xF43200, s6;
	s28 =	sshll.u32 s11, $0x7;
	s8 =	sor.u32 s7, s22  }
0xa: {  	[smem:$0x7FF] =	sst s2;
	s9 =	sshll.u32 s8, $0xB;
	s8 =	sshll.u32 s8, $0x6  }
0xb: {  	s10 =	sshll.u32 s7, $0x6;
	s7 =	ssub.s32 $0x2, s7;
	s0 =	sadd.s32 s0, s8  }
0xc: {  	_ =	strace $0x80000047;
	s24 =	sadd.s32 s1, s8;
	[dreg:$0x7] =	wrdreg s0  }
0xd: {  	s9 =	sadd.s32 s9, s6;
	s25 =	sadd.s32 s5, s8;
	[dreg:$0x8] =	wrdreg s24  }
0xe: {  	s23 =	sshrl.u32 s7, $0x1;
	[dreg:$0x9] =	wrdreg s25;
	s26 =	sadd.s32 $0x1E85E00, s9  }
0xf: {  	s6 =	sadd.s32 s10, s6;
	s29 =	sadd.s32 $0x1E95E00, s9;
	[dreg:$0xa] =	wrdreg s26  }
0x10: {  	s7 =	ssub.s32 s7, s23;
	s30 =	sadd.s32 $0x1EA5E00, s9;
	[dreg:$0xb] =	wrdreg s29  }
0x11: {  	s0 =	sadd.s32 s28, s6;
	s31 =	smax.u32 s7, $0x1;
	[dreg:$0xc] =	wrdreg s30  }
0x12: {  	s16 =	simm.s32 $0x80;
	s0 =	sadd.s32 $0x1E85600, s0;
	[dreg:$0xe] =	wrdreg s31  }
0x13: {  	vm0 =	vmmov $0xffff;
	s1 =	simm.s32 $0x5;
	s5 =	simm.s32 $0x0;
	[dreg:$0xd] =	wrdreg s0  }
.LBB2_1:
0x14: {  	[dreg:$0xf] =	wrdreg s5  }
0x15: {  	s0 =	rddreg [dreg:$0x7]  }
0x16: {  	[tilespmem:s2], [sflag:$0x5] =	stream.linear.gather [hbm4b:s0+s2], $0x200, $0x38;
	[tilespmem:$0xC800] =	vst v63  }
0x17: {  	_ =	swait.ge [sflag:s1], $0x200  }
0x18: {  	[sflag:s1] =	ssyncset.done $0x0  }
0x19: {  	s26 =	simm.s32 $0x200;
	s25 =	rddreg [dreg:$0x8];
	[sflag:s1] =	ssyncadd.s32 $0xFFFFFE00  }
0x1a: {  	[tilespmem:s26], [sflag:$0x5] =	stream.linear.gather [hbm4b:s25+s2], $0x200, $0x38;
	[tilespmem:$0xC800] =	vst v63  }
0x1b: {  	_ =	swait.ge [sflag:s1], $0x200  }
0x1c: {  	[sflag:s1] =	ssyncset.done $0x0  }
0x1d: {  	s31 =	rddreg [dreg:$0x9];
	[sflag:s1] =	ssyncadd.s32 $0xFFFFFE00  }
0x1e: {  	[tilespmem:s15], [sflag:$0x5] =	stream.linear.gather [hbm4b:s31+s2], $0x200, $0x38;
	[tilespmem:$0xC800] =	vst v63  }
0x1f: {  	_ =	swait.ge [sflag:s1], $0x200  }
0x20: {  	[sflag:s1] =	ssyncset.done $0x0  }
0x21: {  	s5 =	simm.s32 $0x0;
	[sflag:s1] =	ssyncadd.s32 $0xFFFFFE00  }
0x22: {  	v0 =	vld [tilespmem:s5+$0x0];
	_ =	sdelay $0x1  }
0x23: {  	v1 =	vld [tilespmem:s5+$0x200];
	_ =	sdelay $0x2  }
0x24: {  	v2 =	vshll.u32 v0, $0x4  }
0x25: {  	v3 =	vld [tilespmem:s5+$0x400];
	(v2sf) =	vpush v2, $0x0  }
0x26: {  	v1 =	vshll.u32 v1, $0x4  }
0x27: {  	(v2sf) =	vpush v1, $0x0;
	_ =	sdelay $0x1  }
0x28: {  	(v2sf) =	vpush v2, $0x1  }
0x29: {  	v63 =	vshll.u32 v3, $0x4  }
0x2a: {  	(v2sf) =	vpush v63, $0x0;
	_ =	sdelay $0x3  }
0x2b: {  	s6 =	sand.u32 $0x600, s2  }
0x2c: {  	s7 =	sand.u32 $0x70, s2;
	s0 =	sshrl.u32 s6, $0x2  }
0x2d: {  	s0 =	sor.u32 s7, s0;
	(v2sf) =	vpush v2, $0x2  }
0x2e: {  	s0 =	sor.u32 $0xC600, s0;
	s8 =	rddreg [dreg:$0x6]  }
0x2f: {  	[tilespmem:s0], [sflag:$0x4] =	stream.indirect_vreg.gather [hbm4b:s8+s2], $0x1, v3, vm0, $0xb8;
	(v2sf) =	vpush v1, $0x1;
	[tilespmem:$0xC800] =	vst v63  }
0x30: {  	s9 =	spop (v2sf)  }
0x31: {  	s0 =	sand.u32 $0x1FFFFFF0, s9  }
0x32: {  	s11 =	simm.s32 $0x600;
	s10 =	spop (v2sf);
	s0 =	sadd.s32 s3, s0  }
0x33: {  	(v2sf) =	vpush v63, $0x1;
	[tilespmem:s11], [sflag:$0x1] =	stream.strided.gather [hbm4b:s0+s16], $0x0, s15, s16, $0x38;
	[tilespmem:$0xC800] =	vst v63  }
0x34: {  	s1 =	sand.u32 $0x1FFFFFF0, s10;
	s6 =	spop (v2sf)  }
0x35: {  	[tilespmem:s11], [sflag:$0x1] =	stream.linear.gather [hbm4b:s0+s2], $0x20, $0x38;
	[tilespmem:$0xC800] =	vst v63  }
0x36: {  	s12 =	simm.s32 $0x4600;
	s1 =	sadd.s32 s4, s1;
	s13 =	spop (v2sf)  }
0x37: {  	[tilespmem:s12], [sflag:$0x2] =	stream.strided.gather [hbm4b:s1+s16], $0x0, s15, s16, $0x38;
	[tilespmem:$0xC800] =	vst v63  }
0x38: {  	s5 =	sand.u32 $0x1FFFFFF0, s13  }
0x39: {  	(v2sf) =	vpush v1, $0x2;
	[tilespmem:s12], [sflag:$0x2] =	stream.linear.gather [hbm4b:s1+s2], $0x20, $0x38;
	[tilespmem:$0xC800] =	vst v63  }
0x3a: {  	s14 =	simm.s32 $0x8600;
	s17 =	sadd.s32 s4, s5  }
0x3b: {  	[tilespmem:s14], [sflag:$0x3] =	stream.strided.gather [hbm4b:s17+s16], $0x0, s15, s16, $0x38;
	[tilespmem:$0xC800] =	vst v63  }
0x3c: {  	s18 =	sand.u32 $0x1FFFFFF0, s6;
	s19 =	spop (v2sf)  }
0x3d: {  	[tilespmem:s14], [sflag:$0x3] =	stream.linear.gather [hbm4b:s17+s2], $0x20, $0x38;
	[tilespmem:$0xC800] =	vst v63  }
0x3e: {  	s20 =	simm.s32 $0x620;
	s21 =	spop (v2sf);
	s5 =	sadd.s32 s3, s18  }
0x3f: {  	(v2sf) =	vpush v63, $0x2;
	[tilespmem:s20], [sflag:$0x1] =	stream.strided.gather [hbm4b:s5+s16], $0x0, s15, s16, $0x38;
	[tilespmem:$0xC800] =	vst v63  }
0x40: {  	s1 =	sand.u32 $0x1FFFFFF0, s21  }
0x41: {  	[tilespmem:s20], [sflag:$0x1] =	stream.linear.gather [hbm4b:s5+s2], $0x20, $0x38;
	[tilespmem:$0xC800] =	vst v63  }
0x42: {  	s23 =	simm.s32 $0x4620;
	s1 =	sadd.s32 s4, s1;
	s22 =	spop (v2sf)  }
0x43: {  	(v2sf) =	vpush v2, $0x3;
	[tilespmem:s23], [sflag:$0x2] =	stream.strided.gather [hbm4b:s1+s16], $0x0, s15, s16, $0x38;
	[tilespmem:$0xC800] =	vst v63  }
0x44: {  	s0 =	sand.u32 $0x1FFFFFF0, s22  }
0x45: {  	[tilespmem:s23], [sflag:$0x2] =	stream.linear.gather [hbm4b:s1+s2], $0x20, $0x38;
	[tilespmem:$0xC800] =	vst v63  }
0x46: {  	s24 =	simm.s32 $0x8620;
	s0 =	sadd.s32 s4, s0  }
0x47: {  	(v2sf) =	vpush v1, $0x3;
	[tilespmem:s24], [sflag:$0x3] =	stream.strided.gather [hbm4b:s0+s16], $0x0, s15, s16, $0x38;
	[tilespmem:$0xC800] =	vst v63  }
0x48: {  	s25 =	sand.u32 $0x1FFFFFF0, s19;
	s26 =	spop (v2sf)  }
0x49: {  	(v2sf) =	vpush v63, $0x3;
	[tilespmem:s24], [sflag:$0x3] =	stream.linear.gather [hbm4b:s0+s2], $0x20, $0x38;
	[tilespmem:$0xC800] =	vst v63  }
0x4a: {  	s31 =	simm.s32 $0x640;
	s5 =	sadd.s32 s3, s25  }
0x4b: {  	[tilespmem:s31], [sflag:$0x1] =	stream.strided.gather [hbm4b:s5+s16], $0x0, s15, s16, $0x38;
	[tilespmem:$0xC800] =	vst v63  }
0x4c: {  	s0 =	sand.u32 $0x1FFFFFF0, s26  }
0x4d: {  	[tilespmem:s31], [sflag:$0x1] =	stream.linear.gather [hbm4b:s5+s2], $0x20, $0x38;
	[tilespmem:$0xC800] =	vst v63  }
0x4e: {  	s7 =	simm.s32 $0x4640;
	s6 =	spop (v2sf);
	s0 =	sadd.s32 s4, s0  }
0x4f: {  	(v2sf) =	vpush v2, $0x4;
	[tilespmem:s7], [sflag:$0x2] =	stream.strided.gather [hbm4b:s0+s16], $0x0, s15, s16, $0x38;
	[tilespmem:$0xC800] =	vst v63  }
0x50: {  	s1 =	sand.u32 $0x1FFFFFF0, s6  }
0x51: {  	[tilespmem:s7], [sflag:$0x2] =	stream.linear.gather [hbm4b:s0+s2], $0x20, $0x38;
	[tilespmem:$0xC800] =	vst v63  }
0x52: {  	s9 =	simm.s32 $0x8640;
	s1 =	sadd.s32 s4, s1;
	s8 =	spop (v2sf)  }
0x53: {  	(v2sf) =	vpush v1, $0x4;
	[tilespmem:s9], [sflag:$0x3] =	stream.strided.gather [hbm4b:s1+s16], $0x0, s15, s16, $0x38;
	[tilespmem:$0xC800] =	vst v63  }
0x54: {  	s0 =	sand.u32 $0x1FFFFFF0, s8  }
0x55: {  	[tilespmem:s9], [sflag:$0x3] =	stream.linear.gather [hbm4b:s1+s2], $0x20, $0x38;
	[tilespmem:$0xC800] =	vst v63  }
0x56: {  	s11 =	simm.s32 $0x660;
	s10 =	spop (v2sf);
	s0 =	sadd.s32 s3, s0  }
0x57: {  	(v2sf) =	vpush v63, $0x4;
	[tilespmem:s11], [sflag:$0x1] =	stream.strided.gather [hbm4b:s0+s16], $0x0, s15, s16, $0x38;
	[tilespmem:$0xC800] =	vst v63  }
0x58: {  	s12 =	spop (v2sf);
	s1 =	sand.u32 $0x1FFFFFF0, s10  }
0x59: {  	(v2sf) =	vpush v2, $0x5;
	[tilespmem:s11], [sflag:$0x1] =	stream.linear.gather [hbm4b:s0+s2], $0x20, $0x38;
	[tilespmem:$0xC800] =	vst v63  }
0x5a: {  	s13 =	simm.s32 $0x4660;
	s1 =	sadd.s32 s4, s1  }
0x5b: {  	[tilespmem:s13], [sflag:$0x2] =	stream.strided.gather [hbm4b:s1+s16], $0x0, s15, s16, $0x38;
	[tilespmem:$0xC800] =	vst v63  }
0x5c: {  	s0 =	sand.u32 $0x1FFFFFF0, s12  }
0x5d: {  	[tilespmem:s13], [sflag:$0x2] =	stream.linear.gather [hbm4b:s1+s2], $0x20, $0x38;
	[tilespmem:$0xC800] =	vst v63  }
0x5e: {  	s17 =	simm.s32 $0x8660;
	s14 =	spop (v2sf);
	s0 =	sadd.s32 s4, s0  }
0x5f: {  	(v2sf) =	vpush v1, $0x5;
	[tilespmem:s17], [sflag:$0x3] =	stream.strided.gather [hbm4b:s0+s16], $0x0, s15, s16, $0x38;
	[tilespmem:$0xC800] =	vst v63  }
0x60: {  	s1 =	sand.u32 $0x1FFFFFF0, s14  }
0x61: {  	[tilespmem:s17], [sflag:$0x3] =	stream.linear.gather [hbm4b:s0+s2], $0x20, $0x38;
	[tilespmem:$0xC800] =	vst v63  }
0x62: {  	s19 =	simm.s32 $0x680;
	s18 =	spop (v2sf);
	s1 =	sadd.s32 s3, s1  }
0x63: {  	(v2sf) =	vpush v63, $0x5;
	[tilespmem:s19], [sflag:$0x1] =	stream.strided.gather [hbm4b:s1+s16], $0x0, s15, s16, $0x38;
	[tilespmem:$0xC800] =	vst v63  }
0x64: {  	s0 =	sand.u32 $0x1FFFFFF0, s18  }
0x65: {  	[tilespmem:s19], [sflag:$0x1] =	stream.linear.gather [hbm4b:s1+s2], $0x20, $0x38;
	[tilespmem:$0xC800] =	vst v63  }
0x66: {  	s21 =	simm.s32 $0x4680;
	s20 =	spop (v2sf);
	s0 =	sadd.s32 s4, s0  }
0x67: {  	(v2sf) =	vpush v2, $0x6;
	[tilespmem:s21], [sflag:$0x2] =	stream.strided.gather [hbm4b:s0+s16], $0x0, s15, s16, $0x38;
	[tilespmem:$0xC800] =	vst v63  }
0x68: {  	s22 =	spop (v2sf);
	s1 =	sand.u32 $0x1FFFFFF0, s20  }
0x69: {  	(v2sf) =	vpush v1, $0x6;
	[tilespmem:s21], [sflag:$0x2] =	stream.linear.gather [hbm4b:s0+s2], $0x20, $0x38;
	[tilespmem:$0xC800] =	vst v63  }
0x6a: {  	s23 =	simm.s32 $0x8680;
	s1 =	sadd.s32 s4, s1  }
0x6b: {  	[tilespmem:s23], [sflag:$0x3] =	stream.strided.gather [hbm4b:s1+s16], $0x0, s15, s16, $0x38;
	[tilespmem:$0xC800] =	vst v63  }
0x6c: {  	s0 =	sand.u32 $0x1FFFFFF0, s22  }
0x6d: {  	[tilespmem:s23], [sflag:$0x3] =	stream.linear.gather [hbm4b:s1+s2], $0x20, $0x38;
	[tilespmem:$0xC800] =	vst v63  }
0x6e: {  	s25 =	simm.s32 $0x6A0;
	s24 =	spop (v2sf);
	s0 =	sadd.s32 s3, s0  }
0x6f: {  	(v2sf) =	vpush v63, $0x6;
	[tilespmem:s25], [sflag:$0x1] =	stream.strided.gather [hbm4b:s0+s16], $0x0, s15, s16, $0x38;
	[tilespmem:$0xC800] =	vst v63  }
0x70: {  	s1 =	sand.u32 $0x1FFFFFF0, s24  }
0x71: {  	[tilespmem:s25], [sflag:$0x1] =	stream.linear.gather [hbm4b:s0+s2], $0x20, $0x38;
	[tilespmem:$0xC800] =	vst v63  }
0x72: {  	s31 =	simm.s32 $0x46A0;
	s26 =	spop (v2sf);
	s1 =	sadd.s32 s4, s1  }
0x73: {  	(v2sf) =	vpush v2, $0x7;
	[tilespmem:s31], [sflag:$0x2] =	stream.strided.gather [hbm4b:s1+s16], $0x0, s15, s16, $0x38;
	[tilespmem:$0xC800] =	vst v63  }
0x74: {  	s0 =	sand.u32 $0x1FFFFFF0, s26  }
0x75: {  	[tilespmem:s31], [sflag:$0x2] =	stream.linear.gather [hbm4b:s1+s2], $0x20, $0x38;
	[tilespmem:$0xC800] =	vst v63  }
0x76: {  	s7 =	simm.s32 $0x86A0;
	s6 =	spop (v2sf);
	s0 =	sadd.s32 s4, s0  }
0x77: {  	(v2sf) =	vpush v1, $0x7;
	[tilespmem:s7], [sflag:$0x3] =	stream.strided.gather [hbm4b:s0+s16], $0x0, s15, s16, $0x38;
	[tilespmem:$0xC800] =	vst v63  }
0x78: {  	s8 =	spop (v2sf);
	s1 =	sand.u32 $0x1FFFFFF0, s6  }
0x79: {  	(v2sf) =	vpush v63, $0x7;
	[tilespmem:s7], [sflag:$0x3] =	stream.linear.gather [hbm4b:s0+s2], $0x20, $0x38;
	[tilespmem:$0xC800] =	vst v63  }
0x7a: {  	s9 =	simm.s32 $0x6C0;
	s1 =	sadd.s32 s3, s1  }
0x7b: {  	[tilespmem:s9], [sflag:$0x1] =	stream.strided.gather [hbm4b:s1+s16], $0x0, s15, s16, $0x38;
	[tilespmem:$0xC800] =	vst v63  }
0x7c: {  	s0 =	sand.u32 $0x1FFFFFF0, s8  }
0x7d: {  	[tilespmem:s9], [sflag:$0x1] =	stream.linear.gather [hbm4b:s1+s2], $0x20, $0x38;
	[tilespmem:$0xC800] =	vst v63  }
0x7e: {  	s11 =	simm.s32 $0x46C0;
	s10 =	spop (v2sf);
	s0 =	sadd.s32 s4, s0  }
0x7f: {  	(v2sf) =	vpush v2, $0x8;
	[tilespmem:s11], [sflag:$0x2] =	stream.strided.gather [hbm4b:s0+s16], $0x0, s15, s16, $0x38;
	[tilespmem:$0xC800] =	vst v63  }
0x80: {  	s1 =	sand.u32 $0x1FFFFFF0, s10  }
0x81: {  	[tilespmem:s11], [sflag:$0x2] =	stream.linear.gather [hbm4b:s0+s2], $0x20, $0x38;
	[tilespmem:$0xC800] =	vst v63  }
0x82: {  	s13 =	simm.s32 $0x86C0;
	s12 =	spop (v2sf);
	s1 =	sadd.s32 s4, s1  }
0x83: {  	(v2sf) =	vpush v1, $0x8;
	[tilespmem:s13], [sflag:$0x3] =	stream.strided.gather [hbm4b:s1+s16], $0x0, s15, s16, $0x38;
	[tilespmem:$0xC800] =	vst v63  }
0x84: {  	s0 =	sand.u32 $0x1FFFFFF0, s12  }
0x85: {  	[tilespmem:s13], [sflag:$0x3] =	stream.linear.gather [hbm4b:s1+s2], $0x20, $0x38;
	[tilespmem:$0xC800] =	vst v63  }
0x86: {  	s17 =	simm.s32 $0x6E0;
	s14 =	spop (v2sf);
	s0 =	sadd.s32 s3, s0  }
0x87: {  	(v2sf) =	vpush v63, $0x8;
	[tilespmem:s17], [sflag:$0x1] =	stream.strided.gather [hbm4b:s0+s16], $0x0, s15, s16, $0x38;
	[tilespmem:$0xC800] =	vst v63  }
0x88: {  	s18 =	spop (v2sf);
	s1 =	sand.u32 $0x1FFFFFF0, s14  }
0x89: {  	(v2sf) =	vpush v2, $0x9;
	[tilespmem:s17], [sflag:$0x1] =	stream.linear.gather [hbm4b:s0+s2], $0x20, $0x38;
	[tilespmem:$0xC800] =	vst v63  }
0x8a: {  	s19 =	simm.s32 $0x46E0;
	s1 =	sadd.s32 s4, s1  }
0x8b: {  	[tilespmem:s19], [sflag:$0x2] =	stream.strided.gather [hbm4b:s1+s16], $0x0, s15, s16, $0x38;
	[tilespmem:$0xC800] =	vst v63  }
0x8c: {  	s0 =	sand.u32 $0x1FFFFFF0, s18  }
0x8d: {  	[tilespmem:s19], [sflag:$0x2] =	stream.linear.gather [hbm4b:s1+s2], $0x20, $0x38;
	[tilespmem:$0xC800] =	vst v63  }
0x8e: {  	s21 =	simm.s32 $0x86E0;
	s20 =	spop (v2sf);
	s0 =	sadd.s32 s4, s0  }
0x8f: {  	(v2sf) =	vpush v1, $0x9;
	[tilespmem:s21], [sflag:$0x3] =	stream.strided.gather [hbm4b:s0+s16], $0x0, s15, s16, $0x38;
	[tilespmem:$0xC800] =	vst v63  }
0x90: {  	s1 =	sand.u32 $0x1FFFFFF0, s20  }
0x91: {  	[tilespmem:s21], [sflag:$0x3] =	stream.linear.gather [hbm4b:s0+s2], $0x20, $0x38;
	[tilespmem:$0xC800] =	vst v63  }
0x92: {  	s23 =	simm.s32 $0x700;
	s22 =	spop (v2sf);
	s1 =	sadd.s32 s3, s1  }
0x93: {  	(v2sf) =	vpush v63, $0x9;
	[tilespmem:s23], [sflag:$0x1] =	stream.strided.gather [hbm4b:s1+s16], $0x0, s15, s16, $0x38;
	[tilespmem:$0xC800] =	vst v63  }
0x94: {  	s0 =	sand.u32 $0x1FFFFFF0, s22  }
0x95: {  	[tilespmem:s23], [sflag:$0x1] =	stream.linear.gather [hbm4b:s1+s2], $0x20, $0x38;
	[tilespmem:$0xC800] =	vst v63  }
0x96: {  	s25 =	simm.s32 $0x4700;
	s24 =	spop (v2sf);
	s0 =	sadd.s32 s4, s0  }
0x97: {  	(v2sf) =	vpush v2, $0xA;
	[tilespmem:s25], [sflag:$0x2] =	stream.strided.gather [hbm4b:s0+s16], $0x0, s15, s16, $0x38;
	[tilespmem:$0xC800] =	vst v63  }
0x98: {  	s26 =	spop (v2sf);
	s1 =	sand.u32 $0x1FFFFFF0, s24  }
0x99: {  	(v2sf) =	vpush v1, $0xA;
	[tilespmem:s25], [sflag:$0x2] =	stream.linear.gather [hbm4b:s0+s2], $0x20, $0x38;
	[tilespmem:$0xC800] =	vst v63  }
0x9a: {  	s31 =	simm.s32 $0x8700;
	s1 =	sadd.s32 s4, s1  }
0x9b: {  	[tilespmem:s31], [sflag:$0x3] =	stream.strided.gather [hbm4b:s1+s16], $0x0, s15, s16, $0x38;
	[tilespmem:$0xC800] =	vst v63  }
0x9c: {  	s0 =	sand.u32 $0x1FFFFFF0, s26  }
0x9d: {  	[tilespmem:s31], [sflag:$0x3] =	stream.linear.gather [hbm4b:s1+s2], $0x20, $0x38;
	[tilespmem:$0xC800] =	vst v63  }
0x9e: {  	s7 =	simm.s32 $0x720;
	s6 =	spop (v2sf);
	s0 =	sadd.s32 s3, s0  }
0x9f: {  	(v2sf) =	vpush v63, $0xA;
	[tilespmem:s7], [sflag:$0x1] =	stream.strided.gather [hbm4b:s0+s16], $0x0, s15, s16, $0x38;
	[tilespmem:$0xC800] =	vst v63  }
0xa0: {  	s1 =	sand.u32 $0x1FFFFFF0, s6  }
0xa1: {  	[tilespmem:s7], [sflag:$0x1] =	stream.linear.gather [hbm4b:s0+s2], $0x20, $0x38;
	[tilespmem:$0xC800] =	vst v63  }
0xa2: {  	s9 =	simm.s32 $0x4720;
	s8 =	spop (v2sf);
	s1 =	sadd.s32 s4, s1  }
0xa3: {  	(v2sf) =	vpush v2, $0xB;
	[tilespmem:s9], [sflag:$0x2] =	stream.strided.gather [hbm4b:s1+s16], $0x0, s15, s16, $0x38;
	[tilespmem:$0xC800] =	vst v63  }
0xa4: {  	s0 =	sand.u32 $0x1FFFFFF0, s8  }
0xa5: {  	[tilespmem:s9], [sflag:$0x2] =	stream.linear.gather [hbm4b:s1+s2], $0x20, $0x38;
	[tilespmem:$0xC800] =	vst v63  }
0xa6: {  	s11 =	simm.s32 $0x8720;
	s10 =	spop (v2sf);
	s0 =	sadd.s32 s4, s0  }
0xa7: {  	(v2sf) =	vpush v1, $0xB;
	[tilespmem:s11], [sflag:$0x3] =	stream.strided.gather [hbm4b:s0+s16], $0x0, s15, s16, $0x38;
	[tilespmem:$0xC800] =	vst v63  }
0xa8: {  	s12 =	spop (v2sf);
	s1 =	sand.u32 $0x1FFFFFF0, s10  }
0xa9: {  	(v2sf) =	vpush v63, $0xB;
	[tilespmem:s11], [sflag:$0x3] =	stream.linear.gather [hbm4b:s0+s2], $0x20, $0x38;
	[tilespmem:$0xC800] =	vst v63  }
0xaa: {  	s13 =	simm.s32 $0x740;
	s1 =	sadd.s32 s3, s1  }
0xab: {  	[tilespmem:s13], [sflag:$0x1] =	stream.strided.gather [hbm4b:s1+s16], $0x0, s15, s16, $0x38;
	[tilespmem:$0xC800] =	vst v63  }
0xac: {  	s0 =	sand.u32 $0x1FFFFFF0, s12  }
0xad: {  	[tilespmem:s13], [sflag:$0x1] =	stream.linear.gather [hbm4b:s1+s2], $0x20, $0x38;
	[tilespmem:$0xC800] =	vst v63  }
0xae: {  	s17 =	simm.s32 $0x4740;
	s14 =	spop (v2sf);
	s0 =	sadd.s32 s4, s0  }
0xaf: {  	(v2sf) =	vpush v2, $0xC;
	[tilespmem:s17], [sflag:$0x2] =	stream.strided.gather [hbm4b:s0+s16], $0x0, s15, s16, $0x38;
	[tilespmem:$0xC800] =	vst v63  }
0xb0: {  	s1 =	sand.u32 $0x1FFFFFF0, s14  }
0xb1: {  	[tilespmem:s17], [sflag:$0x2] =	stream.linear.gather [hbm4b:s0+s2], $0x20, $0x38;
	[tilespmem:$0xC800] =	vst v63  }
0xb2: {  	s19 =	simm.s32 $0x8740;
	s18 =	spop (v2sf);
	s1 =	sadd.s32 s4, s1  }
0xb3: {  	(v2sf) =	vpush v1, $0xC;
	[tilespmem:s19], [sflag:$0x3] =	stream.strided.gather [hbm4b:s1+s16], $0x0, s15, s16, $0x38;
	[tilespmem:$0xC800] =	vst v63  }
0xb4: {  	s0 =	sand.u32 $0x1FFFFFF0, s18  }
0xb5: {  	[tilespmem:s19], [sflag:$0x3] =	stream.linear.gather [hbm4b:s1+s2], $0x20, $0x38;
	[tilespmem:$0xC800] =	vst v63  }
0xb6: {  	s21 =	simm.s32 $0x760;
	s20 =	spop (v2sf);
	s0 =	sadd.s32 s3, s0  }
0xb7: {  	(v2sf) =	vpush v63, $0xC;
	[tilespmem:s21], [sflag:$0x1] =	stream.strided.gather [hbm4b:s0+s16], $0x0, s15, s16, $0x38;
	[tilespmem:$0xC800] =	vst v63  }
0xb8: {  	s22 =	spop (v2sf);
	s1 =	sand.u32 $0x1FFFFFF0, s20  }
0xb9: {  	(v2sf) =	vpush v2, $0xD;
	[tilespmem:s21], [sflag:$0x1] =	stream.linear.gather [hbm4b:s0+s2], $0x20, $0x38;
	[tilespmem:$0xC800] =	vst v63  }
0xba: {  	s23 =	simm.s32 $0x4760;
	s1 =	sadd.s32 s4, s1  }
0xbb: {  	[tilespmem:s23], [sflag:$0x2] =	stream.strided.gather [hbm4b:s1+s16], $0x0, s15, s16, $0x38;
	[tilespmem:$0xC800] =	vst v63  }
0xbc: {  	s0 =	sand.u32 $0x1FFFFFF0, s22  }
0xbd: {  	[tilespmem:s23], [sflag:$0x2] =	stream.linear.gather [hbm4b:s1+s2], $0x20, $0x38;
	[tilespmem:$0xC800] =	vst v63  }
0xbe: {  	s25 =	simm.s32 $0x8760;
	s24 =	spop (v2sf);
	s0 =	sadd.s32 s4, s0  }
0xbf: {  	(v2sf) =	vpush v1, $0xD;
	[tilespmem:s25], [sflag:$0x3] =	stream.strided.gather [hbm4b:s0+s16], $0x0, s15, s16, $0x38;
	[tilespmem:$0xC800] =	vst v63  }
0xc0: {  	s1 =	sand.u32 $0x1FFFFFF0, s24  }
0xc1: {  	[tilespmem:s25], [sflag:$0x3] =	stream.linear.gather [hbm4b:s0+s2], $0x20, $0x38;
	[tilespmem:$0xC800] =	vst v63  }
0xc2: {  	s31 =	simm.s32 $0x780;
	s26 =	spop (v2sf);
	s1 =	sadd.s32 s3, s1  }
0xc3: {  	(v2sf) =	vpush v63, $0xD;
	[tilespmem:s31], [sflag:$0x1] =	stream.strided.gather [hbm4b:s1+s16], $0x0, s15, s16, $0x38;
	[tilespmem:$0xC800] =	vst v63  }
0xc4: {  	s0 =	sand.u32 $0x1FFFFFF0, s26  }
0xc5: {  	[tilespmem:s31], [sflag:$0x1] =	stream.linear.gather [hbm4b:s1+s2], $0x20, $0x38;
	[tilespmem:$0xC800] =	vst v63  }
0xc6: {  	s7 =	simm.s32 $0x4780;
	s6 =	spop (v2sf);
	s0 =	sadd.s32 s4, s0  }
0xc7: {  	(v2sf) =	vpush v2, $0xE;
	[tilespmem:s7], [sflag:$0x2] =	stream.strided.gather [hbm4b:s0+s16], $0x0, s15, s16, $0x38;
	[tilespmem:$0xC800] =	vst v63  }
0xc8: {  	s8 =	spop (v2sf);
	s1 =	sand.u32 $0x1FFFFFF0, s6  }
0xc9: {  	(v2sf) =	vpush v1, $0xE;
	[tilespmem:s7], [sflag:$0x2] =	stream.linear.gather [hbm4b:s0+s2], $0x20, $0x38;
	[tilespmem:$0xC800] =	vst v63  }
0xca: {  	s9 =	simm.s32 $0x8780;
	s1 =	sadd.s32 s4, s1  }
0xcb: {  	[tilespmem:s9], [sflag:$0x3] =	stream.strided.gather [hbm4b:s1+s16], $0x0, s15, s16, $0x38;
	[tilespmem:$0xC800] =	vst v63  }
0xcc: {  	s0 =	sand.u32 $0x1FFFFFF0, s8  }
0xcd: {  	[tilespmem:s9], [sflag:$0x3] =	stream.linear.gather [hbm4b:s1+s2], $0x20, $0x38;
	[tilespmem:$0xC800] =	vst v63  }
0xce: {  	s11 =	simm.s32 $0x7A0;
	s10 =	spop (v2sf);
	s0 =	sadd.s32 s3, s0  }
0xcf: {  	(v2sf) =	vpush v63, $0xE;
	[tilespmem:s11], [sflag:$0x1] =	stream.strided.gather [hbm4b:s0+s16], $0x0, s15, s16, $0x38;
	[tilespmem:$0xC800] =	vst v63  }
0xd0: {  	s1 =	sand.u32 $0x1FFFFFF0, s10  }
0xd1: {  	[tilespmem:s11], [sflag:$0x1] =	stream.linear.gather [hbm4b:s0+s2], $0x20, $0x38;
	[tilespmem:$0xC800] =	vst v63  }
0xd2: {  	s13 =	simm.s32 $0x47A0;
	s12 =	spop (v2sf);
	s1 =	sadd.s32 s4, s1  }
0xd3: {  	(v2sf) =	vpush v2, $0xF;
	[tilespmem:s13], [sflag:$0x2] =	stream.strided.gather [hbm4b:s1+s16], $0x0, s15, s16, $0x38;
	[tilespmem:$0xC800] =	vst v63  }
0xd4: {  	s0 =	sand.u32 $0x1FFFFFF0, s12  }
0xd5: {  	[tilespmem:s13], [sflag:$0x2] =	stream.linear.gather [hbm4b:s1+s2], $0x20, $0x38;
	[tilespmem:$0xC800] =	vst v63  }
0xd6: {  	s17 =	simm.s32 $0x87A0;
	s14 =	spop (v2sf);
	s0 =	sadd.s32 s4, s0  }
0xd7: {  	(v2sf) =	vpush v1, $0xF;
	[tilespmem:s17], [sflag:$0x3] =	stream.strided.gather [hbm4b:s0+s16], $0x0, s15, s16, $0x38;
	[tilespmem:$0xC800] =	vst v63  }
0xd8: {  	s18 =	spop (v2sf);
	s1 =	sand.u32 $0x1FFFFFF0, s14  }
0xd9: {  	(v2sf) =	vpush v63, $0xF;
	[tilespmem:s17], [sflag:$0x3] =	stream.linear.gather [hbm4b:s0+s2], $0x20, $0x38;
	[tilespmem:$0xC800] =	vst v63  }
0xda: {  	s19 =	simm.s32 $0x7C0;
	s1 =	sadd.s32 s3, s1  }
0xdb: {  	[tilespmem:s19], [sflag:$0x1] =	stream.strided.gather [hbm4b:s1+s16], $0x0, s15, s16, $0x38;
	[tilespmem:$0xC800] =	vst v63  }
0xdc: {  	s0 =	sand.u32 $0x1FFFFFF0, s18  }
0xdd: {  	[tilespmem:s19], [sflag:$0x1] =	stream.linear.gather [hbm4b:s1+s2], $0x20, $0x38;
	[tilespmem:$0xC800] =	vst v63  }
0xde: {  	s21 =	simm.s32 $0x47C0;
	s20 =	spop (v2sf);
	s0 =	sadd.s32 s4, s0  }
0xdf: {  	[tilespmem:s21], [sflag:$0x2] =	stream.strided.gather [hbm4b:s0+s16], $0x0, s15, s16, $0x38;
	[tilespmem:$0xC800] =	vst v63  }
0xe0: {  	s1 =	sand.u32 $0x1FFFFFF0, s20  }
0xe1: {  	[tilespmem:s21], [sflag:$0x2] =	stream.linear.gather [hbm4b:s0+s2], $0x20, $0x38;
	[tilespmem:$0xC800] =	vst v63  }
0xe2: {  	s23 =	simm.s32 $0x87C0;
	s22 =	spop (v2sf);
	s1 =	sadd.s32 s4, s1  }
0xe3: {  	[tilespmem:s23], [sflag:$0x3] =	stream.strided.gather [hbm4b:s1+s16], $0x0, s15, s16, $0x38;
	[tilespmem:$0xC800] =	vst v63  }
0xe4: {  	s30 =	simm.s32 $0x87E0;
	s0 =	sand.u32 $0x1FFFFFF0, s22  }
0xe5: {  	[tilespmem:s23], [sflag:$0x3] =	stream.linear.gather [hbm4b:s1+s2], $0x20, $0x38;
	[tilespmem:$0xC800] =	vst v63  }
0xe6: {  	s25 =	simm.s32 $0x7E0;
	s24 =	spop (v2sf);
	s0 =	sadd.s32 s3, s0  }
0xe7: {  	[tilespmem:s25], [sflag:$0x1] =	stream.strided.gather [hbm4b:s0+s16], $0x0, s15, s16, $0x38;
	[tilespmem:$0xC800] =	vst v63  }
0xe8: {  	s28 =	simm.s32 $0x10;
	s26 =	sand.u32 $0x1FFFFFF0, s24;
	s31 =	spop (v2sf)  }
0xe9: {  	[tilespmem:s25], [sflag:$0x1] =	stream.linear.gather [hbm4b:s0+s2], $0x20, $0x38;
	[tilespmem:$0xC800] =	vst v63  }
0xea: {  	s29 =	simm.s32 $0x40;
	s5 =	sadd.s32 s4, s26;
	s0 =	sand.u32 $0x1FFFFFF0, s31  }
0xeb: {  	s26 =	simm.s32 $0x800;
	s1 =	simm.s32 $0x47E0;
	s0 =	sadd.s32 s4, s0  }
0xec: {  	[tilespmem:s1], [sflag:$0x2] =	stream.strided.gather [hbm4b:s5+s16], $0x0, s15, s16, $0x38;
	[tilespmem:$0xC800] =	vst v63  }
.LBB2_2:
0xed: {  	[tilespmem:s1], [sflag:$0x2] =	stream.linear.gather [hbm4b:s5+s2], $0x20, $0x38;
	[tilespmem:$0xC800] =	vst v63  }
0xee: {  	_ = 	snop  }
0xef: {  	[tilespmem:s30], [sflag:$0x3] =	stream.strided.gather [hbm4b:s0+s16], $0x0, s15, s16, $0x38;
	[tilespmem:$0xC800] =	vst v63  }
0xf0: {  	s7 =	sshra.s32 s29, $0x2  }
0xf1: {  	[tilespmem:s30], [sflag:$0x3] =	stream.linear.gather [hbm4b:s0+s2], $0x20, $0x38;
	[tilespmem:$0xC800] =	vst v63  }
0xf2: {  	v0 =	vld [tilespmem:s7+$0x0];
	_ =	sdelay $0x1  }
0xf3: {  	v1 =	vld [tilespmem:s7+$0x200];
	_ =	sdelay $0x2  }
0xf4: {  	v2 =	vshll.u32 v0, $0x4  }
0xf5: {  	v3 =	vld [tilespmem:s7+$0x400];
	(v2sf) =	vpush v2, $0x0  }
0xf6: {  	v62 =	vshll.u32 v1, $0x4  }
0xf7: {  	(v2sf) =	vpush v62, $0x0;
	_ =	sdelay $0x1  }
0xf8: {  	(v2sf) =	vpush v2, $0x1  }
0xf9: {  	v63 =	vshll.u32 v3, $0x4  }
0xfa: {  	(v2sf) =	vpush v63, $0x0;
	_ =	sdelay $0x1  }
0xfb: {  	(v2sf) =	vpush v2, $0x2;
	_ =	sdelay $0x1  }
0xfc: {  	s8 =	sand.u32 $0x600, s29;
	(v2sf) =	vpush v62, $0x1  }
0xfd: {  	s9 =	sand.u32 $0x70, s28;
	s0 =	sshrl.u32 s8, $0x2  }
0xfe: {  	s0 =	sor.u32 s9, s0;
	(v2sf) =	vpush v63, $0x1  }
0xff: {  	s6 =	rddreg [dreg:$0x6];
	s0 =	sor.u32 $0xC600, s0  }
0x100: {  	[tilespmem:s0], [sflag:$0x4] =	stream.indirect_vreg.gather [hbm4b:s6+s2], $0x1, v3, vm0, $0xb8;
	(v2sf) =	vpush v62, $0x2;
	[tilespmem:$0xC800] =	vst v63  }
0x101: {  	s31 =	smov.u32 s26;
	s10 =	spop (v2sf)  }
0x102: {  	s31 =	sshra.s32 s31, $0x2;
	(v2sf) =	vpush v63, $0x2;
	s0 =	sand.u32 $0x1FFFFFF0, s10  }
0x103: {  	s12 =	sadd.s32 $0x600, s31;
	s11 =	spop (v2sf);
	s0 =	sadd.s32 s3, s0  }
0x104: {  	(v2sf) =	vpush v2, $0x3;
	[tilespmem:s12], [sflag:$0x1] =	stream.strided.gather [hbm4b:s0+s16], $0x0, s15, s16, $0x38;
	[tilespmem:$0xC800] =	vst v63  }
0x105: {  	s5 =	sand.u32 $0x1FFFFFF0, s11;
	s7 =	spop (v2sf)  }
0x106: {  	(v2sf) =	vpush v62, $0x3;
	[tilespmem:s12], [sflag:$0x1] =	stream.linear.gather [hbm4b:s0+s2], $0x20, $0x38;
	[tilespmem:$0xC800] =	vst v63  }
0x107: {  	s13 =	sadd.s32 $0x4600, s31;
	s5 =	sadd.s32 s4, s5;
	s14 =	spop (v2sf)  }
0x108: {  	(v2sf) =	vpush v63, $0x3;
	[tilespmem:s13], [sflag:$0x2] =	stream.strided.gather [hbm4b:s5+s16], $0x0, s15, s16, $0x38;
	[tilespmem:$0xC800] =	vst v63  }
0x109: {  	s6 =	sand.u32 $0x1FFFFFF0, s14;
	s8 =	spop (v2sf)  }
0x10a: {  	(v2sf) =	vpush v2, $0x4;
	[tilespmem:s13], [sflag:$0x2] =	stream.linear.gather [hbm4b:s5+s2], $0x20, $0x38;
	[tilespmem:$0xC800] =	vst v63  }
0x10b: {  	s9 =	sadd.s32 $0x8600, s31;
	s6 =	sadd.s32 s4, s6;
	s10 =	spop (v2sf)  }
0x10c: {  	(v2sf) =	vpush v62, $0x4;
	[tilespmem:s9], [sflag:$0x3] =	stream.strided.gather [hbm4b:s6+s16], $0x0, s15, s16, $0x38;
	[tilespmem:$0xC800] =	vst v63  }
0x10d: {  	s7 =	sand.u32 $0x1FFFFFF0, s7;
	s18 =	spop (v2sf)  }
0x10e: {  	(v2sf) =	vpush v63, $0x4;
	[tilespmem:s9], [sflag:$0x3] =	stream.linear.gather [hbm4b:s6+s2], $0x20, $0x38;
	[tilespmem:$0xC800] =	vst v63  }
0x10f: {  	s1 =	sadd.s32 $0x620, s31;
	s20 =	sadd.s32 s3, s7;
	s19 =	spop (v2sf)  }
0x110: {  	(v2sf) =	vpush v2, $0x5;
	[tilespmem:s1], [sflag:$0x1] =	stream.strided.gather [hbm4b:s20+s16], $0x0, s15, s16, $0x38;
	[tilespmem:$0xC800] =	vst v63  }
0x111: {  	s22 =	sadd.s32 $0x4620, s31;
	s17 =	sand.u32 $0x1FFFFFF0, s10;
	s21 =	spop (v2sf)  }
0x112: {  	(v2sf) =	vpush v62, $0x5;
	[tilespmem:s1], [sflag:$0x1] =	stream.linear.gather [hbm4b:s20+s2], $0x20, $0x38;
	[tilespmem:$0xC800] =	vst v63  }
0x113: {  	s25 =	sadd.s32 $0x8620, s31;
	s0 =	sadd.s32 s4, s17;
	s23 =	spop (v2sf)  }
0x114: {  	[tilespmem:s22], [sflag:$0x2] =	stream.strided.gather [hbm4b:s0+s16], $0x0, s15, s16, $0x38;
	[tilespmem:$0xC800] =	vst v63  }
0x115: {  	s5 =	sand.u32 $0x1FFFFFF0, s8;
	s8 =	sand.u32 $0x1FFFFFF0, s18;
	s24 =	spop (v2sf)  }
0x116: {  	(v2sf) =	vpush v63, $0x5;
	[tilespmem:s22], [sflag:$0x2] =	stream.linear.gather [hbm4b:s0+s2], $0x20, $0x38;
	[tilespmem:$0xC800] =	vst v63  }
0x117: {  	s17 =	sadd.s32 $0x640, s31;
	s13 =	sadd.s32 s4, s8;
	s10 =	spop (v2sf)  }
0x118: {  	(v2sf) =	vpush v2, $0x6;
	[tilespmem:s25], [sflag:$0x3] =	stream.strided.gather [hbm4b:s13+s16], $0x0, s15, s16, $0x38;
	[tilespmem:$0xC800] =	vst v63  }
0x119: {  	s11 =	sand.u32 $0x1FFFFFF0, s19;
	s12 =	sand.u32 $0x1FFFFFF0, s21;
	s18 =	spop (v2sf)  }
0x11a: {  	(v2sf) =	vpush v62, $0x6;
	[tilespmem:s25], [sflag:$0x3] =	stream.linear.gather [hbm4b:s13+s2], $0x20, $0x38;
	[tilespmem:$0xC800] =	vst v63  }
0x11b: {  	s14 =	sand.u32 $0x1FFFFFF0, s23;
	s20 =	sadd.s32 s3, s5;
	s19 =	spop (v2sf)  }
0x11c: {  	(v2sf) =	vpush v63, $0x6;
	[tilespmem:s17], [sflag:$0x1] =	stream.strided.gather [hbm4b:s20+s16], $0x0, s15, s16, $0x38;
	[tilespmem:$0xC800] =	vst v63  }
0x11d: {  	s23 =	sadd.s32 s4, s11;
	s6 =	sand.u32 $0x1FFFFFF0, s10;
	s21 =	spop (v2sf)  }
0x11e: {  	(v2sf) =	vpush v2, $0x7;
	[tilespmem:s17], [sflag:$0x1] =	stream.linear.gather [hbm4b:s20+s2], $0x20, $0x38;
	[tilespmem:$0xC800] =	vst v63  }
0x11f: {  	s10 =	sand.u32 $0x1FFFFFF0, s18;
	s18 =	sadd.s32 $0x4640, s31;
	s22 =	spop (v2sf)  }
0x120: {  	[tilespmem:s18], [sflag:$0x2] =	stream.strided.gather [hbm4b:s23+s16], $0x0, s15, s16, $0x38;
	[tilespmem:$0xC800] =	vst v63  }
0x121: {  	s1 =	sand.u32 $0x1FFFFFF0, s24;
	s24 =	spop (v2sf)  }
0x122: {  	(v2sf) =	vpush v62, $0x7;
	[tilespmem:s18], [sflag:$0x2] =	stream.linear.gather [hbm4b:s23+s2], $0x20, $0x38;
	[tilespmem:$0xC800] =	vst v63  }
0x123: {  	s12 =	sadd.s32 s4, s12;
	s25 =	sadd.s32 $0x8640, s31  }
0x124: {  	[tilespmem:s25], [sflag:$0x3] =	stream.strided.gather [hbm4b:s12+s16], $0x0, s15, s16, $0x38;
	[tilespmem:$0xC800] =	vst v63  }
0x125: {  	s14 =	sadd.s32 s3, s14;
	s7 =	sand.u32 $0x1FFFFFF0, s19;
	s13 =	spop (v2sf)  }
0x126: {  	(v2sf) =	vpush v63, $0x7;
	[tilespmem:s25], [sflag:$0x3] =	stream.linear.gather [hbm4b:s12+s2], $0x20, $0x38;
	[tilespmem:$0xC800] =	vst v63  }
0x127: {  	s9 =	sand.u32 $0x1FFFFFF0, s21;
	s20 =	sadd.s32 $0x660, s31;
	s19 =	spop (v2sf)  }
0x128: {  	(v2sf) =	vpush v2, $0x8;
	[tilespmem:s20], [sflag:$0x1] =	stream.strided.gather [hbm4b:s14+s16], $0x0, s15, s16, $0x38;
	[tilespmem:$0xC800] =	vst v63  }
0x129: {  	s11 =	sand.u32 $0x1FFFFFF0, s22;
	s0 =	sand.u32 $0x1FFFFFF0, s19;
	s22 =	spop (v2sf)  }
0x12a: {  	[tilespmem:s20], [sflag:$0x1] =	stream.linear.gather [hbm4b:s14+s2], $0x20, $0x38;
	[tilespmem:$0xC800] =	vst v63  }
0x12b: {  	s23 =	sadd.s32 $0x4660, s31;
	s19 =	sadd.s32 s4, s1;
	s21 =	spop (v2sf)  }
0x12c: {  	(v2sf) =	vpush v62, $0x8;
	[tilespmem:s23], [sflag:$0x2] =	stream.strided.gather [hbm4b:s19+s16], $0x0, s15, s16, $0x38;
	[tilespmem:$0xC800] =	vst v63  }
0x12d: {  	s8 =	sand.u32 $0x1FFFFFF0, s24;
	s24 =	spop (v2sf)  }
0x12e: {  	(v2sf) =	vpush v63, $0x8;
	[tilespmem:s23], [sflag:$0x2] =	stream.linear.gather [hbm4b:s19+s2], $0x20, $0x38;
	[tilespmem:$0xC800] =	vst v63  }
0x12f: {  	s5 =	sand.u32 $0x1FFFFFF0, s13;
	s13 =	sadd.s32 s4, s6;
	s25 =	sadd.s32 $0x8660, s31  }
0x130: {  	[tilespmem:s25], [sflag:$0x3] =	stream.strided.gather [hbm4b:s13+s16], $0x0, s15, s16, $0x38;
	[tilespmem:$0xC800] =	vst v63  }
0x131: {  	s19 =	spop (v2sf)  }
0x132: {  	(v2sf) =	vpush v2, $0x9;
	[tilespmem:s25], [sflag:$0x3] =	stream.linear.gather [hbm4b:s13+s2], $0x20, $0x38;
	[tilespmem:$0xC800] =	vst v63  }
0x133: {  	s20 =	sadd.s32 $0x680, s31;
	s23 =	sadd.s32 s3, s10  }
0x134: {  	[tilespmem:s20], [sflag:$0x1] =	stream.strided.gather [hbm4b:s23+s16], $0x0, s15, s16, $0x38;
	[tilespmem:$0xC800] =	vst v63  }
0x135: {  	s1 =	sand.u32 $0x1FFFFFF0, s22;
	s6 =	sand.u32 $0x1FFFFFF0, s24;
	s24 =	spop (v2sf)  }
0x136: {  	[tilespmem:s20], [sflag:$0x1] =	stream.linear.gather [hbm4b:s23+s2], $0x20, $0x38;
	[tilespmem:$0xC800] =	vst v63  }
0x137: {  	s22 =	sadd.s32 s4, s7;
	s25 =	spop (v2sf);
	s13 =	sadd.s32 $0x4680, s31  }
0x138: {  	(v2sf) =	vpush v62, $0x9;
	[tilespmem:s13], [sflag:$0x2] =	stream.strided.gather [hbm4b:s22+s16], $0x0, s15, s16, $0x38;
	[tilespmem:$0xC800] =	vst v63  }
0x139: {  	s12 =	sand.u32 $0x1FFFFFF0, s19  }
0x13a: {  	(v2sf) =	vpush v63, $0x9;
	[tilespmem:s13], [sflag:$0x2] =	stream.linear.gather [hbm4b:s22+s2], $0x20, $0x38;
	[tilespmem:$0xC800] =	vst v63  }
0x13b: {  	s19 =	spop (v2sf);
	s20 =	sadd.s32 $0x8680, s31;
	s23 =	sadd.s32 s4, s9  }
0x13c: {  	(v2sf) =	vpush v2, $0xA;
	[tilespmem:s20], [sflag:$0x3] =	stream.strided.gather [hbm4b:s23+s16], $0x0, s15, s16, $0x38;
	[tilespmem:$0xC800] =	vst v63  }
0x13d: {  	s10 =	sand.u32 $0x1FFFFFF0, s24;
	s24 =	spop (v2sf)  }
0x13e: {  	(v2sf) =	vpush v62, $0xA;
	[tilespmem:s20], [sflag:$0x3] =	stream.linear.gather [hbm4b:s23+s2], $0x20, $0x38;
	[tilespmem:$0xC800] =	vst v63  }
0x13f: {  	s7 =	sand.u32 $0x1FFFFFF0, s25;
	s25 =	sadd.s32 $0x6A0, s31;
	s13 =	sadd.s32 s3, s11  }
0x140: {  	(v2sf) =	vpush v63, $0xA;
	[tilespmem:s25], [sflag:$0x1] =	stream.strided.gather [hbm4b:s13+s16], $0x0, s15, s16, $0x38;
	[tilespmem:$0xC800] =	vst v63  }
0x141: {  	s18 =	spop (v2sf)  }
0x142: {  	(v2sf) =	vpush v2, $0xB;
	[tilespmem:s25], [sflag:$0x1] =	stream.linear.gather [hbm4b:s13+s2], $0x20, $0x38;
	[tilespmem:$0xC800] =	vst v63  }
0x143: {  	s9 =	sand.u32 $0x1FFFFFF0, s19;
	s19 =	sadd.s32 $0x46A0, s31;
	s20 =	sadd.s32 s4, s8  }
0x144: {  	[tilespmem:s19], [sflag:$0x2] =	stream.strided.gather [hbm4b:s20+s16], $0x0, s15, s16, $0x38;
	[tilespmem:$0xC800] =	vst v63  }
0x145: {  	s14 =	sand.u32 $0x1FFFFFF0, s21  }
0x146: {  	[tilespmem:s19], [sflag:$0x2] =	stream.linear.gather [hbm4b:s20+s2], $0x20, $0x38;
	[tilespmem:$0xC800] =	vst v63  }
0x147: {  	s22 =	sadd.s32 $0x86A0, s31;
	s21 =	spop (v2sf);
	s25 =	sadd.s32 s4, s5  }
0x148: {  	(v2sf) =	vpush v62, $0xB;
	[tilespmem:s22], [sflag:$0x3] =	stream.strided.gather [hbm4b:s25+s16], $0x0, s15, s16, $0x38;
	[tilespmem:$0xC800] =	vst v63  }
0x149: {  	s8 =	sand.u32 $0x1FFFFFF0, s18;
	s13 =	spop (v2sf)  }
0x14a: {  	(v2sf) =	vpush v63, $0xB;
	[tilespmem:s22], [sflag:$0x3] =	stream.linear.gather [hbm4b:s25+s2], $0x20, $0x38;
	[tilespmem:$0xC800] =	vst v63  }
0x14b: {  	s23 =	sadd.s32 s3, s0;
	s19 =	spop (v2sf);
	s20 =	sadd.s32 $0x6C0, s31  }
0x14c: {  	(v2sf) =	vpush v2, $0xC;
	[tilespmem:s20], [sflag:$0x1] =	stream.strided.gather [hbm4b:s23+s16], $0x0, s15, s16, $0x38;
	[tilespmem:$0xC800] =	vst v63  }
0x14d: {  	s18 =	sand.u32 $0x1FFFFFF0, s21;
	s21 =	sadd.s32 $0x46C0, s31;
	s0 =	spop (v2sf)  }
0x14e: {  	[tilespmem:s20], [sflag:$0x1] =	stream.linear.gather [hbm4b:s23+s2], $0x20, $0x38;
	[tilespmem:$0xC800] =	vst v63  }
0x14f: {  	s5 =	sand.u32 $0x1FFFFFF0, s13;
	s13 =	spop (v2sf);
	s25 =	sadd.s32 s4, s1  }
0x150: {  	(v2sf) =	vpush v62, $0xC;
	[tilespmem:s21], [sflag:$0x2] =	stream.strided.gather [hbm4b:s25+s16], $0x0, s15, s16, $0x38;
	[tilespmem:$0xC800] =	vst v63  }
0x151: {  	s20 =	spop (v2sf)  }
0x152: {  	(v2sf) =	vpush v63, $0xC;
	[tilespmem:s21], [sflag:$0x2] =	stream.linear.gather [hbm4b:s25+s2], $0x20, $0x38;
	[tilespmem:$0xC800] =	vst v63  }
0x153: {  	s22 =	sadd.s32 $0x86C0, s31;
	s23 =	sadd.s32 s4, s14  }
0x154: {  	[tilespmem:s22], [sflag:$0x3] =	stream.strided.gather [hbm4b:s23+s16], $0x0, s15, s16, $0x38;
	[tilespmem:$0xC800] =	vst v63  }
0x155: {  	s11 =	sand.u32 $0x1FFFFFF0, s24;
	s24 =	sand.u32 $0x1FFFFFF0, s19;
	s19 =	sadd.s32 $0x6E0, s31  }
0x156: {  	[tilespmem:s22], [sflag:$0x3] =	stream.linear.gather [hbm4b:s23+s2], $0x20, $0x38;
	[tilespmem:$0xC800] =	vst v63  }
0x157: {  	s14 =	sand.u32 $0x1FFFFFF0, s20;
	s20 =	sadd.s32 s3, s6;
	s25 =	spop (v2sf)  }
0x158: {  	(v2sf) =	vpush v2, $0xD;
	[tilespmem:s19], [sflag:$0x1] =	stream.strided.gather [hbm4b:s20+s16], $0x0, s15, s16, $0x38;
	[tilespmem:$0xC800] =	vst v63  }
0x159: {  	s12 =	sadd.s32 s4, s12;
	s1 =	sand.u32 $0x1FFFFFF0, s13;
	s13 =	spop (v2sf)  }
0x15a: {  	[tilespmem:s19], [sflag:$0x1] =	stream.linear.gather [hbm4b:s20+s2], $0x20, $0x38;
	[tilespmem:$0xC800] =	vst v63  }
0x15b: {  	s6 =	sand.u32 $0x1FFFFFF0, s25;
	s25 =	sadd.s32 $0x46E0, s31;
	s22 =	spop (v2sf)  }
0x15c: {  	(v2sf) =	vpush v62, $0xD;
	[tilespmem:s25], [sflag:$0x2] =	stream.strided.gather [hbm4b:s12+s16], $0x0, s15, s16, $0x38;
	[tilespmem:$0xC800] =	vst v63  }
0x15d: {  	s10 =	sadd.s32 s4, s10  }
0x15e: {  	(v2sf) =	vpush v63, $0xD;
	[tilespmem:s25], [sflag:$0x2] =	stream.linear.gather [hbm4b:s12+s2], $0x20, $0x38;
	[tilespmem:$0xC800] =	vst v63  }
0x15f: {  	s21 =	sand.u32 $0x1FFFFFF0, s13;
	s13 =	sadd.s32 $0x86E0, s31;
	s23 =	spop (v2sf)  }
0x160: {  	(v2sf) =	vpush v2, $0xE;
	[tilespmem:s13], [sflag:$0x3] =	stream.strided.gather [hbm4b:s10+s16], $0x0, s15, s16, $0x38;
	[tilespmem:$0xC800] =	vst v63  }
0x161: {  	s17 =	spop (v2sf)  }
0x162: {  	(v2sf) =	vpush v62, $0xE;
	[tilespmem:s13], [sflag:$0x3] =	stream.linear.gather [hbm4b:s10+s2], $0x20, $0x38;
	[tilespmem:$0xC800] =	vst v63  }
0x163: {  	s20 =	sadd.s32 $0x700, s31;
	s25 =	sadd.s32 s3, s7  }
0x164: {  	(v2sf) =	vpush v63, $0xE;
	[tilespmem:s20], [sflag:$0x1] =	stream.strided.gather [hbm4b:s25+s16], $0x0, s15, s16, $0x38;
	[tilespmem:$0xC800] =	vst v63  }
0x165: {  	_ = 	snop  }
0x166: {  	[tilespmem:s20], [sflag:$0x1] =	stream.linear.gather [hbm4b:s25+s2], $0x20, $0x38;
	[tilespmem:$0xC800] =	vst v63  }
0x167: {  	s9 =	sadd.s32 s4, s9;
	s12 =	sadd.s32 $0x4700, s31;
	s13 =	spop (v2sf)  }
0x168: {  	(v2sf) =	vpush v2, $0xF;
	[tilespmem:s12], [sflag:$0x2] =	stream.strided.gather [hbm4b:s9+s16], $0x0, s15, s16, $0x38;
	[tilespmem:$0xC800] =	vst v63  }
0x169: {  	s8 =	sadd.s32 s3, s8  }
0x16a: {  	[tilespmem:s12], [sflag:$0x2] =	stream.linear.gather [hbm4b:s9+s2], $0x20, $0x38;
	[tilespmem:$0xC800] =	vst v63  }
0x16b: {  	s19 =	spop (v2sf);
	s20 =	sadd.s32 $0x8700, s31;
	s25 =	sadd.s32 s4, s11  }
0x16c: {  	(v2sf) =	vpush v62, $0xF;
	[tilespmem:s20], [sflag:$0x3] =	stream.strided.gather [hbm4b:s25+s16], $0x0, s15, s16, $0x38;
	[tilespmem:$0xC800] =	vst v63  }
0x16d: {  	s7 =	sand.u32 $0x1FFFFFF0, s17;
	s10 =	sand.u32 $0x1FFFFFF0, s13;
	s13 =	spop (v2sf)  }
0x16e: {  	(v2sf) =	vpush v63, $0xF;
	[tilespmem:s20], [sflag:$0x3] =	stream.linear.gather [hbm4b:s25+s2], $0x20, $0x38;
	[tilespmem:$0xC800] =	vst v63  }
0x16f: {  	s17 =	sand.u32 $0x1FFFFFF0, s13;
	s13 =	sadd.s32 $0x720, s31;
	s12 =	spop (v2sf)  }
0x170: {  	[tilespmem:s13], [sflag:$0x1] =	stream.strided.gather [hbm4b:s8+s16], $0x0, s15, s16, $0x38;
	[tilespmem:$0xC800] =	vst v63  }
0x171: {  	s11 =	sand.u32 $0x1FFFFFF0, s12;
	s12 =	spop (v2sf)  }
0x172: {  	[tilespmem:s13], [sflag:$0x1] =	stream.linear.gather [hbm4b:s8+s2], $0x20, $0x38;
	[tilespmem:$0xC800] =	vst v63  }
0x173: {  	s18 =	sadd.s32 s4, s18;
	s20 =	sadd.s32 $0x4720, s31;
	s25 =	spop (v2sf)  }
0x174: {  	[tilespmem:s20], [sflag:$0x2] =	stream.strided.gather [hbm4b:s18+s16], $0x0, s15, s16, $0x38;
	[tilespmem:$0xC800] =	vst v63  }
0x175: {  	s9 =	sand.u32 $0x1FFFFFF0, s25  }
0x176: {  	[tilespmem:s20], [sflag:$0x2] =	stream.linear.gather [hbm4b:s18+s2], $0x20, $0x38;
	[tilespmem:$0xC800] =	vst v63  }
0x177: {  	s25 =	sadd.s32 s4, s5;
	s8 =	spop (v2sf);
	s13 =	sadd.s32 $0x8720, s31  }
0x178: {  	[tilespmem:s13], [sflag:$0x3] =	stream.strided.gather [hbm4b:s25+s16], $0x0, s15, s16, $0x38;
	[tilespmem:$0xC800] =	vst v63  }
0x179: {  	s5 =	sand.u32 $0x1FFFFFF0, s8  }
0x17a: {  	[tilespmem:s13], [sflag:$0x3] =	stream.linear.gather [hbm4b:s25+s2], $0x20, $0x38;
	[tilespmem:$0xC800] =	vst v63  }
0x17b: {  	s8 =	spop (v2sf);
	s18 =	sadd.s32 $0x740, s31;
	s20 =	sadd.s32 s3, s24  }
0x17c: {  	[tilespmem:s18], [sflag:$0x1] =	stream.strided.gather [hbm4b:s20+s16], $0x0, s15, s16, $0x38;
	[tilespmem:$0xC800] =	vst v63  }
0x17d: {  	s0 =	sand.u32 $0x1FFFFFF0, s0;
	s24 =	spop (v2sf)  }
0x17e: {  	[tilespmem:s18], [sflag:$0x1] =	stream.linear.gather [hbm4b:s20+s2], $0x20, $0x38;
	[tilespmem:$0xC800] =	vst v63  }
0x17f: {  	s13 =	sand.u32 $0x1FFFFFF0, s24;
	s24 =	sadd.s32 $0x4740, s31;
	s25 =	sadd.s32 s4, s0  }
0x180: {  	[tilespmem:s24], [sflag:$0x2] =	stream.strided.gather [hbm4b:s25+s16], $0x0, s15, s16, $0x38;
	[tilespmem:$0xC800] =	vst v63  }
0x181: {  	_ = 	snop  }
0x182: {  	[tilespmem:s24], [sflag:$0x2] =	stream.linear.gather [hbm4b:s25+s2], $0x20, $0x38;
	[tilespmem:$0xC800] =	vst v63  }
0x183: {  	s1 =	sadd.s32 s4, s1;
	s20 =	sadd.s32 $0x8740, s31  }
0x184: {  	[tilespmem:s20], [sflag:$0x3] =	stream.strided.gather [hbm4b:s1+s16], $0x0, s15, s16, $0x38;
	[tilespmem:$0xC800] =	vst v63  }
0x185: {  	_ = 	snop  }
0x186: {  	[tilespmem:s20], [sflag:$0x3] =	stream.linear.gather [hbm4b:s1+s2], $0x20, $0x38;
	[tilespmem:$0xC800] =	vst v63  }
0x187: {  	s14 =	sadd.s32 s3, s14;
	s25 =	sadd.s32 $0x760, s31  }
0x188: {  	[tilespmem:s25], [sflag:$0x1] =	stream.strided.gather [hbm4b:s14+s16], $0x0, s15, s16, $0x38;
	[tilespmem:$0xC800] =	vst v63  }
0x189: {  	_ = 	snop  }
0x18a: {  	[tilespmem:s25], [sflag:$0x1] =	stream.linear.gather [hbm4b:s14+s2], $0x20, $0x38;
	[tilespmem:$0xC800] =	vst v63  }
0x18b: {  	s6 =	sadd.s32 s4, s6;
	s0 =	sadd.s32 s4, s13;
	s13 =	sadd.s32 $0x4760, s31  }
0x18c: {  	[tilespmem:s13], [sflag:$0x2] =	stream.strided.gather [hbm4b:s6+s16], $0x0, s15, s16, $0x38;
	[tilespmem:$0xC800] =	vst v63  }
0x18d: {  	_ = 	snop  }
0x18e: {  	[tilespmem:s13], [sflag:$0x2] =	stream.linear.gather [hbm4b:s6+s2], $0x20, $0x38;
	[tilespmem:$0xC800] =	vst v63  }
0x18f: {  	s21 =	sadd.s32 s4, s21;
	s20 =	sadd.s32 $0x8760, s31  }
0x190: {  	[tilespmem:s20], [sflag:$0x3] =	stream.strided.gather [hbm4b:s21+s16], $0x0, s15, s16, $0x38;
	[tilespmem:$0xC800] =	vst v63  }
0x191: {  	s22 =	sand.u32 $0x1FFFFFF0, s22  }
0x192: {  	[tilespmem:s20], [sflag:$0x3] =	stream.linear.gather [hbm4b:s21+s2], $0x20, $0x38;
	[tilespmem:$0xC800] =	vst v63  }
0x193: {  	s24 =	sadd.s32 $0x780, s31;
	s25 =	sadd.s32 s3, s22  }
0x194: {  	[tilespmem:s24], [sflag:$0x1] =	stream.strided.gather [hbm4b:s25+s16], $0x0, s15, s16, $0x38;
	[tilespmem:$0xC800] =	vst v63  }
0x195: {  	s23 =	sand.u32 $0x1FFFFFF0, s23  }
0x196: {  	[tilespmem:s24], [sflag:$0x1] =	stream.linear.gather [hbm4b:s25+s2], $0x20, $0x38;
	[tilespmem:$0xC800] =	vst v63  }
0x197: {  	s18 =	sadd.s32 $0x4780, s31;
	s20 =	sadd.s32 s4, s23  }
0x198: {  	[tilespmem:s18], [sflag:$0x2] =	stream.strided.gather [hbm4b:s20+s16], $0x0, s15, s16, $0x38;
	[tilespmem:$0xC800] =	vst v63  }
0x199: {  	_ = 	snop  }
0x19a: {  	[tilespmem:s18], [sflag:$0x2] =	stream.linear.gather [hbm4b:s20+s2], $0x20, $0x38;
	[tilespmem:$0xC800] =	vst v63  }
0x19b: {  	s22 =	sadd.s32 s4, s7;
	s21 =	sadd.s32 $0x8780, s31  }
0x19c: {  	[tilespmem:s21], [sflag:$0x3] =	stream.strided.gather [hbm4b:s22+s16], $0x0, s15, s16, $0x38;
	[tilespmem:$0xC800] =	vst v63  }
0x19d: {  	_ = 	snop  }
0x19e: {  	[tilespmem:s21], [sflag:$0x3] =	stream.linear.gather [hbm4b:s22+s2], $0x20, $0x38;
	[tilespmem:$0xC800] =	vst v63  }
0x19f: {  	s10 =	sadd.s32 s3, s10;
	s23 =	sadd.s32 $0x7A0, s31  }
0x1a0: {  	[tilespmem:s23], [sflag:$0x1] =	stream.strided.gather [hbm4b:s10+s16], $0x0, s15, s16, $0x38;
	[tilespmem:$0xC800] =	vst v63  }
0x1a1: {  	s19 =	sand.u32 $0x1FFFFFF0, s19  }
0x1a2: {  	[tilespmem:s23], [sflag:$0x1] =	stream.linear.gather [hbm4b:s10+s2], $0x20, $0x38;
	[tilespmem:$0xC800] =	vst v63  }
0x1a3: {  	s24 =	sadd.s32 $0x47A0, s31;
	s25 =	sadd.s32 s4, s19  }
0x1a4: {  	[tilespmem:s24], [sflag:$0x2] =	stream.strided.gather [hbm4b:s25+s16], $0x0, s15, s16, $0x38;
	[tilespmem:$0xC800] =	vst v63  }
0x1a5: {  	_ = 	snop  }
0x1a6: {  	[tilespmem:s24], [sflag:$0x2] =	stream.linear.gather [hbm4b:s25+s2], $0x20, $0x38;
	[tilespmem:$0xC800] =	vst v63  }
0x1a7: {  	s14 =	sadd.s32 s4, s17;
	s13 =	sadd.s32 $0x87A0, s31  }
0x1a8: {  	[tilespmem:s13], [sflag:$0x3] =	stream.strided.gather [hbm4b:s14+s16], $0x0, s15, s16, $0x38;
	[tilespmem:$0xC800] =	vst v63  }
0x1a9: {  	_ = 	snop  }
0x1aa: {  	[tilespmem:s13], [sflag:$0x3] =	stream.linear.gather [hbm4b:s14+s2], $0x20, $0x38;
	[tilespmem:$0xC800] =	vst v63  }
0x1ab: {  	s17 =	sadd.s32 $0x7C0, s31;
	s18 =	sadd.s32 s3, s11  }
0x1ac: {  	[tilespmem:s17], [sflag:$0x1] =	stream.strided.gather [hbm4b:s18+s16], $0x0, s15, s16, $0x38;
	[tilespmem:$0xC800] =	vst v63  }
0x1ad: {  	s19 =	sand.u32 $0x1FFFFFF0, s12  }
0x1ae: {  	[tilespmem:s17], [sflag:$0x1] =	stream.linear.gather [hbm4b:s18+s2], $0x20, $0x38;
	[tilespmem:$0xC800] =	vst v63  }
0x1af: {  	s7 =	sadd.s32 s4, s19;
	s20 =	sadd.s32 $0x47C0, s31  }
0x1b0: {  	[tilespmem:s20], [sflag:$0x2] =	stream.strided.gather [hbm4b:s7+s16], $0x0, s15, s16, $0x38;
	[tilespmem:$0xC800] =	vst v63  }
0x1b1: {  	_ = 	snop  }
0x1b2: {  	[tilespmem:s20], [sflag:$0x2] =	stream.linear.gather [hbm4b:s7+s2], $0x20, $0x38;
	[tilespmem:$0xC800] =	vst v63  }
0x1b3: {  	s21 =	sadd.s32 $0x87C0, s31;
	s22 =	sadd.s32 s4, s9  }
0x1b4: {  	[tilespmem:s21], [sflag:$0x3] =	stream.strided.gather [hbm4b:s22+s16], $0x0, s15, s16, $0x38;
	[tilespmem:$0xC800] =	vst v63  }
0x1b5: {  	_ = 	snop  }
0x1b6: {  	[tilespmem:s21], [sflag:$0x3] =	stream.linear.gather [hbm4b:s22+s2], $0x20, $0x38;
	[tilespmem:$0xC800] =	vst v63  }
0x1b7: {  	p0 =	sne.s32 s26, $0xF800;
	s23 =	sadd.s32 $0x7E0, s31;
	s24 =	sadd.s32 s3, s5  }
0x1b8: {  	[tilespmem:s23], [sflag:$0x1] =	stream.strided.gather [hbm4b:s24+s16], $0x0, s15, s16, $0x38;
	[tilespmem:$0xC800] =	vst v63  }
.Ltmp0:
0x1b9: {  	s26 =	sadd.s32 $0x800, s26;
	(pc) =	sbr.rel @p0 .LBB2_2-.Ltmp0, $4  }
0x1ba: {  	s28 =	sadd.s32 $0x10, s28;
	s29 =	sadd.s32 $0x40, s29;
	s25 =	sand.u32 $0x1FFFFFF0, s8  }
0x1bb: {  	[tilespmem:s23], [sflag:$0x1] =	stream.linear.gather [hbm4b:s24+s2], $0x20, $0x38;
	[tilespmem:$0xC800] =	vst v63  }
0x1bc: {  	s30 =	sadd.s32 $0x87E0, s31;
	s1 =	sadd.s32 $0x47E0, s31;
	s5 =	sadd.s32 s4, s25  }
0x1bd: {  	[tilespmem:s1], [sflag:$0x2] =	stream.strided.gather [hbm4b:s5+s16], $0x0, s15, s16, $0x38;
	[tilespmem:$0xC800] =	vst v63  }
0x1be: {  	[tilespmem:s1], [sflag:$0x2] =	stream.linear.gather [hbm4b:s5+s2], $0x20, $0x38;
	[tilespmem:$0xC800] =	vst v63  }
0x1bf: {  	_ = 	snop  }
0x1c0: {  	[tilespmem:s30], [sflag:$0x3] =	stream.strided.gather [hbm4b:s0+s16], $0x0, s15, s16, $0x38;
	[tilespmem:$0xC800] =	vst v63  }
0x1c1: {  	s17 =	simm.s32 $0x1  }
0x1c2: {  	[tilespmem:s30], [sflag:$0x3] =	stream.linear.gather [hbm4b:s0+s2], $0x20, $0x38;
	[tilespmem:$0xC800] =	vst v63  }
0x1c3: {  	_ =	swait.ge [sflag:s17], $0x4000  }
0x1c4: {  	[sflag:s17] =	ssyncset.done $0x0  }
0x1c5: {  	s18 =	simm.s32 $0x2;
	[sflag:s17] =	ssyncadd.s32 $0xFFFFC000  }
0x1c6: {  	_ =	swait.ge [sflag:s18], $0x4000  }
0x1c7: {  	[sflag:s18] =	ssyncset.done $0x0  }
0x1c8: {  	s19 =	simm.s32 $0x3;
	[sflag:s18] =	ssyncadd.s32 $0xFFFFC000  }
0x1c9: {  	_ =	swait.ge [sflag:s19], $0x4000  }
0x1ca: {  	[sflag:s19] =	ssyncset.done $0x0  }
0x1cb: {  	s20 =	simm.s32 $0x4;
	[sflag:s19] =	ssyncadd.s32 $0xFFFFC000  }
0x1cc: {  	_ =	swait.ge [sflag:s20], $0x200  }
0x1cd: {  	s22 =	simm.s32 $0x600;
	[sflag:s20] =	ssyncset.done $0x0  }
0x1ce: {  	s1 =	simm.s32 $0x5;
	s21 =	rddreg [dreg:$0xa];
	[sflag:s20] =	ssyncadd.s32 $0xFFFFFE00  }
0x1cf: {  	[hbm4b:s21+s2] =	stream.linear.scatter [tilespmem:s22], [sflag:$0x5], $0x4000, $0x38;
	[tilespmem:$0xC800] =	vst v63  }
0x1d0: {  	_ =	swait.ge [sflag:s1], $0x4000  }
0x1d1: {  	[sflag:s1] =	ssyncset.done $0x0  }
0x1d2: {  	s24 =	simm.s32 $0x4600;
	s23 =	rddreg [dreg:$0xb];
	[sflag:s1] =	ssyncadd.s32 $0xFFFFC000  }
0x1d3: {  	[hbm4b:s23+s2] =	stream.linear.scatter [tilespmem:s24], [sflag:$0x5], $0x4000, $0x38;
	[tilespmem:$0xC800] =	vst v63  }
0x1d4: {  	_ =	swait.ge [sflag:s1], $0x4000  }
0x1d5: {  	[sflag:s1] =	ssyncset.done $0x0  }
0x1d6: {  	s26 =	simm.s32 $0x8600;
	s25 =	rddreg [dreg:$0xc];
	[sflag:s1] =	ssyncadd.s32 $0xFFFFC000  }
0x1d7: {  	[hbm4b:s25+s2] =	stream.linear.scatter [tilespmem:s26], [sflag:$0x5], $0x4000, $0x38;
	[tilespmem:$0xC800] =	vst v63  }
0x1d8: {  	_ =	swait.ge [sflag:s1], $0x4000  }
0x1d9: {  	[sflag:s1] =	ssyncset.done $0x0  }
0x1da: {  	s29 =	simm.s32 $0xC600;
	s28 =	rddreg [dreg:$0xd];
	[sflag:s1] =	ssyncadd.s32 $0xFFFFC000  }
0x1db: {  	[hbm4b:s28+s2] =	stream.linear.scatter [tilespmem:s29], [sflag:$0x5], $0x200, $0x38;
	[tilespmem:$0xC800] =	vst v63  }
0x1dc: {  	_ =	swait.ge [sflag:s1], $0x200  }
0x1dd: {  	s30 =	rddreg [dreg:$0xf]  }
0x1de: {  	s31 =	rddreg [dreg:$0xe];
	s5 =	sadd.s32 $0x1, s30  }
0x1df: {  	p0 =	sne.s32 s5, s31  }
.Ltmp1:
0x1e0: {  	_ = 	snop;
	(pc) =	sbr.rel @p0 .LBB2_1-.Ltmp1, $3  }
0x1e1: {  	_ =	sdelay $0x1  }
0x1e2: {  	[sflag:s1] =	ssyncset.done $0x0  }
0x1e3: {  	[sflag:s1] =	ssyncadd.s32 $0xFFFFFE00  }
0x1e4: {  	_ =	sfence.sel $0x180000  }
0x1e5: {  	[bflag:$0x0] =	sbarrier.arrive $0xFFFF  }
0x1e6: {  	_ =	strace $0x90000047  }
0x1e7: {  	s0 =	stileid.u32;
	[bflag:$0x2] =	sbarrier.arrive $0xFFFF  }
0x1e8: {  	p0 =	sne.s32 s0, $0x0;
	s0 =	rddreg [dreg:$0x5]  }
0x1e9: {  	s0 =	sadd.s32 @!p0 $0x100000, s0  }
0x1ea: {  	[sflag:s0] =	ssyncadd.tile.s32 @!p0 $0x1;
	_ =	shalt  }
.Lfunc_end2:
_tile_overlayer_lowered:
.L_overlay_start_2:
0x1eb: {  	(tag) =	ssettag $0x2  }
0x1ec: {  	s0 =	rddreg [dreg:$0x0];
	s2 =	stileid.u32  }
0x1ed: {  	s1 =	rddreg [dreg:$0x1];
	p0 =	sne.s32 s2, $0x0  }
0x1ee: {  	s3 =	rddreg [dreg:$0x2];
	[bflag:$0x3] =	sbarrier.arrive $0xFFFF;
	s2 =	simm.s32 @!p0 $0x1C05  }
0x1ef: {  	[timem:s3], [sflag:s2] =	dma.local @!p0 [hbm:s0], s1  }
0x1f0: {  	s0 =	simm.s32 @!p0 $0x5  }
0x1f1: {  	_ =	swait.ge @!p0 [sflag:s0], s1  }
0x1f2: {  	s1 =	ssub.s32 @!p0 $0x0, s1;
	[sflag:s0] =	ssyncset.done @!p0 $0x0  }
0x1f3: {  	[sflag:s0] =	ssyncadd.s32 @!p0 s1  }
0x1f4: {  	[bflag:$0x3] =	sbarrier.arrive $0xFFFF  }
0x1f5: {  	_ =	shalt  }

</sc_bundles>
